<compile_context>
chip_gen: v7x
topology: tpu7x:2x2x1
jax: 0.10.2.dev20260603
libtpu: 0.0.44.dev20260713+nightly
codegen_flags: <defaults>
</compile_context>

<pallas_src>
import functools

import jax
import jax.numpy as jnp
from jax import lax
from jax.experimental import pallas as pl
from jax.experimental.pallas import tpu as pltpu
from jax.experimental.pallas import tpu_sc as plsc

N = 10000
E = 320000
D = 128
H = 256
OUT = 128

EBLK = 2560

NC = 2
NS = 16
NW = NC * NS
L = 16

_SC_MESH = dict(core_axis_name="c", subcore_axis_name="s")


def _wid():
    return lax.axis_index("s") * NC + lax.axis_index("c")


EPW = E // NW
GCBS = 200


def _edge_gather_body(u_hbm, pw_hbm, src_hbm, dst_hbm, r_hbm,
                      sidx, didx, ubuf, pbuf, sem1, sem2):
    base = _wid() * EPW

    def chunk(i, carry):
        off = base + i * GCBS
        pltpu.sync_copy(src_hbm.at[pl.ds(off, GCBS)], sidx)
        pltpu.sync_copy(dst_hbm.at[pl.ds(off, GCBS)], didx)
        cu = pltpu.async_copy(u_hbm.at[sidx], ubuf, sem1)
        cp = pltpu.async_copy(pw_hbm.at[didx], pbuf, sem2)
        cu.wait()
        cp.wait()

        def row(r, c2):
            for c in range(H // L):
                s = pl.ds(c * L, L)
                ubuf[r, s] = jnp.maximum(ubuf[r, s] - pbuf[r, s], 0.0)
            return c2

        lax.fori_loop(0, GCBS, row, 0)
        pltpu.sync_copy(ubuf, r_hbm.at[pl.ds(off, GCBS)])
        return carry

    lax.fori_loop(0, EPW // GCBS, chunk, 0)


def _edge_gather(u, pw, src, dst):
    return pl.kernel(
        _edge_gather_body,
        out_type=jax.ShapeDtypeStruct((E, H), jnp.float32),
        mesh=plsc.VectorSubcoreMesh(**_SC_MESH),
        scratch_types=[
            pltpu.VMEM((GCBS,), jnp.int32),
            pltpu.VMEM((GCBS,), jnp.int32),
            pltpu.VMEM((GCBS, H), jnp.float32),
            pltpu.VMEM((GCBS, H), jnp.float32),
            pltpu.SemaphoreType.DMA,
            pltpu.SemaphoreType.DMA,
        ],
    )(u, pw, src, dst)


SCBS = 200


def _segsum_run(z_hbm, out_hbm, src_hbm, dst_hbm, acc_sh, sidx, didx, buf, sem):
    sid = lax.axis_index("s")
    ept = E // NS

    @pl.when(sid < 10)
    def _():
        pltpu.sync_copy(z_hbm.at[pl.ds(sid * 1000, 1000)],
                        acc_sh.at[pl.ds(sid * 1000, 1000)])

    plsc.subcore_barrier()

    def chunk(i, carry):
        off = sid * ept + i * SCBS
        pltpu.sync_copy(src_hbm.at[pl.ds(off, SCBS)], sidx)
        pltpu.sync_copy(dst_hbm.at[pl.ds(off, SCBS)], didx)
        pltpu.async_copy(z_hbm.at[sidx], buf, sem).wait()
        pltpu.async_copy(buf, acc_sh.at[didx], sem, add=True).wait()
        return carry

    lax.fori_loop(0, ept // SCBS, chunk, 0)
    plsc.subcore_barrier()

    @pl.when(sid < 10)
    def _():
        pltpu.sync_copy(acc_sh.at[pl.ds(sid * 1000, 1000)],
                        out_hbm.at[pl.ds(sid * 1000, 1000)])


def _segsum_body(zl_hbm, zr_hbm, src_hbm, dst_hbm, outl_hbm, outr_hbm,
                 acc_sh, sidx, didx, buf, sem):
    c = lax.axis_index("c")

    @pl.when(c == 0)
    def _():
        _segsum_run(zl_hbm, outl_hbm, src_hbm, dst_hbm, acc_sh, sidx, didx, buf, sem)

    @pl.when(c == 1)
    def _():
        _segsum_run(zr_hbm, outr_hbm, src_hbm, dst_hbm, acc_sh, sidx, didx, buf, sem)


def _segsum(zl, zr, src, dst, hc2):
    return pl.kernel(
        _segsum_body,
        out_type=(jax.ShapeDtypeStruct((N, hc2), jnp.float32),
                  jax.ShapeDtypeStruct((N, hc2), jnp.float32)),
        mesh=plsc.VectorSubcoreMesh(**_SC_MESH),
        scratch_types=[
            pltpu.VMEM_SHARED((N, hc2), jnp.float32),
            pltpu.VMEM((SCBS,), jnp.int32),
            pltpu.VMEM((SCBS,), jnp.int32),
            pltpu.VMEM((SCBS, hc2), jnp.float32),
            pltpu.SemaphoreType.DMA,
        ],
    )(zl, zr, src, dst)


def _segsum_es_body(z_hbm, src_hbm, dst_hbm, out_hbm, acc_sh, sidx, didx, buf, sem):
    c = lax.axis_index("c")
    sid = lax.axis_index("s")

    @pl.when(sid < 10)
    def _():
        pltpu.sync_copy(z_hbm.at[pl.ds(sid * 1000, 1000)],
                        acc_sh.at[pl.ds(sid * 1000, 1000)])

    plsc.subcore_barrier()

    def chunk(i, carry):
        off = (c * NS + sid) * EPW + i * SCBS
        pltpu.sync_copy(src_hbm.at[pl.ds(off, SCBS)], sidx)
        pltpu.sync_copy(dst_hbm.at[pl.ds(off, SCBS)], didx)
        pltpu.async_copy(z_hbm.at[sidx], buf, sem).wait()
        pltpu.async_copy(buf, acc_sh.at[didx], sem, add=True).wait()
        return carry

    lax.fori_loop(0, EPW // SCBS, chunk, 0)
    plsc.subcore_barrier()

    @pl.when(sid < 10)
    def _():
        pltpu.sync_copy(acc_sh.at[pl.ds(sid * 1000, 1000)],
                        out_hbm.at[c, pl.ds(sid * 1000, 1000)])


def _segsum_es(z, src, dst, w):
    parts = pl.kernel(
        _segsum_es_body,
        out_type=jax.ShapeDtypeStruct((NC, N, w), jnp.float32),
        mesh=plsc.VectorSubcoreMesh(**_SC_MESH),
        scratch_types=[
            pltpu.VMEM_SHARED((N, w), jnp.float32),
            pltpu.VMEM((SCBS,), jnp.int32),
            pltpu.VMEM((SCBS,), jnp.int32),
            pltpu.VMEM((SCBS, w), jnp.float32),
            pltpu.SemaphoreType.DMA,
        ],
    )(z, src, dst)
    return parts[0] + parts[1] - z


DCBS = 2000


def _deg_body(dst_hbm, out_hbm, cnt, dchunk):
    w = _wid()

    def z16(i, carry):
        cnt[pl.ds(i * L, L)] = jnp.zeros((L,), jnp.float32)
        return carry

    lax.fori_loop(0, N // L + 1, z16, 0)
    ones = jnp.ones((L,), jnp.float32)

    def chunk(i, carry):
        off = w * EPW + i * DCBS
        pltpu.sync_copy(dst_hbm.at[pl.ds(off, DCBS)], dchunk)

        def grp(j, cc):
            idx = dchunk[pl.ds(j * L, L)]
            plsc.addupdate_scatter(cnt, [idx], ones)
            return cc

        lax.fori_loop(0, DCBS // L, grp, 0)
        return carry

    lax.fori_loop(0, EPW // DCBS, chunk, 0)
    pltpu.sync_copy(cnt, out_hbm.at[w])


def _deg_counts(dst):
    return pl.kernel(
        _deg_body,
        out_type=jax.ShapeDtypeStruct((NW, N + L), jnp.float32),
        mesh=plsc.VectorSubcoreMesh(**_SC_MESH),
        scratch_types=[
            pltpu.VMEM((N + L,), jnp.float32),
            pltpu.VMEM((DCBS,), jnp.int32),
        ],
    )(dst)


def _edge_mlp_body(a_ref, w_ref, b_ref, o_ref):
    a = jnp.maximum(a_ref[...], 0.0)
    o_ref[...] = jnp.dot(a, w_ref[...], preferred_element_type=jnp.float32) + b_ref[...]


def _edge_mlp(a, w, b):
    e = a.shape[0]
    grid = e // EBLK
    return pl.pallas_call(
        _edge_mlp_body,
        grid=(grid,),
        in_specs=[
            pl.BlockSpec((EBLK, H), lambda i: (i, 0)),
            pl.BlockSpec((H, H), lambda i: (0, 0)),
            pl.BlockSpec((1, H), lambda i: (0, 0)),
        ],
        out_specs=pl.BlockSpec((EBLK, H), lambda i: (i, 0)),
        out_shape=jax.ShapeDtypeStruct((e, H), jnp.float32),
    )(a, w, b.reshape(1, H))


def kernel(x, pos, edge_index, lW1, lb1, lW2, lb2, gW1, gb1, gW2, gb2, gW3, gb3, cW1, cb1, cW2, cb2):
    n = x.shape[0]
    src = edge_index[0]
    dst = edge_index[1]

    xw = x @ lW1[:D] + lb1
    pw = pos @ lW1[D:]
    u = xw + pw

    r_e = _edge_gather(u, pw, src, dst)
    h_e = _edge_mlp(r_e, lW2, lb2)
    self_h = jnp.maximum(xw, 0.0) @ lW2 + lb2

    agg = jax.ops.segment_max(h_e, dst, num_segments=n)
    agg = jnp.maximum(jnp.where(jnp.isfinite(agg), agg, -jnp.inf), self_h)

    g = jnp.maximum(agg @ gW1 + gb1, 0.0)
    g = jnp.maximum(g @ gW2 + gb2, 0.0)
    h0 = g @ gW3 + gb3

    deg = jax.ops.segment_sum(jnp.ones((E,), jnp.float32), dst, num_segments=n) + 1.0
    dis = jax.lax.rsqrt(deg)[:, None]

    z1 = dis * (h0 @ cW1)
    acc1l, acc1r = _segsum(z1[:, : H // 2], z1[:, H // 2 :], src, dst, H // 2)
    h1 = jnp.maximum(dis * jnp.concatenate([acc1l, acc1r], axis=1) + cb1, 0.0)

    z2 = dis * (h1 @ cW2)
    acc2 = _segsum_es(z2, src, dst, OUT)
    h2 = jnp.maximum(dis * acc2 + cb2, 0.0)
    return h2

# --- scband reference (transcript-rebuilt; emitter-appended) ---
"""Pipeline reference for scband-my-gnn-73134703116649 (READ-ONLY COPY).

The authoritative reference and input builder live on the scoring server;
editing this copy changes nothing except your own understanding.
"""

import jax, jax.numpy as jnp
import numpy as np

N = 10000
E = 320000
D = 128
H = 256
OUT = 128


def setup_inputs(seed=0):
    key = jax.random.key(seed)
    ks = jax.random.split(key, 20)
    s = 0.02
    inp = {}
    inp["x"] = jax.random.normal(ks[0], (N, D), dtype=jnp.float32)
    inp["pos"] = jax.random.uniform(ks[1], (N, 3), dtype=jnp.float32)
    inp["edge_index"] = jax.random.randint(ks[2], (2, E), 0, N, dtype=jnp.int32)
    # PointNetConv local_nn: Linear(131,256) -> ReLU -> Linear(256,256)
    inp["lW1"] = s * jax.random.normal(ks[3], (D + 3, H), dtype=jnp.float32)
    inp["lb1"] = jnp.zeros((H,), dtype=jnp.float32)
    inp["lW2"] = s * jax.random.normal(ks[4], (H, H), dtype=jnp.float32)
    inp["lb2"] = jnp.zeros((H,), dtype=jnp.float32)
    # PointNetConv global_nn: Linear(256,128) -> ReLU -> Linear(128,512) -> ReLU -> Linear(512,256)
    inp["gW1"] = s * jax.random.normal(ks[5], (H, H // 2), dtype=jnp.float32)
    inp["gb1"] = jnp.zeros((H // 2,), dtype=jnp.float32)
    inp["gW2"] = s * jax.random.normal(ks[6], (H // 2, H * 2), dtype=jnp.float32)
    inp["gb2"] = jnp.zeros((H * 2,), dtype=jnp.float32)
    inp["gW3"] = s * jax.random.normal(ks[7], (H * 2, H), dtype=jnp.float32)
    inp["gb3"] = jnp.zeros((H,), dtype=jnp.float32)
    # GCNConv layers: GCN(256,256) -> ReLU -> GCN(256,128) -> ReLU
    inp["cW1"] = s * jax.random.normal(ks[8], (H, H), dtype=jnp.float32)
    inp["cb1"] = jnp.zeros((H,), dtype=jnp.float32)
    inp["cW2"] = s * jax.random.normal(ks[9], (H, OUT), dtype=jnp.float32)
    inp["cb2"] = jnp.zeros((OUT,), dtype=jnp.float32)
    return inp


def _gcn(h, src, dst, W, b, n):
    xw = h @ W
    loop = jnp.arange(n, dtype=src.dtype)
    src2 = jnp.concatenate([src, loop])
    dst2 = jnp.concatenate([dst, loop])
    deg = jax.ops.segment_sum(jnp.ones(src2.shape[0], dtype=xw.dtype), dst2, num_segments=n)
    dis = jnp.where(deg > 0, 1.0 / jnp.sqrt(deg), 0.0)
    norm = dis[src2] * dis[dst2]
    return jax.ops.segment_sum(xw[src2] * norm[:, None], dst2, num_segments=n) + b


def _forward(x, pos, edge_index, lW1, lb1, lW2, lb2, gW1, gb1, gW2, gb2, gW3, gb3, cW1, cb1, cW2, cb2):
    n = x.shape[0]
    src = edge_index[0]
    dst = edge_index[1]
    loop = jnp.arange(n, dtype=src.dtype)
    # PointNetConv with add_self_loops=True, aggr='max'
    src2 = jnp.concatenate([src, loop])
    dst2 = jnp.concatenate([dst, loop])
    rel = pos[src2] - pos[dst2]
    msg = jnp.concatenate([x[src2], rel], axis=1)
    h = jnp.maximum(msg @ lW1 + lb1, 0.0) @ lW2 + lb2
    agg = jax.ops.segment_max(h, dst2, num_segments=n)
    agg = jnp.where(jnp.isfinite(agg), agg, 0.0)
    g = jnp.maximum(agg @ gW1 + gb1, 0.0)
    g = jnp.maximum(g @ gW2 + gb2, 0.0)
    h0 = g @ gW3 + gb3
    # GCN stack with trailing ReLUs
    h1 = jnp.maximum(_gcn(h0, src, dst, cW1, cb1, n), 0.0)
    h2 = jnp.maximum(_gcn(h1, src, dst, cW2, cb2, n), 0.0)
    return h2


def reference(x, pos, edge_index, lW1, lb1, lW2, lb2, gW1, gb1, gW2, gb2, gW3, gb3, cW1, cb1, cW2, cb2):
    return _forward(x, pos, edge_index, lW1, lb1, lW2, lb2, gW1, gb1, gW2, gb2, gW3, gb3, cW1, cb1, cW2, cb2)

if __name__ == "__main__":
    import jax
    _d = setup_inputs()
    print(jax.jit(kernel)(*tuple(_d.values())))

</pallas_src>

<mosaic_0001>
#map = affine_map<(d0, d1) -> (0, 0)>
#map1 = affine_map<(d0, d1) -> (0)>
module attributes {stable_mosaic.version = 14 : i64} {
  func.func @_edge_gather_body(%arg0: i32, %arg1: i32, %arg2: memref<10000x256xf32, #tpu.memory_space<hbm>>, %arg3: memref<10000x256xf32, #tpu.memory_space<hbm>>, %arg4: memref<320000xi32, #tpu.memory_space<hbm>>, %arg5: memref<320000xi32, #tpu.memory_space<hbm>>, %arg6: memref<320000x256xf32, #tpu.memory_space<hbm>>, %arg7: memref<200xi32, #tpu.memory_space<vmem>>, %arg8: memref<200xi32, #tpu.memory_space<vmem>>, %arg9: memref<200x256xf32, #tpu.memory_space<vmem>>, %arg10: memref<200x256xf32, #tpu.memory_space<vmem>>, %arg11: memref<!tpu.dma_semaphore, #tpu.memory_space<semaphore_mem>>, %arg12: memref<!tpu.dma_semaphore, #tpu.memory_space<semaphore_mem>>) attributes {dimension_semantics = [#tpu.dimension_semantics<core_parallel>, #tpu.dimension_semantics<subcore_parallel>], iteration_bounds = array<i64: 2, 16>, scalar_prefetch = 0 : i64, scratch_operands = 6 : i64, tpu.core_type = #tpu.core_type<sc_vector_subcore>, window_params = [{transform_indices = #map}, {transform_indices = #map}, {transform_indices = #map1}, {transform_indices = #map1}, {transform_indices = #map}]} {
    %mul3A = arith.constant 2 : i32
    %mul3A_0 = arith.muli %arg1, %mul3A : i32
    %add3A = arith.addi %mul3A_0, %arg0 : i32
    %mul3A_1 = arith.constant 10000 : i32
    %mul3A_2 = arith.muli %add3A, %mul3A_1 : i32
    %scan3A = arith.constant 0 : i32
    %scan3A_3 = arith.constant 0 : i32
    %scan3A_4 = arith.constant 50 : i32
    %scan3A_5 = arith.addi %scan3A_3, %scan3A_4 : i32
    %scan3A_6 = arith.constant 1 : i32
    scf.for %scan3A_8 = %scan3A_3 to %scan3A_5 step %scan3A_6  : i32 {
      %mul3A_9 = arith.constant 200 : i32
      %mul3A_10 = arith.muli %scan3A_8, %mul3A_9 : i32
      %add3A_11 = arith.addi %mul3A_2, %mul3A_10 : i32
      "tpu.region"() ({
        %run_scoped3A = tpu.sem_alloc : memref<!tpu.dma_semaphore, #tpu.memory_space<semaphore_mem>>
        %dma_start3A_28 = tpu.memref_slice %arg4[%add3A_11] : memref<320000xi32, #tpu.memory_space<hbm>> -> memref<200xi32, #tpu.memory_space<hbm>>
        %dma_start3A_29 = tpu.memref_slice %arg4[%add3A_11] : memref<320000xi32, #tpu.memory_space<hbm>> -> memref<200xi32, #tpu.memory_space<hbm>>
        tpu.enqueue_dma source(%dma_start3A_29 : memref<200xi32, #tpu.memory_space<hbm>>) target(%arg7 : memref<200xi32, #tpu.memory_space<vmem>>) target_semaphore(%run_scoped3A : memref<!tpu.dma_semaphore, #tpu.memory_space<semaphore_mem>>)
        %dma_wait3A_30 = tpu.memref_slice %arg4[%add3A_11] : memref<320000xi32, #tpu.memory_space<hbm>> -> memref<200xi32, #tpu.memory_space<hbm>>
        %dma_wait3A_31 = tpu.memref_slice %arg4[%add3A_11] : memref<320000xi32, #tpu.memory_space<hbm>> -> memref<200xi32, #tpu.memory_space<hbm>>
        tpu.wait_dma2 semaphore(%run_scoped3A : memref<!tpu.dma_semaphore, #tpu.memory_space<semaphore_mem>>) src(%dma_wait3A_31 : memref<200xi32, #tpu.memory_space<hbm>>) dst(%arg7 : memref<200xi32, #tpu.memory_space<vmem>>)
        tpu.yield
      }) : () -> ()
      "tpu.region"() ({
        %run_scoped3A = tpu.sem_alloc : memref<!tpu.dma_semaphore, #tpu.memory_space<semaphore_mem>>
        %dma_start3A_28 = tpu.memref_slice %arg5[%add3A_11] : memref<320000xi32, #tpu.memory_space<hbm>> -> memref<200xi32, #tpu.memory_space<hbm>>
        %dma_start3A_29 = tpu.memref_slice %arg5[%add3A_11] : memref<320000xi32, #tpu.memory_space<hbm>> -> memref<200xi32, #tpu.memory_space<hbm>>
        tpu.enqueue_dma source(%dma_start3A_29 : memref<200xi32, #tpu.memory_space<hbm>>) target(%arg8 : memref<200xi32, #tpu.memory_space<vmem>>) target_semaphore(%run_scoped3A : memref<!tpu.dma_semaphore, #tpu.memory_space<semaphore_mem>>)
        %dma_wait3A_30 = tpu.memref_slice %arg5[%add3A_11] : memref<320000xi32, #tpu.memory_space<hbm>> -> memref<200xi32, #tpu.memory_space<hbm>>
        %dma_wait3A_31 = tpu.memref_slice %arg5[%add3A_11] : memref<320000xi32, #tpu.memory_space<hbm>> -> memref<200xi32, #tpu.memory_space<hbm>>
        tpu.wait_dma2 semaphore(%run_scoped3A : memref<!tpu.dma_semaphore, #tpu.memory_space<semaphore_mem>>) src(%dma_wait3A_31 : memref<200xi32, #tpu.memory_space<hbm>>) dst(%arg8 : memref<200xi32, #tpu.memory_space<vmem>>)
        tpu.yield
      }) : () -> ()
      %dma_start3A = arith.constant 0 : i32
      %dma_start3A_12 = arith.constant 0 : i32
      %dma_start3A_13 = tpu.memref_slice %arg2[%dma_start3A, %dma_start3A_12] : memref<10000x256xf32, #tpu.memory_space<hbm>> -> memref<10000x256xf32, #tpu.memory_space<hbm>>
      tpu.enqueue_indirect_dma source(%dma_start3A_13 : memref<10000x256xf32, #tpu.memory_space<hbm>>) target(%arg9 : memref<200x256xf32, #tpu.memory_space<vmem>>) offsets(%arg7 : memref<200xi32, #tpu.memory_space<vmem>>) semaphore(%arg11 : memref<!tpu.dma_semaphore, #tpu.memory_space<semaphore_mem>>)
      %dma_start3A_14 = arith.constant 0 : i32
      %dma_start3A_15 = arith.constant 0 : i32
      %dma_start3A_16 = tpu.memref_slice %arg3[%dma_start3A_14, %dma_start3A_15] : memref<10000x256xf32, #tpu.memory_space<hbm>> -> memref<10000x256xf32, #tpu.memory_space<hbm>>
      tpu.enqueue_indirect_dma source(%dma_start3A_16 : memref<10000x256xf32, #tpu.memory_space<hbm>>) target(%arg10 : memref<200x256xf32, #tpu.memory_space<vmem>>) offsets(%arg8 : memref<200xi32, #tpu.memory_space<vmem>>) semaphore(%arg12 : memref<!tpu.dma_semaphore, #tpu.memory_space<semaphore_mem>>)
      %dma_wait3A = arith.constant 0 : i32
      %dma_wait3A_17 = arith.constant 0 : i32
      %dma_wait3A_18 = tpu.memref_slice %arg2[%dma_wait3A, %dma_wait3A_17] : memref<10000x256xf32, #tpu.memory_space<hbm>> -> memref<10000x256xf32, #tpu.memory_space<hbm>>
      tpu.wait_indirect_dma semaphore(%arg11 : memref<!tpu.dma_semaphore, #tpu.memory_space<semaphore_mem>>) src(%dma_wait3A_18 : memref<10000x256xf32, #tpu.memory_space<hbm>>) dst(%arg9 : memref<200x256xf32, #tpu.memory_space<vmem>>)
      %dma_wait3A_19 = arith.constant 0 : i32
      %dma_wait3A_20 = arith.constant 0 : i32
      %dma_wait3A_21 = tpu.memref_slice %arg3[%dma_wait3A_19, %dma_wait3A_20] : memref<10000x256xf32, #tpu.memory_space<hbm>> -> memref<10000x256xf32, #tpu.memory_space<hbm>>
      tpu.wait_indirect_dma semaphore(%arg12 : memref<!tpu.dma_semaphore, #tpu.memory_space<semaphore_mem>>) src(%dma_wait3A_21 : memref<10000x256xf32, #tpu.memory_space<hbm>>) dst(%arg10 : memref<200x256xf32, #tpu.memory_space<vmem>>)
      %scan3A_22 = arith.constant 0 : i32
      %scan3A_23 = arith.constant 0 : i32
      %scan3A_24 = arith.constant 200 : i32
      %scan3A_25 = arith.addi %scan3A_23, %scan3A_24 : i32
      %scan3A_26 = arith.constant 1 : i32
      scf.for %scan3A_28 = %scan3A_23 to %scan3A_25 step %scan3A_26  : i32 {
        %get3A = arith.index_cast %scan3A_28 : i32 to index
        %get3A_29 = arith.constant 0 : index
        %get3A_30 = tpu.vector_load %arg9[%get3A, %get3A_29] {strides = array<i32>} : memref<200x256xf32, #tpu.memory_space<vmem>>, vector<1x16xf32>,
        %get3A_31 = vector.shape_cast %get3A_30 : vector<1x16xf32> to vector<16xf32>
        %get3A_32 = arith.index_cast %scan3A_28 : i32 to index
        %get3A_33 = arith.constant 0 : index
        %get3A_34 = tpu.vector_load %arg10[%get3A_32, %get3A_33] {strides = array<i32>} : memref<200x256xf32, #tpu.memory_space<vmem>>, vector<1x16xf32>,
        %get3A_35 = vector.shape_cast %get3A_34 : vector<1x16xf32> to vector<16xf32>
        %sub3A = arith.subf %get3A_31, %get3A_35 : vector<16xf32>
        %max3A = arith.constant 0.000000e+00 : f32
        %max3A_36 = vector.broadcast %max3A : f32 to vector<16xf32>
        %max3A_37 = arith.maximumf %sub3A, %max3A_36 : vector<16xf32>
        %swap3A = arith.index_cast %scan3A_28 : i32 to index
        %swap3A_38 = arith.constant 0 : index
        %swap3A_39 = tpu.vector_load %arg9[%swap3A, %swap3A_38] {strides = array<i32>} : memref<200x256xf32, #tpu.memory_space<vmem>>, vector<1x16xf32>,
        %swap3A_40 = vector.shape_cast %swap3A_39 : vector<1x16xf32> to vector<16xf32>
        %swap3A_41 = vector.shape_cast %max3A_37 : vector<16xf32> to vector<1x16xf32>
        tpu.vector_store %arg9[%swap3A, %swap3A_38], %swap3A_41 {strides = array<i32>} : memref<200x256xf32, #tpu.memory_space<vmem>>, vector<1x16xf32>,
        %get3A_42 = arith.index_cast %scan3A_28 : i32 to index
        %get3A_43 = arith.constant 16 : index
        %get3A_44 = tpu.vector_load %arg9[%get3A_42, %get3A_43] {strides = array<i32>} : memref<200x256xf32, #tpu.memory_space<vmem>>, vector<1x16xf32>,
        %get3A_45 = vector.shape_cast %get3A_44 : vector<1x16xf32> to vector<16xf32>
        %get3A_46 = arith.index_cast %scan3A_28 : i32 to index
        %get3A_47 = arith.constant 16 : index
        %get3A_48 = tpu.vector_load %arg10[%get3A_46, %get3A_47] {strides = array<i32>} : memref<200x256xf32, #tpu.memory_space<vmem>>, vector<1x16xf32>,
        %get3A_49 = vector.shape_cast %get3A_48 : vector<1x16xf32> to vector<16xf32>
        %sub3A_50 = arith.subf %get3A_45, %get3A_49 : vector<16xf32>
        %max3A_51 = arith.constant 0.000000e+00 : f32
        %max3A_52 = vector.broadcast %max3A_51 : f32 to vector<16xf32>
        %max3A_53 = arith.maximumf %sub3A_50, %max3A_52 : vector<16xf32>
        %swap3A_54 = arith.index_cast %scan3A_28 : i32 to index
        %swap3A_55 = arith.constant 16 : index
        %swap3A_56 = tpu.vector_load %arg9[%swap3A_54, %swap3A_55] {strides = array<i32>} : memref<200x256xf32, #tpu.memory_space<vmem>>, vector<1x16xf32>,
        %swap3A_57 = vector.shape_cast %swap3A_56 : vector<1x16xf32> to vector<16xf32>
        %swap3A_58 = vector.shape_cast %max3A_53 : vector<16xf32> to vector<1x16xf32>
        tpu.vector_store %arg9[%swap3A_54, %swap3A_55], %swap3A_58 {strides = array<i32>} : memref<200x256xf32, #tpu.memory_space<vmem>>, vector<1x16xf32>,
        %get3A_59 = arith.index_cast %scan3A_28 : i32 to index
        %get3A_60 = arith.constant 32 : index
        %get3A_61 = tpu.vector_load %arg9[%get3A_59, %get3A_60] {strides = array<i32>} : memref<200x256xf32, #tpu.memory_space<vmem>>, vector<1x16xf32>,
        %get3A_62 = vector.shape_cast %get3A_61 : vector<1x16xf32> to vector<16xf32>
        %get3A_63 = arith.index_cast %scan3A_28 : i32 to index
        %get3A_64 = arith.constant 32 : index
        %get3A_65 = tpu.vector_load %arg10[%get3A_63, %get3A_64] {strides = array<i32>} : memref<200x256xf32, #tpu.memory_space<vmem>>, vector<1x16xf32>,
        %get3A_66 = vector.shape_cast %get3A_65 : vector<1x16xf32> to vector<16xf32>
        %sub3A_67 = arith.subf %get3A_62, %get3A_66 : vector<16xf32>
        %max3A_68 = arith.constant 0.000000e+00 : f32
        %max3A_69 = vector.broadcast %max3A_68 : f32 to vector<16xf32>
        %max3A_70 = arith.maximumf %sub3A_67, %max3A_69 : vector<16xf32>
        %swap3A_71 = arith.index_cast %scan3A_28 : i32 to index
        %swap3A_72 = arith.constant 32 : index
        %swap3A_73 = tpu.vector_load %arg9[%swap3A_71, %swap3A_72] {strides = array<i32>} : memref<200x256xf32, #tpu.memory_space<vmem>>, vector<1x16xf32>,
        %swap3A_74 = vector.shape_cast %swap3A_73 : vector<1x16xf32> to vector<16xf32>
        %swap3A_75 = vector.shape_cast %max3A_70 : vector<16xf32> to vector<1x16xf32>
        tpu.vector_store %arg9[%swap3A_71, %swap3A_72], %swap3A_75 {strides = array<i32>} : memref<200x256xf32, #tpu.memory_space<vmem>>, vector<1x16xf32>,
        %get3A_76 = arith.index_cast %scan3A_28 : i32 to index
        %get3A_77 = arith.constant 48 : index
        %get3A_78 = tpu.vector_load %arg9[%get3A_76, %get3A_77] {strides = array<i32>} : memref<200x256xf32, #tpu.memory_space<vmem>>, vector<1x16xf32>,
        %get3A_79 = vector.shape_cast %get3A_78 : vector<1x16xf32> to vector<16xf32>
        %get3A_80 = arith.index_cast %scan3A_28 : i32 to index
        %get3A_81 = arith.constant 48 : index
        %get3A_82 = tpu.vector_load %arg10[%get3A_80, %get3A_81] {strides = array<i32>} : memref<200x256xf32, #tpu.memory_space<vmem>>, vector<1x16xf32>,
        %get3A_83 = vector.shape_cast %get3A_82 : vector<1x16xf32> to vector<16xf32>
        %sub3A_84 = arith.subf %get3A_79, %get3A_83 : vector<16xf32>
        %max3A_85 = arith.constant 0.000000e+00 : f32
        %max3A_86 = vector.broadcast %max3A_85 : f32 to vector<16xf32>
        %max3A_87 = arith.maximumf %sub3A_84, %max3A_86 : vector<16xf32>
        %swap3A_88 = arith.index_cast %scan3A_28 : i32 to index
        %swap3A_89 = arith.constant 48 : index
        %swap3A_90 = tpu.vector_load %arg9[%swap3A_88, %swap3A_89] {strides = array<i32>} : memref<200x256xf32, #tpu.memory_space<vmem>>, vector<1x16xf32>,
        %swap3A_91 = vector.shape_cast %swap3A_90 : vector<1x16xf32> to vector<16xf32>
        %swap3A_92 = vector.shape_cast %max3A_87 : vector<16xf32> to vector<1x16xf32>
        tpu.vector_store %arg9[%swap3A_88, %swap3A_89], %swap3A_92 {strides = array<i32>} : memref<200x256xf32, #tpu.memory_space<vmem>>, vector<1x16xf32>,
        %get3A_93 = arith.index_cast %scan3A_28 : i32 to index
        %get3A_94 = arith.constant 64 : index
        %get3A_95 = tpu.vector_load %arg9[%get3A_93, %get3A_94] {strides = array<i32>} : memref<200x256xf32, #tpu.memory_space<vmem>>, vector<1x16xf32>,
        %get3A_96 = vector.shape_cast %get3A_95 : vector<1x16xf32> to vector<16xf32>
        %get3A_97 = arith.index_cast %scan3A_28 : i32 to index
        %get3A_98 = arith.constant 64 : index
        %get3A_99 = tpu.vector_load %arg10[%get3A_97, %get3A_98] {strides = array<i32>} : memref<200x256xf32, #tpu.memory_space<vmem>>, vector<1x16xf32>,
        %get3A_100 = vector.shape_cast %get3A_99 : vector<1x16xf32> to vector<16xf32>
        %sub3A_101 = arith.subf %get3A_96, %get3A_100 : vector<16xf32>
        %max3A_102 = arith.constant 0.000000e+00 : f32
        %max3A_103 = vector.broadcast %max3A_102 : f32 to vector<16xf32>
        %max3A_104 = arith.maximumf %sub3A_101, %max3A_103 : vector<16xf32>
        %swap3A_105 = arith.index_cast %scan3A_28 : i32 to index
        %swap3A_106 = arith.constant 64 : index
        %swap3A_107 = tpu.vector_load %arg9[%swap3A_105, %swap3A_106] {strides = array<i32>} : memref<200x256xf32, #tpu.memory_space<vmem>>, vector<1x16xf32>,
        %swap3A_108 = vector.shape_cast %swap3A_107 : vector<1x16xf32> to vector<16xf32>
        %swap3A_109 = vector.shape_cast %max3A_104 : vector<16xf32> to vector<1x16xf32>
        tpu.vector_store %arg9[%swap3A_105, %swap3A_106], %swap3A_109 {strides = array<i32>} : memref<200x256xf32, #tpu.memory_space<vmem>>, vector<1x16xf32>,
        %get3A_110 = arith.index_cast %scan3A_28 : i32 to index
        %get3A_111 = arith.constant 80 : index
        %get3A_112 = tpu.vector_load %arg9[%get3A_110, %get3A_111] {strides = array<i32>} : memref<200x256xf32, #tpu.memory_space<vmem>>, vector<1x16xf32>,
        %get3A_113 = vector.shape_cast %get3A_112 : vector<1x16xf32> to vector<16xf32>
        %get3A_114 = arith.index_cast %scan3A_28 : i32 to index
        %get3A_115 = arith.constant 80 : index
        %get3A_116 = tpu.vector_load %arg10[%get3A_114, %get3A_115] {strides = array<i32>} : memref<200x256xf32, #tpu.memory_space<vmem>>, vector<1x16xf32>,
        %get3A_117 = vector.shape_cast %get3A_116 : vector<1x16xf32> to vector<16xf32>
        %sub3A_118 = arith.subf %get3A_113, %get3A_117 : vector<16xf32>
        %max3A_119 = arith.constant 0.000000e+00 : f32
        %max3A_120 = vector.broadcast %max3A_119 : f32 to vector<16xf32>
        %max3A_121 = arith.maximumf %sub3A_118, %max3A_120 : vector<16xf32>
        %swap3A_122 = arith.index_cast %scan3A_28 : i32 to index
        %swap3A_123 = arith.constant 80 : index
        %swap3A_124 = tpu.vector_load %arg9[%swap3A_122, %swap3A_123] {strides = array<i32>} : memref<200x256xf32, #tpu.memory_space<vmem>>, vector<1x16xf32>,
        %swap3A_125 = vector.shape_cast %swap3A_124 : vector<1x16xf32> to vector<16xf32>
        %swap3A_126 = vector.shape_cast %max3A_121 : vector<16xf32> to vector<1x16xf32>
        tpu.vector_store %arg9[%swap3A_122, %swap3A_123], %swap3A_126 {strides = array<i32>} : memref<200x256xf32, #tpu.memory_space<vmem>>, vector<1x16xf32>,
        %get3A_127 = arith.index_cast %scan3A_28 : i32 to index
        %get3A_128 = arith.constant 96 : index
        %get3A_129 = tpu.vector_load %arg9[%get3A_127, %get3A_128] {strides = array<i32>} : memref<200x256xf32, #tpu.memory_space<vmem>>, vector<1x16xf32>,
        %get3A_130 = vector.shape_cast %get3A_129 : vector<1x16xf32> to vector<16xf32>
        %get3A_131 = arith.index_cast %scan3A_28 : i32 to index
        %get3A_132 = arith.constant 96 : index
        %get3A_133 = tpu.vector_load %arg10[%get3A_131, %get3A_132] {strides = array<i32>} : memref<200x256xf32, #tpu.memory_space<vmem>>, vector<1x16xf32>,
        %get3A_134 = vector.shape_cast %get3A_133 : vector<1x16xf32> to vector<16xf32>
        %sub3A_135 = arith.subf %get3A_130, %get3A_134 : vector<16xf32>
        %max3A_136 = arith.constant 0.000000e+00 : f32
        %max3A_137 = vector.broadcast %max3A_136 : f32 to vector<16xf32>
        %max3A_138 = arith.maximumf %sub3A_135, %max3A_137 : vector<16xf32>
        %swap3A_139 = arith.index_cast %scan3A_28 : i32 to index
        %swap3A_140 = arith.constant 96 : index
        %swap3A_141 = tpu.vector_load %arg9[%swap3A_139, %swap3A_140] {strides = array<i32>} : memref<200x256xf32, #tpu.memory_space<vmem>>, vector<1x16xf32>,
        %swap3A_142 = vector.shape_cast %swap3A_141 : vector<1x16xf32> to vector<16xf32>
        %swap3A_143 = vector.shape_cast %max3A_138 : vector<16xf32> to vector<1x16xf32>
        tpu.vector_store %arg9[%swap3A_139, %swap3A_140], %swap3A_143 {strides = array<i32>} : memref<200x256xf32, #tpu.memory_space<vmem>>, vector<1x16xf32>,
        %get3A_144 = arith.index_cast %scan3A_28 : i32 to index
        %get3A_145 = arith.constant 112 : index
        %get3A_146 = tpu.vector_load %arg9[%get3A_144, %get3A_145] {strides = array<i32>} : memref<200x256xf32, #tpu.memory_space<vmem>>, vector<1x16xf32>,
        %get3A_147 = vector.shape_cast %get3A_146 : vector<1x16xf32> to vector<16xf32>
        %get3A_148 = arith.index_cast %scan3A_28 : i32 to index
        %get3A_149 = arith.constant 112 : index
        %get3A_150 = tpu.vector_load %arg10[%get3A_148, %get3A_149] {strides = array<i32>} : memref<200x256xf32, #tpu.memory_space<vmem>>, vector<1x16xf32>,
        %get3A_151 = vector.shape_cast %get3A_150 : vector<1x16xf32> to vector<16xf32>
        %sub3A_152 = arith.subf %get3A_147, %get3A_151 : vector<16xf32>
        %max3A_153 = arith.constant 0.000000e+00 : f32
        %max3A_154 = vector.broadcast %max3A_153 : f32 to vector<16xf32>
        %max3A_155 = arith.maximumf %sub3A_152, %max3A_154 : vector<16xf32>
        %swap3A_156 = arith.index_cast %scan3A_28 : i32 to index
        %swap3A_157 = arith.constant 112 : index
        %swap3A_158 = tpu.vector_load %arg9[%swap3A_156, %swap3A_157] {strides = array<i32>} : memref<200x256xf32, #tpu.memory_space<vmem>>, vector<1x16xf32>,
        %swap3A_159 = vector.shape_cast %swap3A_158 : vector<1x16xf32> to vector<16xf32>
        %swap3A_160 = vector.shape_cast %max3A_155 : vector<16xf32> to vector<1x16xf32>
        tpu.vector_store %arg9[%swap3A_156, %swap3A_157], %swap3A_160 {strides = array<i32>} : memref<200x256xf32, #tpu.memory_space<vmem>>, vector<1x16xf32>,
        %get3A_161 = arith.index_cast %scan3A_28 : i32 to index
        %get3A_162 = arith.constant 128 : index
        %get3A_163 = tpu.vector_load %arg9[%get3A_161, %get3A_162] {strides = array<i32>} : memref<200x256xf32, #tpu.memory_space<vmem>>, vector<1x16xf32>,
        %get3A_164 = vector.shape_cast %get3A_163 : vector<1x16xf32> to vector<16xf32>
        %get3A_165 = arith.index_cast %scan3A_28 : i32 to index
        %get3A_166 = arith.constant 128 : index
        %get3A_167 = tpu.vector_load %arg10[%get3A_165, %get3A_166] {strides = array<i32>} : memref<200x256xf32, #tpu.memory_space<vmem>>, vector<1x16xf32>,
        %get3A_168 = vector.shape_cast %get3A_167 : vector<1x16xf32> to vector<16xf32>
        %sub3A_169 = arith.subf %get3A_164, %get3A_168 : vector<16xf32>
        %max3A_170 = arith.constant 0.000000e+00 : f32
        %max3A_171 = vector.broadcast %max3A_170 : f32 to vector<16xf32>
        %max3A_172 = arith.maximumf %sub3A_169, %max3A_171 : vector<16xf32>
        %swap3A_173 = arith.index_cast %scan3A_28 : i32 to index
        %swap3A_174 = arith.constant 128 : index
        %swap3A_175 = tpu.vector_load %arg9[%swap3A_173, %swap3A_174] {strides = array<i32>} : memref<200x256xf32, #tpu.memory_space<vmem>>, vector<1x16xf32>,
        %swap3A_176 = vector.shape_cast %swap3A_175 : vector<1x16xf32> to vector<16xf32>
        %swap3A_177 = vector.shape_cast %max3A_172 : vector<16xf32> to vector<1x16xf32>
        tpu.vector_store %arg9[%swap3A_173, %swap3A_174], %swap3A_177 {strides = array<i32>} : memref<200x256xf32, #tpu.memory_space<vmem>>, vector<1x16xf32>,
        %get3A_178 = arith.index_cast %scan3A_28 : i32 to index
        %get3A_179 = arith.constant 144 : index
        %get3A_180 = tpu.vector_load %arg9[%get3A_178, %get3A_179] {strides = array<i32>} : memref<200x256xf32, #tpu.memory_space<vmem>>, vector<1x16xf32>,
        %get3A_181 = vector.shape_cast %get3A_180 : vector<1x16xf32> to vector<16xf32>
        %get3A_182 = arith.index_cast %scan3A_28 : i32 to index
        %get3A_183 = arith.constant 144 : index
        %get3A_184 = tpu.vector_load %arg10[%get3A_182, %get3A_183] {strides = array<i32>} : memref<200x256xf32, #tpu.memory_space<vmem>>, vector<1x16xf32>,
        %get3A_185 = vector.shape_cast %get3A_184 : vector<1x16xf32> to vector<16xf32>
        %sub3A_186 = arith.subf %get3A_181, %get3A_185 : vector<16xf32>
        %max3A_187 = arith.constant 0.000000e+00 : f32
        %max3A_188 = vector.broadcast %max3A_187 : f32 to vector<16xf32>
        %max3A_189 = arith.maximumf %sub3A_186, %max3A_188 : vector<16xf32>
        %swap3A_190 = arith.index_cast %scan3A_28 : i32 to index
        %swap3A_191 = arith.constant 144 : index
        %swap3A_192 = tpu.vector_load %arg9[%swap3A_190, %swap3A_191] {strides = array<i32>} : memref<200x256xf32, #tpu.memory_space<vmem>>, vector<1x16xf32>,
        %swap3A_193 = vector.shape_cast %swap3A_192 : vector<1x16xf32> to vector<16xf32>
        %swap3A_194 = vector.shape_cast %max3A_189 : vector<16xf32> to vector<1x16xf32>
        tpu.vector_store %arg9[%swap3A_190, %swap3A_191], %swap3A_194 {strides = array<i32>} : memref<200x256xf32, #tpu.memory_space<vmem>>, vector<1x16xf32>,
        %get3A_195 = arith.index_cast %scan3A_28 : i32 to index
        %get3A_196 = arith.constant 160 : index
        %get3A_197 = tpu.vector_load %arg9[%get3A_195, %get3A_196] {strides = array<i32>} : memref<200x256xf32, #tpu.memory_space<vmem>>, vector<1x16xf32>,
        %get3A_198 = vector.shape_cast %get3A_197 : vector<1x16xf32> to vector<16xf32>
        %get3A_199 = arith.index_cast %scan3A_28 : i32 to index
        %get3A_200 = arith.constant 160 : index
        %get3A_201 = tpu.vector_load %arg10[%get3A_199, %get3A_200] {strides = array<i32>} : memref<200x256xf32, #tpu.memory_space<vmem>>, vector<1x16xf32>,
        %get3A_202 = vector.shape_cast %get3A_201 : vector<1x16xf32> to vector<16xf32>
        %sub3A_203 = arith.subf %get3A_198, %get3A_202 : vector<16xf32>
        %max3A_204 = arith.constant 0.000000e+00 : f32
        %max3A_205 = vector.broadcast %max3A_204 : f32 to vector<16xf32>
        %max3A_206 = arith.maximumf %sub3A_203, %max3A_205 : vector<16xf32>
        %swap3A_207 = arith.index_cast %scan3A_28 : i32 to index
        %swap3A_208 = arith.constant 160 : index
        %swap3A_209 = tpu.vector_load %arg9[%swap3A_207, %swap3A_208] {strides = array<i32>} : memref<200x256xf32, #tpu.memory_space<vmem>>, vector<1x16xf32>,
        %swap3A_210 = vector.shape_cast %swap3A_209 : vector<1x16xf32> to vector<16xf32>
        %swap3A_211 = vector.shape_cast %max3A_206 : vector<16xf32> to vector<1x16xf32>
        tpu.vector_store %arg9[%swap3A_207, %swap3A_208], %swap3A_211 {strides = array<i32>} : memref<200x256xf32, #tpu.memory_space<vmem>>, vector<1x16xf32>,
        %get3A_212 = arith.index_cast %scan3A_28 : i32 to index
        %get3A_213 = arith.constant 176 : index
        %get3A_214 = tpu.vector_load %arg9[%get3A_212, %get3A_213] {strides = array<i32>} : memref<200x256xf32, #tpu.memory_space<vmem>>, vector<1x16xf32>,
        %get3A_215 = vector.shape_cast %get3A_214 : vector<1x16xf32> to vector<16xf32>
        %get3A_216 = arith.index_cast %scan3A_28 : i32 to index
        %get3A_217 = arith.constant 176 : index
        %get3A_218 = tpu.vector_load %arg10[%get3A_216, %get3A_217] {strides = array<i32>} : memref<200x256xf32, #tpu.memory_space<vmem>>, vector<1x16xf32>,
        %get3A_219 = vector.shape_cast %get3A_218 : vector<1x16xf32> to vector<16xf32>
        %sub3A_220 = arith.subf %get3A_215, %get3A_219 : vector<16xf32>
        %max3A_221 = arith.constant 0.000000e+00 : f32
        %max3A_222 = vector.broadcast %max3A_221 : f32 to vector<16xf32>
        %max3A_223 = arith.maximumf %sub3A_220, %max3A_222 : vector<16xf32>
        %swap3A_224 = arith.index_cast %scan3A_28 : i32 to index
        %swap3A_225 = arith.constant 176 : index
        %swap3A_226 = tpu.vector_load %arg9[%swap3A_224, %swap3A_225] {strides = array<i32>} : memref<200x256xf32, #tpu.memory_space<vmem>>, vector<1x16xf32>,
        %swap3A_227 = vector.shape_cast %swap3A_226 : vector<1x16xf32> to vector<16xf32>
        %swap3A_228 = vector.shape_cast %max3A_223 : vector<16xf32> to vector<1x16xf32>
        tpu.vector_store %arg9[%swap3A_224, %swap3A_225], %swap3A_228 {strides = array<i32>} : memref<200x256xf32, #tpu.memory_space<vmem>>, vector<1x16xf32>,
        %get3A_229 = arith.index_cast %scan3A_28 : i32 to index
        %get3A_230 = arith.constant 192 : index
        %get3A_231 = tpu.vector_load %arg9[%get3A_229, %get3A_230] {strides = array<i32>} : memref<200x256xf32, #tpu.memory_space<vmem>>, vector<1x16xf32>,
        %get3A_232 = vector.shape_cast %get3A_231 : vector<1x16xf32> to vector<16xf32>
        %get3A_233 = arith.index_cast %scan3A_28 : i32 to index
        %get3A_234 = arith.constant 192 : index
        %get3A_235 = tpu.vector_load %arg10[%get3A_233, %get3A_234] {strides = array<i32>} : memref<200x256xf32, #tpu.memory_space<vmem>>, vector<1x16xf32>,
        %get3A_236 = vector.shape_cast %get3A_235 : vector<1x16xf32> to vector<16xf32>
        %sub3A_237 = arith.subf %get3A_232, %get3A_236 : vector<16xf32>
        %max3A_238 = arith.constant 0.000000e+00 : f32
        %max3A_239 = vector.broadcast %max3A_238 : f32 to vector<16xf32>
        %max3A_240 = arith.maximumf %sub3A_237, %max3A_239 : vector<16xf32>
        %swap3A_241 = arith.index_cast %scan3A_28 : i32 to index
        %swap3A_242 = arith.constant 192 : index
        %swap3A_243 = tpu.vector_load %arg9[%swap3A_241, %swap3A_242] {strides = array<i32>} : memref<200x256xf32, #tpu.memory_space<vmem>>, vector<1x16xf32>,
        %swap3A_244 = vector.shape_cast %swap3A_243 : vector<1x16xf32> to vector<16xf32>
        %swap3A_245 = vector.shape_cast %max3A_240 : vector<16xf32> to vector<1x16xf32>
        tpu.vector_store %arg9[%swap3A_241, %swap3A_242], %swap3A_245 {strides = array<i32>} : memref<200x256xf32, #tpu.memory_space<vmem>>, vector<1x16xf32>,
        %get3A_246 = arith.index_cast %scan3A_28 : i32 to index
        %get3A_247 = arith.constant 208 : index
        %get3A_248 = tpu.vector_load %arg9[%get3A_246, %get3A_247] {strides = array<i32>} : memref<200x256xf32, #tpu.memory_space<vmem>>, vector<1x16xf32>,
        %get3A_249 = vector.shape_cast %get3A_248 : vector<1x16xf32> to vector<16xf32>
        %get3A_250 = arith.index_cast %scan3A_28 : i32 to index
        %get3A_251 = arith.constant 208 : index
        %get3A_252 = tpu.vector_load %arg10[%get3A_250, %get3A_251] {strides = array<i32>} : memref<200x256xf32, #tpu.memory_space<vmem>>, vector<1x16xf32>,
        %get3A_253 = vector.shape_cast %get3A_252 : vector<1x16xf32> to vector<16xf32>
        %sub3A_254 = arith.subf %get3A_249, %get3A_253 : vector<16xf32>
        %max3A_255 = arith.constant 0.000000e+00 : f32
        %max3A_256 = vector.broadcast %max3A_255 : f32 to vector<16xf32>
        %max3A_257 = arith.maximumf %sub3A_254, %max3A_256 : vector<16xf32>
        %swap3A_258 = arith.index_cast %scan3A_28 : i32 to index
        %swap3A_259 = arith.constant 208 : index
        %swap3A_260 = tpu.vector_load %arg9[%swap3A_258, %swap3A_259] {strides = array<i32>} : memref<200x256xf32, #tpu.memory_space<vmem>>, vector<1x16xf32>,
        %swap3A_261 = vector.shape_cast %swap3A_260 : vector<1x16xf32> to vector<16xf32>
        %swap3A_262 = vector.shape_cast %max3A_257 : vector<16xf32> to vector<1x16xf32>
        tpu.vector_store %arg9[%swap3A_258, %swap3A_259], %swap3A_262 {strides = array<i32>} : memref<200x256xf32, #tpu.memory_space<vmem>>, vector<1x16xf32>,
        %get3A_263 = arith.index_cast %scan3A_28 : i32 to index
        %get3A_264 = arith.constant 224 : index
        %get3A_265 = tpu.vector_load %arg9[%get3A_263, %get3A_264] {strides = array<i32>} : memref<200x256xf32, #tpu.memory_space<vmem>>, vector<1x16xf32>,
        %get3A_266 = vector.shape_cast %get3A_265 : vector<1x16xf32> to vector<16xf32>
        %get3A_267 = arith.index_cast %scan3A_28 : i32 to index
        %get3A_268 = arith.constant 224 : index
        %get3A_269 = tpu.vector_load %arg10[%get3A_267, %get3A_268] {strides = array<i32>} : memref<200x256xf32, #tpu.memory_space<vmem>>, vector<1x16xf32>,
        %get3A_270 = vector.shape_cast %get3A_269 : vector<1x16xf32> to vector<16xf32>
        %sub3A_271 = arith.subf %get3A_266, %get3A_270 : vector<16xf32>
        %max3A_272 = arith.constant 0.000000e+00 : f32
        %max3A_273 = vector.broadcast %max3A_272 : f32 to vector<16xf32>
        %max3A_274 = arith.maximumf %sub3A_271, %max3A_273 : vector<16xf32>
        %swap3A_275 = arith.index_cast %scan3A_28 : i32 to index
        %swap3A_276 = arith.constant 224 : index
        %swap3A_277 = tpu.vector_load %arg9[%swap3A_275, %swap3A_276] {strides = array<i32>} : memref<200x256xf32, #tpu.memory_space<vmem>>, vector<1x16xf32>,
        %swap3A_278 = vector.shape_cast %swap3A_277 : vector<1x16xf32> to vector<16xf32>
        %swap3A_279 = vector.shape_cast %max3A_274 : vector<16xf32> to vector<1x16xf32>
        tpu.vector_store %arg9[%swap3A_275, %swap3A_276], %swap3A_279 {strides = array<i32>} : memref<200x256xf32, #tpu.memory_space<vmem>>, vector<1x16xf32>,
        %get3A_280 = arith.index_cast %scan3A_28 : i32 to index
        %get3A_281 = arith.constant 240 : index
        %get3A_282 = tpu.vector_load %arg9[%get3A_280, %get3A_281] {strides = array<i32>} : memref<200x256xf32, #tpu.memory_space<vmem>>, vector<1x16xf32>,
        %get3A_283 = vector.shape_cast %get3A_282 : vector<1x16xf32> to vector<16xf32>
        %get3A_284 = arith.index_cast %scan3A_28 : i32 to index
        %get3A_285 = arith.constant 240 : index
        %get3A_286 = tpu.vector_load %arg10[%get3A_284, %get3A_285] {strides = array<i32>} : memref<200x256xf32, #tpu.memory_space<vmem>>, vector<1x16xf32>,
        %get3A_287 = vector.shape_cast %get3A_286 : vector<1x16xf32> to vector<16xf32>
        %sub3A_288 = arith.subf %get3A_283, %get3A_287 : vector<16xf32>
        %max3A_289 = arith.constant 0.000000e+00 : f32
        %max3A_290 = vector.broadcast %max3A_289 : f32 to vector<16xf32>
        %max3A_291 = arith.maximumf %sub3A_288, %max3A_290 : vector<16xf32>
        %swap3A_292 = arith.index_cast %scan3A_28 : i32 to index
        %swap3A_293 = arith.constant 240 : index
        %swap3A_294 = tpu.vector_load %arg9[%swap3A_292, %swap3A_293] {strides = array<i32>} : memref<200x256xf32, #tpu.memory_space<vmem>>, vector<1x16xf32>,
        %swap3A_295 = vector.shape_cast %swap3A_294 : vector<1x16xf32> to vector<16xf32>
        %swap3A_296 = vector.shape_cast %max3A_291 : vector<16xf32> to vector<1x16xf32>
        tpu.vector_store %arg9[%swap3A_292, %swap3A_293], %swap3A_296 {strides = array<i32>} : memref<200x256xf32, #tpu.memory_space<vmem>>, vector<1x16xf32>,
      }
      %scan3A_27 = arith.constant 200 : i32
      "tpu.region"() ({
        %run_scoped3A = tpu.sem_alloc : memref<!tpu.dma_semaphore, #tpu.memory_space<semaphore_mem>>
        %dma_start3A_28 = arith.constant 0 : i32
        %dma_start3A_29 = tpu.memref_slice %arg6[%add3A_11, %dma_start3A_28] : memref<320000x256xf32, #tpu.memory_space<hbm>> -> memref<200x256xf32, #tpu.memory_space<hbm>>
        %dma_start3A_30 = arith.constant 0 : i32
        %dma_start3A_31 = tpu.memref_slice %arg6[%add3A_11, %dma_start3A_30] : memref<320000x256xf32, #tpu.memory_space<hbm>> -> memref<200x256xf32, #tpu.memory_space<hbm>>
        tpu.enqueue_dma source(%arg9 : memref<200x256xf32, #tpu.memory_space<vmem>>) target(%dma_start3A_31 : memref<200x256xf32, #tpu.memory_space<hbm>>) target_semaphore(%run_scoped3A : memref<!tpu.dma_semaphore, #tpu.memory_space<semaphore_mem>>)
        %dma_wait3A_32 = arith.constant 0 : i32
        %dma_wait3A_33 = tpu.memref_slice %arg6[%add3A_11, %dma_wait3A_32] : memref<320000x256xf32, #tpu.memory_space<hbm>> -> memref<200x256xf32, #tpu.memory_space<hbm>>
        %dma_wait3A_34 = arith.constant 0 : i32
        %dma_wait3A_35 = tpu.memref_slice %arg6[%add3A_11, %dma_wait3A_34] : memref<320000x256xf32, #tpu.memory_space<hbm>> -> memref<200x256xf32, #tpu.memory_space<hbm>>
        tpu.wait_dma2 semaphore(%run_scoped3A : memref<!tpu.dma_semaphore, #tpu.memory_space<semaphore_mem>>) src(%arg9 : memref<200x256xf32, #tpu.memory_space<vmem>>) dst(%dma_wait3A_35 : memref<200x256xf32, #tpu.memory_space<hbm>>)
        tpu.yield
      }) : () -> ()
    }
    %scan3A_7 = arith.constant 50 : i32
    return
  }
}

#map = affine_map<(d0, d1) -> (0, 0)>
#map1 = affine_map<(d0, d1) -> (0)>
module attributes {stable_mosaic.version = 14 : i64} {
  func.func @_segsum_body(%arg0: i32, %arg1: i32, %arg2: memref<10000x128xf32, #tpu.memory_space<hbm>>, %arg3: memref<10000x128xf32, #tpu.memory_space<hbm>>, %arg4: memref<320000xi32, #tpu.memory_space<hbm>>, %arg5: memref<320000xi32, #tpu.memory_space<hbm>>, %arg6: memref<10000x128xf32, #tpu.memory_space<hbm>>, %arg7: memref<10000x128xf32, #tpu.memory_space<hbm>>, %arg8: memref<10000x128xf32, #tpu.memory_space<vmem_shared>>, %arg9: memref<200xi32, #tpu.memory_space<vmem>>, %arg10: memref<200xi32, #tpu.memory_space<vmem>>, %arg11: memref<200x128xf32, #tpu.memory_space<vmem>>, %arg12: memref<!tpu.dma_semaphore, #tpu.memory_space<semaphore_mem>>) attributes {dimension_semantics = [#tpu.dimension_semantics<core_parallel>, #tpu.dimension_semantics<subcore_parallel>], iteration_bounds = array<i64: 2, 16>, scalar_prefetch = 0 : i64, scratch_operands = 5 : i64, tpu.core_type = #tpu.core_type<sc_vector_subcore>, window_params = [{transform_indices = #map}, {transform_indices = #map}, {transform_indices = #map1}, {transform_indices = #map1}, {transform_indices = #map}, {transform_indices = #map}]} {
    %eq3A = arith.constant 0 : i32
    %eq3A_0 = arith.cmpi eq, %arg0, %eq3A : i32
    %convert_element_type3A = arith.extui %eq3A_0 : i1 to i32
    %cond3A = arith.constant 0 : i32
    %cond3A_1 = arith.cmpi ne, %convert_element_type3A, %cond3A : i32
    scf.if %cond3A_1 {
      %lt3A = arith.constant 10 : i32
      %lt3A_7 = arith.cmpi slt, %arg1, %lt3A : i32
      %convert_element_type3A_8 = arith.extui %lt3A_7 : i1 to i32
      %cond3A_9 = arith.constant 0 : i32
      %cond3A_10 = arith.cmpi ne, %convert_element_type3A_8, %cond3A_9 : i32
      scf.if %cond3A_10 {
        %mul3A = arith.constant 1000 : i32
        %mul3A_22 = arith.muli %arg1, %mul3A : i32
        %mul3A_23 = arith.constant 1000 : i32
        %mul3A_24 = arith.muli %arg1, %mul3A_23 : i32
        "tpu.region"() ({
          %run_scoped3A = tpu.sem_alloc : memref<!tpu.dma_semaphore, #tpu.memory_space<semaphore_mem>>
          %dma_start3A = arith.constant 0 : i32
          %dma_start3A_25 = tpu.memref_slice %arg8[%mul3A_24, %dma_start3A] : memref<10000x128xf32, #tpu.memory_space<vmem_shared>> -> memref<1000x128xf32, #tpu.memory_space<vmem_shared>>
          %dma_start3A_26 = arith.constant 0 : i32
          %dma_start3A_27 = tpu.memref_slice %arg2[%mul3A_22, %dma_start3A_26] : memref<10000x128xf32, #tpu.memory_space<hbm>> -> memref<1000x128xf32, #tpu.memory_space<hbm>>
          tpu.enqueue_dma source(%dma_start3A_27 : memref<1000x128xf32, #tpu.memory_space<hbm>>) target(%dma_start3A_25 : memref<1000x128xf32, #tpu.memory_space<vmem_shared>>) target_semaphore(%run_scoped3A : memref<!tpu.dma_semaphore, #tpu.memory_space<semaphore_mem>>)
          %dma_wait3A = arith.constant 0 : i32
          %dma_wait3A_28 = tpu.memref_slice %arg8[%mul3A_24, %dma_wait3A] : memref<10000x128xf32, #tpu.memory_space<vmem_shared>> -> memref<1000x128xf32, #tpu.memory_space<vmem_shared>>
          %dma_wait3A_29 = arith.constant 0 : i32
          %dma_wait3A_30 = tpu.memref_slice %arg2[%mul3A_22, %dma_wait3A_29] : memref<10000x128xf32, #tpu.memory_space<hbm>> -> memref<1000x128xf32, #tpu.memory_space<hbm>>
          tpu.wait_dma2 semaphore(%run_scoped3A : memref<!tpu.dma_semaphore, #tpu.memory_space<semaphore_mem>>) src(%dma_wait3A_30 : memref<1000x128xf32, #tpu.memory_space<hbm>>) dst(%dma_wait3A_28 : memref<1000x128xf32, #tpu.memory_space<vmem_shared>>)
          tpu.yield
        }) : () -> ()
      } else {
      }
      %barrier3A = arith.constant 0 : index
      tpu.barrier barrier_id(%barrier3A)
      %scan3A = arith.constant 0 : i32
      %scan3A_11 = arith.constant 0 : i32
      %scan3A_12 = arith.constant 100 : i32
      %scan3A_13 = arith.addi %scan3A_11, %scan3A_12 : i32
      %scan3A_14 = arith.constant 1 : i32
      scf.for %scan3A_22 = %scan3A_11 to %scan3A_13 step %scan3A_14  : i32 {
        %mul3A = arith.constant 20000 : i32
        %mul3A_23 = arith.muli %arg1, %mul3A : i32
        %mul3A_24 = arith.constant 200 : i32
        %mul3A_25 = arith.muli %scan3A_22, %mul3A_24 : i32
        %add3A = arith.addi %mul3A_23, %mul3A_25 : i32
        "tpu.region"() ({
          %run_scoped3A = tpu.sem_alloc : memref<!tpu.dma_semaphore, #tpu.memory_space<semaphore_mem>>
          %dma_start3A_36 = tpu.memref_slice %arg4[%add3A] : memref<320000xi32, #tpu.memory_space<hbm>> -> memref<200xi32, #tpu.memory_space<hbm>>
          %dma_start3A_37 = tpu.memref_slice %arg4[%add3A] : memref<320000xi32, #tpu.memory_space<hbm>> -> memref<200xi32, #tpu.memory_space<hbm>>
          tpu.enqueue_dma source(%dma_start3A_37 : memref<200xi32, #tpu.memory_space<hbm>>) target(%arg9 : memref<200xi32, #tpu.memory_space<vmem>>) target_semaphore(%run_scoped3A : memref<!tpu.dma_semaphore, #tpu.memory_space<semaphore_mem>>)
          %dma_wait3A_38 = tpu.memref_slice %arg4[%add3A] : memref<320000xi32, #tpu.memory_space<hbm>> -> memref<200xi32, #tpu.memory_space<hbm>>
          %dma_wait3A_39 = tpu.memref_slice %arg4[%add3A] : memref<320000xi32, #tpu.memory_space<hbm>> -> memref<200xi32, #tpu.memory_space<hbm>>
          tpu.wait_dma2 semaphore(%run_scoped3A : memref<!tpu.dma_semaphore, #tpu.memory_space<semaphore_mem>>) src(%dma_wait3A_39 : memref<200xi32, #tpu.memory_space<hbm>>) dst(%arg9 : memref<200xi32, #tpu.memory_space<vmem>>)
          tpu.yield
        }) : () -> ()
        "tpu.region"() ({
          %run_scoped3A = tpu.sem_alloc : memref<!tpu.dma_semaphore, #tpu.memory_space<semaphore_mem>>
          %dma_start3A_36 = tpu.memref_slice %arg5[%add3A] : memref<320000xi32, #tpu.memory_space<hbm>> -> memref<200xi32, #tpu.memory_space<hbm>>
          %dma_start3A_37 = tpu.memref_slice %arg5[%add3A] : memref<320000xi32, #tpu.memory_space<hbm>> -> memref<200xi32, #tpu.memory_space<hbm>>
          tpu.enqueue_dma source(%dma_start3A_37 : memref<200xi32, #tpu.memory_space<hbm>>) target(%arg10 : memref<200xi32, #tpu.memory_space<vmem>>) target_semaphore(%run_scoped3A : memref<!tpu.dma_semaphore, #tpu.memory_space<semaphore_mem>>)
          %dma_wait3A_38 = tpu.memref_slice %arg5[%add3A] : memref<320000xi32, #tpu.memory_space<hbm>> -> memref<200xi32, #tpu.memory_space<hbm>>
          %dma_wait3A_39 = tpu.memref_slice %arg5[%add3A] : memref<320000xi32, #tpu.memory_space<hbm>> -> memref<200xi32, #tpu.memory_space<hbm>>
          tpu.wait_dma2 semaphore(%run_scoped3A : memref<!tpu.dma_semaphore, #tpu.memory_space<semaphore_mem>>) src(%dma_wait3A_39 : memref<200xi32, #tpu.memory_space<hbm>>) dst(%arg10 : memref<200xi32, #tpu.memory_space<vmem>>)
          tpu.yield
        }) : () -> ()
        %dma_start3A = arith.constant 0 : i32
        %dma_start3A_26 = arith.constant 0 : i32
        %dma_start3A_27 = tpu.memref_slice %arg2[%dma_start3A, %dma_start3A_26] : memref<10000x128xf32, #tpu.memory_space<hbm>> -> memref<10000x128xf32, #tpu.memory_space<hbm>>
        tpu.enqueue_indirect_dma source(%dma_start3A_27 : memref<10000x128xf32, #tpu.memory_space<hbm>>) target(%arg11 : memref<200x128xf32, #tpu.memory_space<vmem>>) offsets(%arg9 : memref<200xi32, #tpu.memory_space<vmem>>) semaphore(%arg12 : memref<!tpu.dma_semaphore, #tpu.memory_space<semaphore_mem>>)
        %dma_wait3A = arith.constant 0 : i32
        %dma_wait3A_28 = arith.constant 0 : i32
        %dma_wait3A_29 = tpu.memref_slice %arg2[%dma_wait3A, %dma_wait3A_28] : memref<10000x128xf32, #tpu.memory_space<hbm>> -> memref<10000x128xf32, #tpu.memory_space<hbm>>
        tpu.wait_indirect_dma semaphore(%arg12 : memref<!tpu.dma_semaphore, #tpu.memory_space<semaphore_mem>>) src(%dma_wait3A_29 : memref<10000x128xf32, #tpu.memory_space<hbm>>) dst(%arg11 : memref<200x128xf32, #tpu.memory_space<vmem>>)
        %dma_start3A_30 = arith.constant 0 : i32
        %dma_start3A_31 = arith.constant 0 : i32
        %dma_start3A_32 = tpu.memref_slice %arg8[%dma_start3A_30, %dma_start3A_31] : memref<10000x128xf32, #tpu.memory_space<vmem_shared>> -> memref<10000x128xf32, #tpu.memory_space<vmem_shared>>
        tpu.enqueue_indirect_dma source(%arg11 : memref<200x128xf32, #tpu.memory_space<vmem>>) target(%dma_start3A_32 : memref<10000x128xf32, #tpu.memory_space<vmem_shared>>) offsets(%arg10 : memref<200xi32, #tpu.memory_space<vmem>>) semaphore(%arg12 : memref<!tpu.dma_semaphore, #tpu.memory_space<semaphore_mem>>) {add = true}
        %dma_wait3A_33 = arith.constant 0 : i32
        %dma_wait3A_34 = arith.constant 0 : i32
        %dma_wait3A_35 = tpu.memref_slice %arg8[%dma_wait3A_33, %dma_wait3A_34] : memref<10000x128xf32, #tpu.memory_space<vmem_shared>> -> memref<10000x128xf32, #tpu.memory_space<vmem_shared>>
        tpu.wait_indirect_dma semaphore(%arg12 : memref<!tpu.dma_semaphore, #tpu.memory_space<semaphore_mem>>) src(%arg11 : memref<200x128xf32, #tpu.memory_space<vmem>>) dst(%dma_wait3A_35 : memref<10000x128xf32, #tpu.memory_space<vmem_shared>>)
      }
      %scan3A_15 = arith.constant 100 : i32
      %barrier3A_16 = arith.constant 0 : index
      tpu.barrier barrier_id(%barrier3A_16)
      %lt3A_17 = arith.constant 10 : i32
      %lt3A_18 = arith.cmpi slt, %arg1, %lt3A_17 : i32
      %convert_element_type3A_19 = arith.extui %lt3A_18 : i1 to i32
      %cond3A_20 = arith.constant 0 : i32
      %cond3A_21 = arith.cmpi ne, %convert_element_type3A_19, %cond3A_20 : i32
      scf.if %cond3A_21 {
        %mul3A = arith.constant 1000 : i32
        %mul3A_22 = arith.muli %arg1, %mul3A : i32
        %mul3A_23 = arith.constant 1000 : i32
        %mul3A_24 = arith.muli %arg1, %mul3A_23 : i32
        "tpu.region"() ({
          %run_scoped3A = tpu.sem_alloc : memref<!tpu.dma_semaphore, #tpu.memory_space<semaphore_mem>>
          %dma_start3A = arith.constant 0 : i32
          %dma_start3A_25 = tpu.memref_slice %arg6[%mul3A_24, %dma_start3A] : memref<10000x128xf32, #tpu.memory_space<hbm>> -> memref<1000x128xf32, #tpu.memory_space<hbm>>
          %dma_start3A_26 = arith.constant 0 : i32
          %dma_start3A_27 = tpu.memref_slice %arg8[%mul3A_22, %dma_start3A_26] : memref<10000x128xf32, #tpu.memory_space<vmem_shared>> -> memref<1000x128xf32, #tpu.memory_space<vmem_shared>>
          tpu.enqueue_dma source(%dma_start3A_27 : memref<1000x128xf32, #tpu.memory_space<vmem_shared>>) target(%dma_start3A_25 : memref<1000x128xf32, #tpu.memory_space<hbm>>) target_semaphore(%run_scoped3A : memref<!tpu.dma_semaphore, #tpu.memory_space<semaphore_mem>>)
          %dma_wait3A = arith.constant 0 : i32
          %dma_wait3A_28 = tpu.memref_slice %arg6[%mul3A_24, %dma_wait3A] : memref<10000x128xf32, #tpu.memory_space<hbm>> -> memref<1000x128xf32, #tpu.memory_space<hbm>>
          %dma_wait3A_29 = arith.constant 0 : i32
          %dma_wait3A_30 = tpu.memref_slice %arg8[%mul3A_22, %dma_wait3A_29] : memref<10000x128xf32, #tpu.memory_space<vmem_shared>> -> memref<1000x128xf32, #tpu.memory_space<vmem_shared>>
          tpu.wait_dma2 semaphore(%run_scoped3A : memref<!tpu.dma_semaphore, #tpu.memory_space<semaphore_mem>>) src(%dma_wait3A_30 : memref<1000x128xf32, #tpu.memory_space<vmem_shared>>) dst(%dma_wait3A_28 : memref<1000x128xf32, #tpu.memory_space<hbm>>)
          tpu.yield
        }) : () -> ()
      } else {
      }
    } else {
    }
    %eq3A_2 = arith.constant 1 : i32
    %eq3A_3 = arith.cmpi eq, %arg0, %eq3A_2 : i32
    %convert_element_type3A_4 = arith.extui %eq3A_3 : i1 to i32
    %cond3A_5 = arith.constant 0 : i32
    %cond3A_6 = arith.cmpi ne, %convert_element_type3A_4, %cond3A_5 : i32
    scf.if %cond3A_6 {
      %lt3A = arith.constant 10 : i32
      %lt3A_7 = arith.cmpi slt, %arg1, %lt3A : i32
      %convert_element_type3A_8 = arith.extui %lt3A_7 : i1 to i32
      %cond3A_9 = arith.constant 0 : i32
      %cond3A_10 = arith.cmpi ne, %convert_element_type3A_8, %cond3A_9 : i32
      scf.if %cond3A_10 {
        %mul3A = arith.constant 1000 : i32
        %mul3A_22 = arith.muli %arg1, %mul3A : i32
        %mul3A_23 = arith.constant 1000 : i32
        %mul3A_24 = arith.muli %arg1, %mul3A_23 : i32
        "tpu.region"() ({
          %run_scoped3A = tpu.sem_alloc : memref<!tpu.dma_semaphore, #tpu.memory_space<semaphore_mem>>
          %dma_start3A = arith.constant 0 : i32
          %dma_start3A_25 = tpu.memref_slice %arg8[%mul3A_24, %dma_start3A] : memref<10000x128xf32, #tpu.memory_space<vmem_shared>> -> memref<1000x128xf32, #tpu.memory_space<vmem_shared>>
          %dma_start3A_26 = arith.constant 0 : i32
          %dma_start3A_27 = tpu.memref_slice %arg3[%mul3A_22, %dma_start3A_26] : memref<10000x128xf32, #tpu.memory_space<hbm>> -> memref<1000x128xf32, #tpu.memory_space<hbm>>
          tpu.enqueue_dma source(%dma_start3A_27 : memref<1000x128xf32, #tpu.memory_space<hbm>>) target(%dma_start3A_25 : memref<1000x128xf32, #tpu.memory_space<vmem_shared>>) target_semaphore(%run_scoped3A : memref<!tpu.dma_semaphore, #tpu.memory_space<semaphore_mem>>)
          %dma_wait3A = arith.constant 0 : i32
          %dma_wait3A_28 = tpu.memref_slice %arg8[%mul3A_24, %dma_wait3A] : memref<10000x128xf32, #tpu.memory_space<vmem_shared>> -> memref<1000x128xf32, #tpu.memory_space<vmem_shared>>
          %dma_wait3A_29 = arith.constant 0 : i32
          %dma_wait3A_30 = tpu.memref_slice %arg3[%mul3A_22, %dma_wait3A_29] : memref<10000x128xf32, #tpu.memory_space<hbm>> -> memref<1000x128xf32, #tpu.memory_space<hbm>>
          tpu.wait_dma2 semaphore(%run_scoped3A : memref<!tpu.dma_semaphore, #tpu.memory_space<semaphore_mem>>) src(%dma_wait3A_30 : memref<1000x128xf32, #tpu.memory_space<hbm>>) dst(%dma_wait3A_28 : memref<1000x128xf32, #tpu.memory_space<vmem_shared>>)
          tpu.yield
        }) : () -> ()
      } else {
      }
      %barrier3A = arith.constant 0 : index
      tpu.barrier barrier_id(%barrier3A)
      %scan3A = arith.constant 0 : i32
      %scan3A_11 = arith.constant 0 : i32
      %scan3A_12 = arith.constant 100 : i32
      %scan3A_13 = arith.addi %scan3A_11, %scan3A_12 : i32
      %scan3A_14 = arith.constant 1 : i32
      scf.for %scan3A_22 = %scan3A_11 to %scan3A_13 step %scan3A_14  : i32 {
        %mul3A = arith.constant 20000 : i32
        %mul3A_23 = arith.muli %arg1, %mul3A : i32
        %mul3A_24 = arith.constant 200 : i32
        %mul3A_25 = arith.muli %scan3A_22, %mul3A_24 : i32
        %add3A = arith.addi %mul3A_23, %mul3A_25 : i32
        "tpu.region"() ({
          %run_scoped3A = tpu.sem_alloc : memref<!tpu.dma_semaphore, #tpu.memory_space<semaphore_mem>>
          %dma_start3A_36 = tpu.memref_slice %arg4[%add3A] : memref<320000xi32, #tpu.memory_space<hbm>> -> memref<200xi32, #tpu.memory_space<hbm>>
          %dma_start3A_37 = tpu.memref_slice %arg4[%add3A] : memref<320000xi32, #tpu.memory_space<hbm>> -> memref<200xi32, #tpu.memory_space<hbm>>
          tpu.enqueue_dma source(%dma_start3A_37 : memref<200xi32, #tpu.memory_space<hbm>>) target(%arg9 : memref<200xi32, #tpu.memory_space<vmem>>) target_semaphore(%run_scoped3A : memref<!tpu.dma_semaphore, #tpu.memory_space<semaphore_mem>>)
          %dma_wait3A_38 = tpu.memref_slice %arg4[%add3A] : memref<320000xi32, #tpu.memory_space<hbm>> -> memref<200xi32, #tpu.memory_space<hbm>>
          %dma_wait3A_39 = tpu.memref_slice %arg4[%add3A] : memref<320000xi32, #tpu.memory_space<hbm>> -> memref<200xi32, #tpu.memory_space<hbm>>
          tpu.wait_dma2 semaphore(%run_scoped3A : memref<!tpu.dma_semaphore, #tpu.memory_space<semaphore_mem>>) src(%dma_wait3A_39 : memref<200xi32, #tpu.memory_space<hbm>>) dst(%arg9 : memref<200xi32, #tpu.memory_space<vmem>>)
          tpu.yield
        }) : () -> ()
        "tpu.region"() ({
          %run_scoped3A = tpu.sem_alloc : memref<!tpu.dma_semaphore, #tpu.memory_space<semaphore_mem>>
          %dma_start3A_36 = tpu.memref_slice %arg5[%add3A] : memref<320000xi32, #tpu.memory_space<hbm>> -> memref<200xi32, #tpu.memory_space<hbm>>
          %dma_start3A_37 = tpu.memref_slice %arg5[%add3A] : memref<320000xi32, #tpu.memory_space<hbm>> -> memref<200xi32, #tpu.memory_space<hbm>>
          tpu.enqueue_dma source(%dma_start3A_37 : memref<200xi32, #tpu.memory_space<hbm>>) target(%arg10 : memref<200xi32, #tpu.memory_space<vmem>>) target_semaphore(%run_scoped3A : memref<!tpu.dma_semaphore, #tpu.memory_space<semaphore_mem>>)
          %dma_wait3A_38 = tpu.memref_slice %arg5[%add3A] : memref<320000xi32, #tpu.memory_space<hbm>> -> memref<200xi32, #tpu.memory_space<hbm>>
          %dma_wait3A_39 = tpu.memref_slice %arg5[%add3A] : memref<320000xi32, #tpu.memory_space<hbm>> -> memref<200xi32, #tpu.memory_space<hbm>>
          tpu.wait_dma2 semaphore(%run_scoped3A : memref<!tpu.dma_semaphore, #tpu.memory_space<semaphore_mem>>) src(%dma_wait3A_39 : memref<200xi32, #tpu.memory_space<hbm>>) dst(%arg10 : memref<200xi32, #tpu.memory_space<vmem>>)
          tpu.yield
        }) : () -> ()
        %dma_start3A = arith.constant 0 : i32
        %dma_start3A_26 = arith.constant 0 : i32
        %dma_start3A_27 = tpu.memref_slice %arg3[%dma_start3A, %dma_start3A_26] : memref<10000x128xf32, #tpu.memory_space<hbm>> -> memref<10000x128xf32, #tpu.memory_space<hbm>>
        tpu.enqueue_indirect_dma source(%dma_start3A_27 : memref<10000x128xf32, #tpu.memory_space<hbm>>) target(%arg11 : memref<200x128xf32, #tpu.memory_space<vmem>>) offsets(%arg9 : memref<200xi32, #tpu.memory_space<vmem>>) semaphore(%arg12 : memref<!tpu.dma_semaphore, #tpu.memory_space<semaphore_mem>>)
        %dma_wait3A = arith.constant 0 : i32
        %dma_wait3A_28 = arith.constant 0 : i32
        %dma_wait3A_29 = tpu.memref_slice %arg3[%dma_wait3A, %dma_wait3A_28] : memref<10000x128xf32, #tpu.memory_space<hbm>> -> memref<10000x128xf32, #tpu.memory_space<hbm>>
        tpu.wait_indirect_dma semaphore(%arg12 : memref<!tpu.dma_semaphore, #tpu.memory_space<semaphore_mem>>) src(%dma_wait3A_29 : memref<10000x128xf32, #tpu.memory_space<hbm>>) dst(%arg11 : memref<200x128xf32, #tpu.memory_space<vmem>>)
        %dma_start3A_30 = arith.constant 0 : i32
        %dma_start3A_31 = arith.constant 0 : i32
        %dma_start3A_32 = tpu.memref_slice %arg8[%dma_start3A_30, %dma_start3A_31] : memref<10000x128xf32, #tpu.memory_space<vmem_shared>> -> memref<10000x128xf32, #tpu.memory_space<vmem_shared>>
        tpu.enqueue_indirect_dma source(%arg11 : memref<200x128xf32, #tpu.memory_space<vmem>>) target(%dma_start3A_32 : memref<10000x128xf32, #tpu.memory_space<vmem_shared>>) offsets(%arg10 : memref<200xi32, #tpu.memory_space<vmem>>) semaphore(%arg12 : memref<!tpu.dma_semaphore, #tpu.memory_space<semaphore_mem>>) {add = true}
        %dma_wait3A_33 = arith.constant 0 : i32
        %dma_wait3A_34 = arith.constant 0 : i32
        %dma_wait3A_35 = tpu.memref_slice %arg8[%dma_wait3A_33, %dma_wait3A_34] : memref<10000x128xf32, #tpu.memory_space<vmem_shared>> -> memref<10000x128xf32, #tpu.memory_space<vmem_shared>>
        tpu.wait_indirect_dma semaphore(%arg12 : memref<!tpu.dma_semaphore, #tpu.memory_space<semaphore_mem>>) src(%arg11 : memref<200x128xf32, #tpu.memory_space<vmem>>) dst(%dma_wait3A_35 : memref<10000x128xf32, #tpu.memory_space<vmem_shared>>)
      }
      %scan3A_15 = arith.constant 100 : i32
      %barrier3A_16 = arith.constant 0 : index
      tpu.barrier barrier_id(%barrier3A_16)
      %lt3A_17 = arith.constant 10 : i32
      %lt3A_18 = arith.cmpi slt, %arg1, %lt3A_17 : i32
      %convert_element_type3A_19 = arith.extui %lt3A_18 : i1 to i32
      %cond3A_20 = arith.constant 0 : i32
      %cond3A_21 = arith.cmpi ne, %convert_element_type3A_19, %cond3A_20 : i32
      scf.if %cond3A_21 {
        %mul3A = arith.constant 1000 : i32
        %mul3A_22 = arith.muli %arg1, %mul3A : i32
        %mul3A_23 = arith.constant 1000 : i32
        %mul3A_24 = arith.muli %arg1, %mul3A_23 : i32
        "tpu.region"() ({
          %run_scoped3A = tpu.sem_alloc : memref<!tpu.dma_semaphore, #tpu.memory_space<semaphore_mem>>
          %dma_start3A = arith.constant 0 : i32
          %dma_start3A_25 = tpu.memref_slice %arg7[%mul3A_24, %dma_start3A] : memref<10000x128xf32, #tpu.memory_space<hbm>> -> memref<1000x128xf32, #tpu.memory_space<hbm>>
          %dma_start3A_26 = arith.constant 0 : i32
          %dma_start3A_27 = tpu.memref_slice %arg8[%mul3A_22, %dma_start3A_26] : memref<10000x128xf32, #tpu.memory_space<vmem_shared>> -> memref<1000x128xf32, #tpu.memory_space<vmem_shared>>
          tpu.enqueue_dma source(%dma_start3A_27 : memref<1000x128xf32, #tpu.memory_space<vmem_shared>>) target(%dma_start3A_25 : memref<1000x128xf32, #tpu.memory_space<hbm>>) target_semaphore(%run_scoped3A : memref<!tpu.dma_semaphore, #tpu.memory_space<semaphore_mem>>)
          %dma_wait3A = arith.constant 0 : i32
          %dma_wait3A_28 = tpu.memref_slice %arg7[%mul3A_24, %dma_wait3A] : memref<10000x128xf32, #tpu.memory_space<hbm>> -> memref<1000x128xf32, #tpu.memory_space<hbm>>
          %dma_wait3A_29 = arith.constant 0 : i32
          %dma_wait3A_30 = tpu.memref_slice %arg8[%mul3A_22, %dma_wait3A_29] : memref<10000x128xf32, #tpu.memory_space<vmem_shared>> -> memref<1000x128xf32, #tpu.memory_space<vmem_shared>>
          tpu.wait_dma2 semaphore(%run_scoped3A : memref<!tpu.dma_semaphore, #tpu.memory_space<semaphore_mem>>) src(%dma_wait3A_30 : memref<1000x128xf32, #tpu.memory_space<vmem_shared>>) dst(%dma_wait3A_28 : memref<1000x128xf32, #tpu.memory_space<hbm>>)
          tpu.yield
        }) : () -> ()
      } else {
      }
    } else {
    }
    return
  }
}

#map = affine_map<(d0, d1) -> (0, 0)>
#map1 = affine_map<(d0, d1) -> (0)>
#map2 = affine_map<(d0, d1) -> (0, 0, 0)>
module attributes {stable_mosaic.version = 14 : i64} {
  func.func @_segsum_es_body(%arg0: i32, %arg1: i32, %arg2: memref<10000x128xf32, #tpu.memory_space<hbm>>, %arg3: memref<320000xi32, #tpu.memory_space<hbm>>, %arg4: memref<320000xi32, #tpu.memory_space<hbm>>, %arg5: memref<2x10000x128xf32, #tpu.memory_space<hbm>>, %arg6: memref<10000x128xf32, #tpu.memory_space<vmem_shared>>, %arg7: memref<200xi32, #tpu.memory_space<vmem>>, %arg8: memref<200xi32, #tpu.memory_space<vmem>>, %arg9: memref<200x128xf32, #tpu.memory_space<vmem>>, %arg10: memref<!tpu.dma_semaphore, #tpu.memory_space<semaphore_mem>>) attributes {dimension_semantics = [#tpu.dimension_semantics<core_parallel>, #tpu.dimension_semantics<subcore_parallel>], iteration_bounds = array<i64: 2, 16>, scalar_prefetch = 0 : i64, scratch_operands = 5 : i64, tpu.core_type = #tpu.core_type<sc_vector_subcore>, window_params = [{transform_indices = #map}, {transform_indices = #map1}, {transform_indices = #map1}, {transform_indices = #map2}]} {
    %lt3A = arith.constant 10 : i32
    %lt3A_0 = arith.cmpi slt, %arg1, %lt3A : i32
    %convert_element_type3A = arith.extui %lt3A_0 : i1 to i32
    %cond3A = arith.constant 0 : i32
    %cond3A_1 = arith.cmpi ne, %convert_element_type3A, %cond3A : i32
    scf.if %cond3A_1 {
      %mul3A = arith.constant 1000 : i32
      %mul3A_13 = arith.muli %arg1, %mul3A : i32
      %mul3A_14 = arith.constant 1000 : i32
      %mul3A_15 = arith.muli %arg1, %mul3A_14 : i32
      "tpu.region"() ({
        %run_scoped3A = tpu.sem_alloc : memref<!tpu.dma_semaphore, #tpu.memory_space<semaphore_mem>>
        %dma_start3A = arith.constant 0 : i32
        %dma_start3A_16 = tpu.memref_slice %arg6[%mul3A_15, %dma_start3A] : memref<10000x128xf32, #tpu.memory_space<vmem_shared>> -> memref<1000x128xf32, #tpu.memory_space<vmem_shared>>
        %dma_start3A_17 = arith.constant 0 : i32
        %dma_start3A_18 = tpu.memref_slice %arg2[%mul3A_13, %dma_start3A_17] : memref<10000x128xf32, #tpu.memory_space<hbm>> -> memref<1000x128xf32, #tpu.memory_space<hbm>>
        tpu.enqueue_dma source(%dma_start3A_18 : memref<1000x128xf32, #tpu.memory_space<hbm>>) target(%dma_start3A_16 : memref<1000x128xf32, #tpu.memory_space<vmem_shared>>) target_semaphore(%run_scoped3A : memref<!tpu.dma_semaphore, #tpu.memory_space<semaphore_mem>>)
        %dma_wait3A = arith.constant 0 : i32
        %dma_wait3A_19 = tpu.memref_slice %arg6[%mul3A_15, %dma_wait3A] : memref<10000x128xf32, #tpu.memory_space<vmem_shared>> -> memref<1000x128xf32, #tpu.memory_space<vmem_shared>>
        %dma_wait3A_20 = arith.constant 0 : i32
        %dma_wait3A_21 = tpu.memref_slice %arg2[%mul3A_13, %dma_wait3A_20] : memref<10000x128xf32, #tpu.memory_space<hbm>> -> memref<1000x128xf32, #tpu.memory_space<hbm>>
        tpu.wait_dma2 semaphore(%run_scoped3A : memref<!tpu.dma_semaphore, #tpu.memory_space<semaphore_mem>>) src(%dma_wait3A_21 : memref<1000x128xf32, #tpu.memory_space<hbm>>) dst(%dma_wait3A_19 : memref<1000x128xf32, #tpu.memory_space<vmem_shared>>)
        tpu.yield
      }) : () -> ()
    } else {
    }
    %barrier3A = arith.constant 0 : index
    tpu.barrier barrier_id(%barrier3A)
    %scan3A = arith.constant 0 : i32
    %scan3A_2 = arith.constant 0 : i32
    %scan3A_3 = arith.constant 50 : i32
    %scan3A_4 = arith.addi %scan3A_2, %scan3A_3 : i32
    %scan3A_5 = arith.constant 1 : i32
    scf.for %scan3A_13 = %scan3A_2 to %scan3A_4 step %scan3A_5  : i32 {
      %mul3A = arith.constant 16 : i32
      %mul3A_14 = arith.muli %arg0, %mul3A : i32
      %add3A = arith.addi %mul3A_14, %arg1 : i32
      %mul3A_15 = arith.constant 10000 : i32
      %mul3A_16 = arith.muli %add3A, %mul3A_15 : i32
      %mul3A_17 = arith.constant 200 : i32
      %mul3A_18 = arith.muli %scan3A_13, %mul3A_17 : i32
      %add3A_19 = arith.addi %mul3A_16, %mul3A_18 : i32
      "tpu.region"() ({
        %run_scoped3A = tpu.sem_alloc : memref<!tpu.dma_semaphore, #tpu.memory_space<semaphore_mem>>
        %dma_start3A_30 = tpu.memref_slice %arg3[%add3A_19] : memref<320000xi32, #tpu.memory_space<hbm>> -> memref<200xi32, #tpu.memory_space<hbm>>
        %dma_start3A_31 = tpu.memref_slice %arg3[%add3A_19] : memref<320000xi32, #tpu.memory_space<hbm>> -> memref<200xi32, #tpu.memory_space<hbm>>
        tpu.enqueue_dma source(%dma_start3A_31 : memref<200xi32, #tpu.memory_space<hbm>>) target(%arg7 : memref<200xi32, #tpu.memory_space<vmem>>) target_semaphore(%run_scoped3A : memref<!tpu.dma_semaphore, #tpu.memory_space<semaphore_mem>>)
        %dma_wait3A_32 = tpu.memref_slice %arg3[%add3A_19] : memref<320000xi32, #tpu.memory_space<hbm>> -> memref<200xi32, #tpu.memory_space<hbm>>
        %dma_wait3A_33 = tpu.memref_slice %arg3[%add3A_19] : memref<320000xi32, #tpu.memory_space<hbm>> -> memref<200xi32, #tpu.memory_space<hbm>>
        tpu.wait_dma2 semaphore(%run_scoped3A : memref<!tpu.dma_semaphore, #tpu.memory_space<semaphore_mem>>) src(%dma_wait3A_33 : memref<200xi32, #tpu.memory_space<hbm>>) dst(%arg7 : memref<200xi32, #tpu.memory_space<vmem>>)
        tpu.yield
      }) : () -> ()
      "tpu.region"() ({
        %run_scoped3A = tpu.sem_alloc : memref<!tpu.dma_semaphore, #tpu.memory_space<semaphore_mem>>
        %dma_start3A_30 = tpu.memref_slice %arg4[%add3A_19] : memref<320000xi32, #tpu.memory_space<hbm>> -> memref<200xi32, #tpu.memory_space<hbm>>
        %dma_start3A_31 = tpu.memref_slice %arg4[%add3A_19] : memref<320000xi32, #tpu.memory_space<hbm>> -> memref<200xi32, #tpu.memory_space<hbm>>
        tpu.enqueue_dma source(%dma_start3A_31 : memref<200xi32, #tpu.memory_space<hbm>>) target(%arg8 : memref<200xi32, #tpu.memory_space<vmem>>) target_semaphore(%run_scoped3A : memref<!tpu.dma_semaphore, #tpu.memory_space<semaphore_mem>>)
        %dma_wait3A_32 = tpu.memref_slice %arg4[%add3A_19] : memref<320000xi32, #tpu.memory_space<hbm>> -> memref<200xi32, #tpu.memory_space<hbm>>
        %dma_wait3A_33 = tpu.memref_slice %arg4[%add3A_19] : memref<320000xi32, #tpu.memory_space<hbm>> -> memref<200xi32, #tpu.memory_space<hbm>>
        tpu.wait_dma2 semaphore(%run_scoped3A : memref<!tpu.dma_semaphore, #tpu.memory_space<semaphore_mem>>) src(%dma_wait3A_33 : memref<200xi32, #tpu.memory_space<hbm>>) dst(%arg8 : memref<200xi32, #tpu.memory_space<vmem>>)
        tpu.yield
      }) : () -> ()
      %dma_start3A = arith.constant 0 : i32
      %dma_start3A_20 = arith.constant 0 : i32
      %dma_start3A_21 = tpu.memref_slice %arg2[%dma_start3A, %dma_start3A_20] : memref<10000x128xf32, #tpu.memory_space<hbm>> -> memref<10000x128xf32, #tpu.memory_space<hbm>>
      tpu.enqueue_indirect_dma source(%dma_start3A_21 : memref<10000x128xf32, #tpu.memory_space<hbm>>) target(%arg9 : memref<200x128xf32, #tpu.memory_space<vmem>>) offsets(%arg7 : memref<200xi32, #tpu.memory_space<vmem>>) semaphore(%arg10 : memref<!tpu.dma_semaphore, #tpu.memory_space<semaphore_mem>>)
      %dma_wait3A = arith.constant 0 : i32
      %dma_wait3A_22 = arith.constant 0 : i32
      %dma_wait3A_23 = tpu.memref_slice %arg2[%dma_wait3A, %dma_wait3A_22] : memref<10000x128xf32, #tpu.memory_space<hbm>> -> memref<10000x128xf32, #tpu.memory_space<hbm>>
      tpu.wait_indirect_dma semaphore(%arg10 : memref<!tpu.dma_semaphore, #tpu.memory_space<semaphore_mem>>) src(%dma_wait3A_23 : memref<10000x128xf32, #tpu.memory_space<hbm>>) dst(%arg9 : memref<200x128xf32, #tpu.memory_space<vmem>>)
      %dma_start3A_24 = arith.constant 0 : i32
      %dma_start3A_25 = arith.constant 0 : i32
      %dma_start3A_26 = tpu.memref_slice %arg6[%dma_start3A_24, %dma_start3A_25] : memref<10000x128xf32, #tpu.memory_space<vmem_shared>> -> memref<10000x128xf32, #tpu.memory_space<vmem_shared>>
      tpu.enqueue_indirect_dma source(%arg9 : memref<200x128xf32, #tpu.memory_space<vmem>>) target(%dma_start3A_26 : memref<10000x128xf32, #tpu.memory_space<vmem_shared>>) offsets(%arg8 : memref<200xi32, #tpu.memory_space<vmem>>) semaphore(%arg10 : memref<!tpu.dma_semaphore, #tpu.memory_space<semaphore_mem>>) {add = true}
      %dma_wait3A_27 = arith.constant 0 : i32
      %dma_wait3A_28 = arith.constant 0 : i32
      %dma_wait3A_29 = tpu.memref_slice %arg6[%dma_wait3A_27, %dma_wait3A_28] : memref<10000x128xf32, #tpu.memory_space<vmem_shared>> -> memref<10000x128xf32, #tpu.memory_space<vmem_shared>>
      tpu.wait_indirect_dma semaphore(%arg10 : memref<!tpu.dma_semaphore, #tpu.memory_space<semaphore_mem>>) src(%arg9 : memref<200x128xf32, #tpu.memory_space<vmem>>) dst(%dma_wait3A_29 : memref<10000x128xf32, #tpu.memory_space<vmem_shared>>)
    }
    %scan3A_6 = arith.constant 50 : i32
    %barrier3A_7 = arith.constant 0 : index
    tpu.barrier barrier_id(%barrier3A_7)
    %lt3A_8 = arith.constant 10 : i32
    %lt3A_9 = arith.cmpi slt, %arg1, %lt3A_8 : i32
    %convert_element_type3A_10 = arith.extui %lt3A_9 : i1 to i32
    %cond3A_11 = arith.constant 0 : i32
    %cond3A_12 = arith.cmpi ne, %convert_element_type3A_10, %cond3A_11 : i32
    scf.if %cond3A_12 {
      %mul3A = arith.constant 1000 : i32
      %mul3A_13 = arith.muli %arg1, %mul3A : i32
      %mul3A_14 = arith.constant 1000 : i32
      %mul3A_15 = arith.muli %arg1, %mul3A_14 : i32
      "tpu.region"() ({
        %run_scoped3A = tpu.sem_alloc : memref<!tpu.dma_semaphore, #tpu.memory_space<semaphore_mem>>
        %dma_start3A = arith.constant 0 : i32
        %dma_start3A_16 = tpu.memref_slice %arg5[%arg0, %mul3A_15, %dma_start3A] : memref<2x10000x128xf32, #tpu.memory_space<hbm>> -> memref<1x1000x128xf32, #tpu.memory_space<hbm>>
        %dma_start3A_17 = tpu.memref_squeeze %dma_start3A_16 : memref<1x1000x128xf32, #tpu.memory_space<hbm>> -> memref<1000x128xf32, #tpu.memory_space<hbm>>
        %dma_start3A_18 = arith.constant 0 : i32
        %dma_start3A_19 = tpu.memref_slice %arg6[%mul3A_13, %dma_start3A_18] : memref<10000x128xf32, #tpu.memory_space<vmem_shared>> -> memref<1000x128xf32, #tpu.memory_space<vmem_shared>>
        tpu.enqueue_dma source(%dma_start3A_19 : memref<1000x128xf32, #tpu.memory_space<vmem_shared>>) target(%dma_start3A_17 : memref<1000x128xf32, #tpu.memory_space<hbm>>) target_semaphore(%run_scoped3A : memref<!tpu.dma_semaphore, #tpu.memory_space<semaphore_mem>>)
        %dma_wait3A = arith.constant 0 : i32
        %dma_wait3A_20 = tpu.memref_slice %arg5[%arg0, %mul3A_15, %dma_wait3A] : memref<2x10000x128xf32, #tpu.memory_space<hbm>> -> memref<1x1000x128xf32, #tpu.memory_space<hbm>>
        %dma_wait3A_21 = tpu.memref_squeeze %dma_wait3A_20 : memref<1x1000x128xf32, #tpu.memory_space<hbm>> -> memref<1000x128xf32, #tpu.memory_space<hbm>>
        %dma_wait3A_22 = arith.constant 0 : i32
        %dma_wait3A_23 = tpu.memref_slice %arg6[%mul3A_13, %dma_wait3A_22] : memref<10000x128xf32, #tpu.memory_space<vmem_shared>> -> memref<1000x128xf32, #tpu.memory_space<vmem_shared>>
        tpu.wait_dma2 semaphore(%run_scoped3A : memref<!tpu.dma_semaphore, #tpu.memory_space<semaphore_mem>>) src(%dma_wait3A_23 : memref<1000x128xf32, #tpu.memory_space<vmem_shared>>) dst(%dma_wait3A_21 : memref<1000x128xf32, #tpu.memory_space<hbm>>)
        tpu.yield
      }) : () -> ()
    } else {
    }
    return
  }
}

module attributes {stable_mosaic.version = 14 : i64} {
  func.func @_edge_mlp_body(%arg0: i32, %arg1: memref<2560x256xf32, #tpu.memory_space<vmem>>, %arg2: memref<256x256xf32, #tpu.memory_space<vmem>>, %arg3: memref<1x256xf32, #tpu.memory_space<vmem>>, %arg4: memref<2560x256xf32, #tpu.memory_space<vmem>>) attributes {dimension_semantics = [#tpu.dimension_semantics<arbitrary>], iteration_bounds = array<i64: 125>, scalar_prefetch = 0 : i64, scratch_operands = 0 : i64, tpu.core_type = #tpu.core_type<tc>, window_params = [{transform_indices = @transform_0, window_bounds = array<i64: 2560, 256>}, {pipeline_mode = #tpu.pipeline_mode<synchronous>, transform_indices = @transform_1, window_bounds = array<i64: 256, 256>}, {pipeline_mode = #tpu.pipeline_mode<synchronous>, transform_indices = @transform_2, window_bounds = array<i64: 1, 256>}, {transform_indices = @transform_3, window_bounds = array<i64: 2560, 256>}]} {
    %get3A = arith.constant 0 : index
    %get3A_0 = arith.constant 0 : index
    %get3A_1 = vector.load %arg1[%get3A, %get3A_0] : memref<2560x256xf32, #tpu.memory_space<vmem>>, vector<2560x256xf32>
    %max3A = arith.constant 0.000000e+00 : f32
    %max3A_2 = vector.broadcast %max3A : f32 to vector<2560x256xf32>
    %max3A_3 = arith.maximumf %get3A_1, %max3A_2 : vector<2560x256xf32>
    %get3A_4 = arith.constant 0 : index
    %get3A_5 = arith.constant 0 : index
    %get3A_6 = vector.load %arg2[%get3A_4, %get3A_5] : memref<256x256xf32, #tpu.memory_space<vmem>>, vector<256x256xf32>
    %dot_general3A = arith.constant dense<0.000000e+00> : vector<2560x256xf32>
    %dot_general3A_7 = tpu.matmul %max3A_3, %get3A_6, %dot_general3A {dimension_numbers = #tpu.dot_dimension_numbers<[1], [0], [0], [1], [0, 0, 1, 1], [], []>, transpose_lhs_hint = false} : vector<2560x256xf32>, vector<256x256xf32>, vector<2560x256xf32> -> vector<2560x256xf32>
    %get3A_8 = arith.constant 0 : index
    %get3A_9 = arith.constant 0 : index
    %get3A_10 = vector.load %arg3[%get3A_8, %get3A_9] : memref<1x256xf32, #tpu.memory_space<vmem>>, vector<1x256xf32>
    %add3A = vector.broadcast %get3A_10 : vector<1x256xf32> to vector<2560x256xf32>
    %add3A_11 = arith.addf %dot_general3A_7, %add3A : vector<2560x256xf32>
    %swap3A = arith.constant 0 : index
    %swap3A_12 = arith.constant 0 : index
    %swap3A_13 = vector.load %arg4[%swap3A, %swap3A_12] : memref<2560x256xf32, #tpu.memory_space<vmem>>, vector<2560x256xf32>
    tpu.vector_store %arg4[%swap3A, %swap3A_12], %add3A_11 {strides = array<i32>} : memref<2560x256xf32, #tpu.memory_space<vmem>>, vector<2560x256xf32>,
    return
  }
  func.func @transform_0(%arg0: i32) -> (i32, i32) {
    %c0_i32 = arith.constant 0 : i32
    %c0_i32_0 = arith.constant 0 : i32
    return %arg0, %c0_i32 : i32, i32
  }
  func.func @transform_1(%arg0: i32) -> (i32, i32) {
    %c0_i32 = arith.constant 0 : i32
    %c0_i32_0 = arith.constant 0 : i32
    %c0_i32_1 = arith.constant 0 : i32
    return %c0_i32, %c0_i32_0 : i32, i32
  }
  func.func @transform_2(%arg0: i32) -> (i32, i32) {
    %c0_i32 = arith.constant 0 : i32
    %c0_i32_0 = arith.constant 0 : i32
    %c0_i32_1 = arith.constant 0 : i32
    return %c0_i32, %c0_i32_0 : i32, i32
  }
  func.func @transform_3(%arg0: i32) -> (i32, i32) {
    %c0_i32 = arith.constant 0 : i32
    %c0_i32_0 = arith.constant 0 : i32
    return %arg0, %c0_i32 : i32, i32
  }
}

</mosaic_0001>

<sc_bundles>
// kernel: kernel.12.cloned.1.call-start
scs
__scs_entry_jumppad:
0x0: {  	(pc) =	sbr.rel $0x88, $3  }
0x1: {  	(tag) =	ssettag $0x0;
	lr =	simm.s32 $0x1  }
0x2: {  	[smem:$0x3F90] =	sst lr;
	_ =	strace $0xD0000000  }
0x3: {  	_ = 	snop  }
0x4: {  	_ = 	snop  }
0x5: {  	_ = 	snop  }
0x6: {  	_ = 	snop  }
0x7: {  	_ = 	snop  }
__scs_overlays_trampoline_lowered:
0x8: {  	[smem:$0x3F9F] =	sst s0  }
0x9: {  	[smem:$0x3FA0] =	sst s1  }
0xa: {  	[smem:$0x3FA1] =	sst s2  }
0xb: {  	[smem:$0x3FA2] =	sst s3  }
0xc: {  	[smem:$0x3FA3] =	sst s4  }
0xd: {  	[smem:$0x3FA4] =	sst s5  }
0xe: {  	[smem:$0x3FA5] =	sst s6  }
0xf: {  	[smem:$0x3FA6] =	sst s7  }
0x10: {  	[smem:$0x3FA7] =	sst s8  }
0x11: {  	[smem:$0x3FA8] =	sst s9;
	s0 =	simm.s32 @!p0 $0x0  }
0x12: {  	s1 =	sld [smem:$0x3F8E];
	s0 =	simm.s32 @p0 $0x1  }
0x13: {  	[smem:$0x3FA9] =	sst s0;
	s0 =	simm.s32 @!p1 $0x0  }
0x14: {  	s2 =	sld [smem:$0x3F8D];
	s0 =	simm.s32 @p1 $0x1  }
0x15: {  	[smem:$0x3FAA] =	sst s0;
	s0 =	simm.s32 @!p2 $0x0  }
0x16: {  	s3 =	sld [smem:$0x3FDB];
	s0 =	simm.s32 @p2 $0x1  }
0x17: {  	s4 =	simm.s32 $0x1BF5;
	[smem:$0x3FAC] =	sst s0  }
0x18: {  	s0 =	sld [smem:$0x3F8F];
	_ =	swait.ge [sflag:s4], $0x0  }
0x19: {  	s7 =	sld [smem:$0x3F90]  }
0x1a: {  	s8 =	sadd.s32 $0xFFFFE003, lr  }
0x1b: {  	s9 =	sadd.s32 $0xFFFFFEF7, lr;
	s5 =	simm.s32 $0xFFFFFFFF;
	p2 =	slt.u32 s8, $0xFFFFF086  }
0x1c: {  	p1 =	slt.u32 s9, $0xF7A;
	s5 =	simm.s32 @!p2 $0x0  }
0x1d: {  	s5 =	simm.s32 @p1 $0x1;
	p0 =	seq.s32 s7, s2  }
0x1e: {  	s7 =	smul.u32 @!p0 $0xF7A, s2;
	p2 =	seq.s32 @!p0 s5, $0x0  }
0x1f: {  	s9 =	smul.u32 $0xF7A, s1;
	s8 =	simm.s32 @!p0 $0x1BF5;
	p2 =	por !p2, p0  }
0x20: {  	[sflag:s8] =	ssyncset.s32 @!p0 $0xFFFFF086;
	s6 =	sadd.s32 @!p0 s3, s7;
	s7 =	simm.s32 @!p0 $0x108  }
0x21: {  	s3 =	sadd.s32 s3, s9;
	s6 =	sadd.s32 @!p0 $0x88, s6;
	s7 =	simm.s32 @p2 $0x1082  }
0x22: {  	[simem:s7], [sflag:s8] =	dma.local @!p0 [hbm:s6], $0xF7A  }
0x23: {  	s9 =	sor.u32 $0xD0000000, s2;
	s6 =	simm.s32 $0x108;
	_ =	swait.ge @!p0 [sflag:s8], $0x0  }
0x24: {  	s3 =	sadd.s32 $0x88, s3;
	s6 =	simm.s32 @!p1 $0x1082;
	[sflag:s4] =	ssyncset.s32 $0xFFFFF086  }
0x25: {  	[simem:s6], [sflag:s4] =	dma.local [hbm:s3], $0xF7A  }
0x26: {  	[smem:$0x3F90] =	sst s1;
	(tag) =	ssettag s2;
	_ =	strace s9  }
0x27: {  	s1 =	sld [smem:$0x3FA0]  }
0x28: {  	s2 =	sld [smem:$0x3FA1]  }
0x29: {  	s4 =	sld [smem:$0x3FA3]  }
0x2a: {  	p0 =	seq.s32 s5, $0x0;
	s5 =	sld [smem:$0x3FA4]  }
0x2b: {  	s6 =	sld [smem:$0x3FA5]  }
0x2c: {  	s7 =	sld [smem:$0x3FA6]  }
0x2d: {  	s3 =	simm.s32 $0x108;
	s8 =	sld [smem:$0x3FA7]  }
0x2e: {  	s3 =	simm.s32 @!p0 $0x1082;
	s9 =	sld [smem:$0x3FA8]  }
0x2f: {  	lr =	sadd.s32 s0, s3;
	s0 =	sld [smem:$0x3F9F]  }
0x30: {  	s3 =	sld [smem:$0x3FA2]  }
0x31: {  	[smem:$0x3FAB] =	sst s10  }
0x32: {  	s10 =	sld [smem:$0x3FA9];
	_ =	sdelay $0x3  }
0x33: {  	p0 =	seq.s32 s10, $0x1;
	s10 =	sld [smem:$0x3FAB];
	_ =	sdelay $0x3  }
0x34: {  	[smem:$0x3FAB] =	sst s10  }
0x35: {  	s10 =	sld [smem:$0x3FAA];
	_ =	sdelay $0x3  }
0x36: {  	p1 =	seq.s32 s10, $0x1;
	s10 =	sld [smem:$0x3FAB];
	_ =	sdelay $0x3  }
0x37: {  	[smem:$0x3FAB] =	sst s10  }
0x38: {  	s10 =	sld [smem:$0x3FAC]  }
0x39: {  	_ = 	snop;
	(pc) =	sbr.ind lr, $3  }
0x3a: {  	_ = 	snop  }
0x3b: {  	_ = 	snop  }
0x3c: {  	p2 =	seq.s32 s10, $0x1;
	s10 =	sld [smem:$0x3FAB]  }
0x3d: {  	_ =	shalt  }
0x3e: {  	_ =	shalt  }
0x3f: {  	_ =	shalt  }
0x40: {  	_ =	shalt  }
0x41: {  	_ =	shalt  }
0x42: {  	_ =	shalt  }
0x43: {  	_ =	shalt  }
0x44: {  	_ =	shalt  }
0x45: {  	_ =	shalt  }
0x46: {  	_ =	shalt  }
0x47: {  	_ =	shalt  }
0x48: {  	_ =	shalt  }
0x49: {  	_ =	shalt  }
0x4a: {  	_ =	shalt  }
0x4b: {  	_ =	shalt  }
0x4c: {  	_ =	shalt  }
0x4d: {  	_ =	shalt  }
0x4e: {  	_ =	shalt  }
0x4f: {  	_ =	shalt  }
0x50: {  	_ =	shalt  }
0x51: {  	_ =	shalt  }
0x52: {  	_ =	shalt  }
0x53: {  	_ =	shalt  }
0x54: {  	_ =	shalt  }
0x55: {  	_ =	shalt  }
0x56: {  	_ =	shalt  }
0x57: {  	_ =	shalt  }
0x58: {  	_ =	shalt  }
0x59: {  	_ =	shalt  }
0x5a: {  	_ =	shalt  }
0x5b: {  	_ =	shalt  }
0x5c: {  	_ =	shalt  }
0x5d: {  	_ =	shalt  }
0x5e: {  	_ =	shalt  }
0x5f: {  	_ =	shalt  }
0x60: {  	_ =	shalt  }
0x61: {  	_ =	shalt  }
0x62: {  	_ =	shalt  }
0x63: {  	_ =	shalt  }
0x64: {  	_ =	shalt  }
0x65: {  	_ =	shalt  }
0x66: {  	_ =	shalt  }
0x67: {  	_ =	shalt  }
0x68: {  	_ =	shalt  }
0x69: {  	_ =	shalt  }
0x6a: {  	_ =	shalt  }
0x6b: {  	_ =	shalt  }
0x6c: {  	_ =	shalt  }
0x6d: {  	_ =	shalt  }
0x6e: {  	_ =	shalt  }
0x6f: {  	_ =	shalt  }
0x70: {  	_ =	shalt  }
0x71: {  	_ =	shalt  }
0x72: {  	_ =	shalt  }
0x73: {  	_ =	shalt  }
0x74: {  	_ =	shalt  }
0x75: {  	_ =	shalt  }
0x76: {  	_ =	shalt  }
0x77: {  	_ =	shalt  }
0x78: {  	_ =	shalt  }
0x79: {  	_ =	shalt  }
0x7a: {  	_ =	shalt  }
0x7b: {  	_ =	shalt  }
0x7c: {  	_ =	shalt  }
0x7d: {  	_ =	shalt  }
0x7e: {  	_ =	shalt  }
0x7f: {  	_ =	shalt  }
0x80: {  	_ =	shalt  }
0x81: {  	_ =	shalt  }
0x82: {  	_ =	shalt  }
0x83: {  	_ =	shalt  }
0x84: {  	_ =	shalt  }
0x85: {  	_ =	shalt  }
0x86: {  	_ =	shalt  }
0x87: {  	_ =	shalt  }
.Lfunc_end0:
.L_simem_size_0:
called_computation.4_lowered:
.L_overlay_start_0:
0x88: {  	s2 =	sld [smem:$0x3FD9]  }
0x89: {  	s3 =	sld [smem:$0x3FFE];
	_ =	sdelay $0x1  }
0x8a: {  	s1 =	srdreg.scid  }
0x8b: {  	s0 =	sand.u32 $0x1, s1  }
0x8c: {  	s17 =	sshll.u32 s0, $0xA;
	s2 =	sadd.s32 s3, s2  }
0x8d: {  	s2 =	sadd.s32 s2, s17  }
0x8e: {  	[smem:$0x3FB7] =	sst s2  }
0x8f: {  	_ = 	snop  }
0x90: {  	s2 =	sld [smem:$0x3FD0];
	(tm) =	ssettm $0x1  }
0x91: {  	s18 =	sld [smem:$0x3FFB];
	_ =	sdelay $0x3  }
0x92: {  	_ =	strace s18  }
0x93: {  	s3 =	sld [smem:$0x3FFC];
	_ =	sdelay $0x3  }
0x94: {  	_ =	strace s3  }
0x95: {  	s3 =	sld [smem:$0x3FFD];
	_ =	sdelay $0x3  }
0x96: {  	_ =	strace s3  }
0x97: {  	_ =	strace $0x8FFFFFFF  }
0x98: {  	s19 =	sld [smem:$0x3FDB];
	_ =	sdelay $0x1  }
0x99: {  	s4 =	simm.s32 $_scs_section_size  }
0x9a: {  	s5 =	simm.s32 $_size__tile_overlayer_lowered;
	s6 =	simm.s32 $_tile_overlayer_lowered  }
0x9b: {  	s22 =	simm.s32 $0x1BFF;
	s21 =	sshll.u32 s6, $0x1;
	s3 =	sadd.s32 s4, s19  }
0x9c: {  	s7 =	simm.s32 $0x0;
	s20 =	sshll.u32 s5, $0x1;
	s5 =	sadd.s32 s21, s3  }
0x9d: {  	[timem:s7], [sflag:s22] =	dma.local [hbm:s5], s20  }
0x9e: {  	_ =	swait.ge [sflag:s22], s20  }
0x9f: {  	s4 =	ssub.s32 $0x0, s20;
	[sflag:s22] =	ssyncset.done $0x0  }
0xa0: {  	[sflag:s22] =	ssyncadd.s32 s4;
	_ =	sdelay $0x1  }
0xa1: {  	s23 =	simm.s32 $0x1B8B  }
0xa2: {  	_ =	swait.ge [sflag:s23], $0x1  }
0xa3: {  	[sflag:s23] =	ssyncset.done $0x0  }
0xa4: {  	s25 =	simm.s32 $0x1B8E;
	s24 =	sld [smem:$0x3FFE];
	[sflag:s23] =	ssyncadd.s32 $0xFFFFFFFF  }
0xa5: {  	s26 =	simm.s32 $execute0_lowered;
	[smem:$0x3FD2] =	sst s25  }
0xa6: {  	s5 =	sshll.u32 s26, $0x1;
	_ =	strace $0x80000052;
	[dreg:$0x1] =	wrdreg $0xFFFFFFFF  }
0xa7: {  	s28 =	simm.s32 $_size_execute0_lowered;
	s3 =	sadd.s32 s3, s5;
	[dreg:$0x0] =	wrdreg $0x0  }
0xa8: {  	s5 =	sshll.u32 s28, $0x1;
	[dreg:$0x2] =	wrdreg s3  }
0xa9: {  	[dreg:$0x3] =	wrdreg s5  }
0xaa: {  	[dreg:$0x4] =	wrdreg $0xC0  }
0xab: {  	_ =	task [dreg:s7], $0x5FFFF  }
0xac: {  	[dreg:$0x1] =	wrdreg $0xFFFFFFFF  }
0xad: {  	[dreg:$0x0] =	wrdreg $0x60  }
0xae: {  	[dreg:$0x2] =	wrdreg s2  }
0xaf: {  	[dreg:$0x3] =	wrdreg s24  }
0xb0: {  	[dreg:$0x4] =	wrdreg $0x0  }
0xb1: {  	[dreg:$0x5] =	wrdreg $0x9  }
0xb2: {  	_ =	task.clear_ibuf [dreg:s7], $0x6FFFF;
	_ =	strace $0x90000052  }
0xb3: {  	s29 =	simm.s32 $0x9;
	_ =	strace $0x80000054  }
0xb4: {  	_ =	swait.ge [sflag:s29], $0x1  }
0xb5: {  	[sflag:s29] =	ssyncadd.s32 $0xFFFFFFFF  }
0xb6: {  	_ =	strace $0x90000054  }
0xb7: {  	_ =	sfence  }
0xb8: {  	s30 =	sld [smem:$0x0];
	_ =	sdelay $0x2  }
0xb9: {  	s31 =	sshll.u32 s1, $0xD;
	s1 =	sshrl.u32 s1, $0x2  }
0xba: {  	s3 =	sand.u32 $0x4000, s31;
	s1 =	sadd.s32 s1, s30  }
0xbb: {  	s0 =	sor.u32 s3, s0;
	s1 =	sshll.u32 s1, $0x11  }
0xbc: {  	s0 =	sor.u32 s1, s0  }
0xbd: {  	s0 =	sadd.s32 $0x8F2B, s0  }
0xbe: {  	[sflag:s0] =	ssyncadd.remote.s32 $0x1  }
0xbf: {  	_ =	sfence.sel $0xFFFF  }
0xc0: {  	[dreg:$0x0] =	wrdreg $0xFFFFFFFF;
	(pc) =	sbr.abs _section_cstart, $3  }
0xc1: {  	[dreg:$0x1] =	wrdreg $0xFFFFFFFF  }
0xc2: {  	_ =	task.clear_ibuf [dreg:s7], $0x2FFFF;
	_ =	strace $0x9FFFFFFF  }
0xc3: {  	(tm) =	ssettm $0x7FFFFFFF  }
tec
execute0_lowered:
.L_overlay_start_1:
0x0: {  	(tag) =	ssettag $0x1  }
0x1: {  	s1 =	rddreg [dreg:$0x0]  }
0x2: {  	s5 =	rddreg [dreg:$0x1]  }
0x3: {  	s0 =	srdreg.scid;
	s3 =	rddreg [dreg:$0x2]  }
0x4: {  	s2 =	rddreg [dreg:$0x3];
	s4 =	simm.s32 $0x0;
	s6 =	sand.u32 $0x1, s0  }
0x5: {  	s13 =	simm.s32 $0x2;
	s0 =	stileid.u32;
	s7 =	smul.u32 $0x27100, s6  }
0x6: {  	s14 =	simm.s32 $0x13980;
	s15 =	simm.s32 $0xC8;
	s8 =	smul.u32 $0x2710, s0  }
0x7: {  	s16 =	simm.s32 $0x13A80;
	s17 =	simm.s32 $0x1;
	s9 =	smul.u32 $0x138800, s6  }
0x8: {  	s18 =	simm.s32 $0x0;
	[smem:$0x7FF] =	sst s4;
	s26 =	smul.u32 $0x1F400, s0  }
0x9: {  	_ =	strace $0x80000053;
	s29 =	smul.u32 $0x7D000, s0;
	s6 =	ssub.s32 $0x2, s6  }
0xa: {  	s30 =	smul.u32 $0x3E80, s0;
	p0 =	sgt.u32 s0, $0x9;
	s7 =	sadd.s32 s8, s7  }
0xb: {  	s31 =	sshrl.u32 s6, $0x1;
	s28 =	sadd.s32 s26, s9;
	s7 =	sshrl.u32 s7, $0x3  }
0xc: {  	s8 =	sshrl.u32 s29, $0x2;
	s10 =	sadd.s32 s7, s5;
	s7 =	sshrl.u32 s28, $0x3  }
0xd: {  	s11 =	ssub.s32 s6, s31;
	s12 =	sadd.s32 s8, s3;
	s7 =	sadd.s32 s7, s5  }
0xe: {  	s5 =	sadd.s32 s1, s30;
	s8 =	sadd.s32 $0xBE00, s10;
	s9 =	sadd.s32 $0x2000, s10  }
0xf: {  	s10 =	sshll.u32 @!p0 s0, $0x6;
	s6 =	sadd.s32 $0x15C00, s7;
	s7 =	smax.u32 s11, $0x1  }
0x10: {  	s10 =	sor.u32 @!p0 $0x1C02, s10;
	s11 =	sshrl.u32 @!p0 s12, $0x3;
	s12 =	simm.s32 $0x13880  }
.LBB2_1:
0x11: {  	[spmem:s11], [sflag:s10] =	dma.local @!p0 [hbm:s5], $0x3E80  }
0x12: {  	s19 =	simm.s32 @!p0 $0x2  }
0x13: {  	_ =	swait.ge @!p0 [sflag:s19], $0x3E80  }
0x14: {  	[sflag:s19] =	ssyncset.done @!p0 $0x0  }
0x15: {  	[sflag:s19] =	ssyncadd.s32 @!p0 $0xFFFFC180  }
0x16: {  	s30 =	sadd.s32 $0x0, s9;
	[bflag:$0x0] =	sbarrier.arrive $0xFFFF  }
0x17: {  	[tilespmem:s12], [sflag:$0x2] =	stream.linear.gather [hbm4b:s30+s4], $0xC8, $0x38;
	[tilespmem:$0x19E80] =	vst v63  }
0x18: {  	_ =	swait.ge [sflag:s13], $0xC8  }
0x19: {  	[sflag:s13] =	ssyncset.done $0x0  }
0x1a: {  	s31 =	sadd.s32 $0x0, s8;
	[sflag:s13] =	ssyncadd.s32 $0xFFFFFF38  }
0x1b: {  	[tilespmem:s14], [sflag:$0x2] =	stream.linear.gather [hbm4b:s31+s4], $0xC8, $0x38;
	[tilespmem:$0x19E80] =	vst v63  }
0x1c: {  	_ =	swait.ge [sflag:s13], $0xC8  }
0x1d: {  	[sflag:s13] =	ssyncset.done $0x0  }
0x1e: {  	[sflag:s13] =	ssyncadd.s32 $0xFFFFFF38  }
0x1f: {  	[tilespmem:s16], [sflag:$0x1] =	stream.indirect.gather [hbm4b:s1+s15], $0x80, s12, s15, $0xb8;
	[tilespmem:$0x19E80] =	vst v63  }
0x20: {  	_ =	swait.ge [sflag:s17], $0x6400  }
0x21: {  	[sflag:s17] =	ssyncset.done $0x0  }
0x22: {  	[sflag:s17] =	ssyncadd.s32 $0xFFFF9C00  }
0x23: {  	[spmem:s3] =	stream.indirect.scatter.add.f32 [tilespmem:s16], [sflag:$0x1], $0x80, s14, s15, $0xb8;
	[tilespmem:$0x19E80] =	vst v63  }
0x24: {  	_ =	swait.ge [sflag:s17], $0x6400  }
0x25: {  	s20 =	simm.s32 $0x32;
	s19 =	simm.s32 $0x19;
	[sflag:s17] =	ssyncset.done $0x0  }
.LBB2_2:
0x26: {  	s21 =	sadd.s32 s19, s9  }
0x27: {  	[sflag:s17] =	ssyncadd.s32 $0xFFFF9C00;
	s22 =	smov.u32 s20;
	s23 =	sadd.s32 $0x19, s20  }
0x28: {  	[tilespmem:s12], [sflag:$0x2] =	stream.linear.gather [hbm4b:s21+s4], $0xC8, $0x38;
	[tilespmem:$0x19E80] =	vst v63  }
0x29: {  	p1 =	sne.s32 s20, $0x4C9;
	_ =	swait.ge [sflag:s13], $0xC8  }
0x2a: {  	[sflag:s13] =	ssyncset.done $0x0  }
0x2b: {  	s20 =	sadd.s32 s19, s8;
	s19 =	smov.u32 s22;
	[sflag:s13] =	ssyncadd.s32 $0xFFFFFF38  }
0x2c: {  	[tilespmem:s14], [sflag:$0x2] =	stream.linear.gather [hbm4b:s20+s4], $0xC8, $0x38;
	[tilespmem:$0x19E80] =	vst v63  }
0x2d: {  	_ =	swait.ge [sflag:s13], $0xC8  }
0x2e: {  	[sflag:s13] =	ssyncset.done $0x0  }
0x2f: {  	[sflag:s13] =	ssyncadd.s32 $0xFFFFFF38  }
0x30: {  	[tilespmem:s16], [sflag:$0x1] =	stream.indirect.gather [hbm4b:s1+s15], $0x80, s12, s15, $0xb8;
	[tilespmem:$0x19E80] =	vst v63  }
0x31: {  	_ =	swait.ge [sflag:s17], $0x6400  }
.Ltmp0:
0x32: {  	[sflag:s17] =	ssyncset.done $0x0;
	(pc) =	sbr.rel @p1 .LBB2_2-.Ltmp0, $4  }
0x33: {  	[sflag:s17] =	ssyncadd.s32 $0xFFFF9C00  }
0x34: {  	[spmem:s3] =	stream.indirect.scatter.add.f32 [tilespmem:s16], [sflag:$0x1], $0x80, s14, s15, $0xb8;
	[tilespmem:$0x19E80] =	vst v63  }
0x35: {  	_ =	swait.ge [sflag:s17], $0x6400  }
0x36: {  	s20 =	smov.u32 s23;
	[sflag:s17] =	ssyncset.done $0x0  }
0x37: {  	s20 =	sadd.s32 s19, s9;
	[sflag:s17] =	ssyncadd.s32 $0xFFFF9C00  }
0x38: {  	[tilespmem:s12], [sflag:$0x2] =	stream.linear.gather [hbm4b:s20+s4], $0xC8, $0x38;
	[tilespmem:$0x19E80] =	vst v63  }
0x39: {  	_ =	swait.ge [sflag:s13], $0xC8  }
0x3a: {  	[sflag:s13] =	ssyncset.done $0x0  }
0x3b: {  	s31 =	sadd.s32 s19, s8;
	[sflag:s13] =	ssyncadd.s32 $0xFFFFFF38  }
0x3c: {  	[tilespmem:s14], [sflag:$0x2] =	stream.linear.gather [hbm4b:s31+s4], $0xC8, $0x38;
	[tilespmem:$0x19E80] =	vst v63  }
0x3d: {  	_ =	swait.ge [sflag:s13], $0xC8  }
0x3e: {  	[sflag:s13] =	ssyncset.done $0x0  }
0x3f: {  	[sflag:s13] =	ssyncadd.s32 $0xFFFFFF38  }
0x40: {  	[tilespmem:s16], [sflag:$0x1] =	stream.indirect.gather [hbm4b:s1+s15], $0x80, s12, s15, $0xb8;
	[tilespmem:$0x19E80] =	vst v63  }
0x41: {  	_ =	swait.ge [sflag:s17], $0x6400  }
0x42: {  	[sflag:s17] =	ssyncset.done $0x0  }
0x43: {  	[sflag:s17] =	ssyncadd.s32 $0xFFFF9C00  }
0x44: {  	[spmem:s3] =	stream.indirect.scatter.add.f32 [tilespmem:s16], [sflag:$0x1], $0x80, s14, s15, $0xb8;
	[tilespmem:$0x19E80] =	vst v63  }
0x45: {  	_ =	swait.ge [sflag:s17], $0x6400  }
0x46: {  	s18 =	sadd.s32 $0x1, s18;
	[sflag:s17] =	ssyncset.done $0x0  }
0x47: {  	p1 =	sne.s32 s18, s7;
	[sflag:s17] =	ssyncadd.s32 $0xFFFF9C00  }
.Ltmp1:
0x48: {  	s19 =	simm.s32 @!p0 $0x2;
	[bflag:$0x0] =	sbarrier.arrive $0xFFFF;
	(pc) =	sbr.rel @p1 .LBB2_1-.Ltmp1, $4  }
0x49: {  	[hbm:s6], [sflag:s10] =	dma.local @!p0 [spmem:s11], $0x3E80  }
0x4a: {  	_ =	swait.ge @!p0 [sflag:s19], $0x3E80  }
0x4b: {  	[sflag:s19] =	ssyncset.done @!p0 $0x0  }
0x4c: {  	[sflag:s19] =	ssyncadd.s32 @!p0 $0xFFFFC180  }
0x4d: {  	_ =	sfence.sel $0x180000  }
0x4e: {  	[bflag:$0x0] =	sbarrier.arrive $0xFFFF  }
0x4f: {  	p0 =	sne.s32 s0, $0x0;
	_ =	strace $0x90000053  }
0x50: {  	s0 =	sadd.s32 @!p0 $0x100000, s2;
	[bflag:$0x2] =	sbarrier.arrive $0xFFFF  }
0x51: {  	[sflag:s0] =	ssyncadd.tile.s32 @!p0 $0x1;
	_ =	shalt  }
.Lfunc_end2:
_tile_overlayer_lowered:
.L_overlay_start_2:
0x52: {  	(tag) =	ssettag $0x2  }
0x53: {  	s0 =	rddreg [dreg:$0x0];
	s2 =	stileid.u32  }
0x54: {  	s1 =	rddreg [dreg:$0x1];
	p0 =	sne.s32 s2, $0x0  }
0x55: {  	s3 =	rddreg [dreg:$0x2];
	[bflag:$0x3] =	sbarrier.arrive $0xFFFF;
	s2 =	simm.s32 @!p0 $0x1C02  }
0x56: {  	[timem:s3], [sflag:s2] =	dma.local @!p0 [hbm:s0], s1  }
0x57: {  	s0 =	simm.s32 @!p0 $0x2  }
0x58: {  	_ =	swait.ge @!p0 [sflag:s0], s1  }
0x59: {  	s1 =	ssub.s32 @!p0 $0x0, s1;
	[sflag:s0] =	ssyncset.done @!p0 $0x0  }
0x5a: {  	[sflag:s0] =	ssyncadd.s32 @!p0 s1  }
0x5b: {  	[bflag:$0x3] =	sbarrier.arrive $0xFFFF  }
0x5c: {  	_ =	shalt  }

// kernel: kernel.6.cloned.1.call-start
scs
__scs_entry_jumppad:
0x0: {  	(pc) =	sbr.rel $0x88, $3  }
0x1: {  	(tag) =	ssettag $0x0;
	lr =	simm.s32 $0x1  }
0x2: {  	[smem:$0x3F90] =	sst lr;
	_ =	strace $0xD0000000  }
0x3: {  	_ = 	snop  }
0x4: {  	_ = 	snop  }
0x5: {  	_ = 	snop  }
0x6: {  	_ = 	snop  }
0x7: {  	_ = 	snop  }
__scs_overlays_trampoline_lowered:
0x8: {  	[smem:$0x3F9F] =	sst s0  }
0x9: {  	[smem:$0x3FA0] =	sst s1  }
0xa: {  	[smem:$0x3FA1] =	sst s2  }
0xb: {  	[smem:$0x3FA2] =	sst s3  }
0xc: {  	[smem:$0x3FA3] =	sst s4  }
0xd: {  	[smem:$0x3FA4] =	sst s5  }
0xe: {  	[smem:$0x3FA5] =	sst s6  }
0xf: {  	[smem:$0x3FA6] =	sst s7  }
0x10: {  	[smem:$0x3FA7] =	sst s8  }
0x11: {  	[smem:$0x3FA8] =	sst s9;
	s0 =	simm.s32 @!p0 $0x0  }
0x12: {  	s1 =	sld [smem:$0x3F8E];
	s0 =	simm.s32 @p0 $0x1  }
0x13: {  	[smem:$0x3FA9] =	sst s0;
	s0 =	simm.s32 @!p1 $0x0  }
0x14: {  	s2 =	sld [smem:$0x3F8D];
	s0 =	simm.s32 @p1 $0x1  }
0x15: {  	[smem:$0x3FAA] =	sst s0;
	s0 =	simm.s32 @!p2 $0x0  }
0x16: {  	s3 =	sld [smem:$0x3FDB];
	s0 =	simm.s32 @p2 $0x1  }
0x17: {  	s4 =	simm.s32 $0x1BF5;
	[smem:$0x3FAC] =	sst s0  }
0x18: {  	s0 =	sld [smem:$0x3F8F];
	_ =	swait.ge [sflag:s4], $0x0  }
0x19: {  	s7 =	sld [smem:$0x3F90]  }
0x1a: {  	s8 =	sadd.s32 $0xFFFFE003, lr  }
0x1b: {  	s9 =	sadd.s32 $0xFFFFFEF7, lr;
	s5 =	simm.s32 $0xFFFFFFFF;
	p2 =	slt.u32 s8, $0xFFFFF086  }
0x1c: {  	p1 =	slt.u32 s9, $0xF7A;
	s5 =	simm.s32 @!p2 $0x0  }
0x1d: {  	s5 =	simm.s32 @p1 $0x1;
	p0 =	seq.s32 s7, s2  }
0x1e: {  	s7 =	smul.u32 @!p0 $0xF7A, s2;
	p2 =	seq.s32 @!p0 s5, $0x0  }
0x1f: {  	s9 =	smul.u32 $0xF7A, s1;
	s8 =	simm.s32 @!p0 $0x1BF5;
	p2 =	por !p2, p0  }
0x20: {  	[sflag:s8] =	ssyncset.s32 @!p0 $0xFFFFF086;
	s6 =	sadd.s32 @!p0 s3, s7;
	s7 =	simm.s32 @!p0 $0x108  }
0x21: {  	s3 =	sadd.s32 s3, s9;
	s6 =	sadd.s32 @!p0 $0x88, s6;
	s7 =	simm.s32 @p2 $0x1082  }
0x22: {  	[simem:s7], [sflag:s8] =	dma.local @!p0 [hbm:s6], $0xF7A  }
0x23: {  	s9 =	sor.u32 $0xD0000000, s2;
	s6 =	simm.s32 $0x108;
	_ =	swait.ge @!p0 [sflag:s8], $0x0  }
0x24: {  	s3 =	sadd.s32 $0x88, s3;
	s6 =	simm.s32 @!p1 $0x1082;
	[sflag:s4] =	ssyncset.s32 $0xFFFFF086  }
0x25: {  	[simem:s6], [sflag:s4] =	dma.local [hbm:s3], $0xF7A  }
0x26: {  	[smem:$0x3F90] =	sst s1;
	(tag) =	ssettag s2;
	_ =	strace s9  }
0x27: {  	s1 =	sld [smem:$0x3FA0]  }
0x28: {  	s2 =	sld [smem:$0x3FA1]  }
0x29: {  	s4 =	sld [smem:$0x3FA3]  }
0x2a: {  	p0 =	seq.s32 s5, $0x0;
	s5 =	sld [smem:$0x3FA4]  }
0x2b: {  	s6 =	sld [smem:$0x3FA5]  }
0x2c: {  	s7 =	sld [smem:$0x3FA6]  }
0x2d: {  	s3 =	simm.s32 $0x108;
	s8 =	sld [smem:$0x3FA7]  }
0x2e: {  	s3 =	simm.s32 @!p0 $0x1082;
	s9 =	sld [smem:$0x3FA8]  }
0x2f: {  	lr =	sadd.s32 s0, s3;
	s0 =	sld [smem:$0x3F9F]  }
0x30: {  	s3 =	sld [smem:$0x3FA2]  }
0x31: {  	[smem:$0x3FAB] =	sst s10  }
0x32: {  	s10 =	sld [smem:$0x3FA9];
	_ =	sdelay $0x3  }
0x33: {  	p0 =	seq.s32 s10, $0x1;
	s10 =	sld [smem:$0x3FAB];
	_ =	sdelay $0x3  }
0x34: {  	[smem:$0x3FAB] =	sst s10  }
0x35: {  	s10 =	sld [smem:$0x3FAA];
	_ =	sdelay $0x3  }
0x36: {  	p1 =	seq.s32 s10, $0x1;
	s10 =	sld [smem:$0x3FAB];
	_ =	sdelay $0x3  }
0x37: {  	[smem:$0x3FAB] =	sst s10  }
0x38: {  	s10 =	sld [smem:$0x3FAC]  }
0x39: {  	_ = 	snop;
	(pc) =	sbr.ind lr, $3  }
0x3a: {  	_ = 	snop  }
0x3b: {  	_ = 	snop  }
0x3c: {  	p2 =	seq.s32 s10, $0x1;
	s10 =	sld [smem:$0x3FAB]  }
0x3d: {  	_ =	shalt  }
0x3e: {  	_ =	shalt  }
0x3f: {  	_ =	shalt  }
0x40: {  	_ =	shalt  }
0x41: {  	_ =	shalt  }
0x42: {  	_ =	shalt  }
0x43: {  	_ =	shalt  }
0x44: {  	_ =	shalt  }
0x45: {  	_ =	shalt  }
0x46: {  	_ =	shalt  }
0x47: {  	_ =	shalt  }
0x48: {  	_ =	shalt  }
0x49: {  	_ =	shalt  }
0x4a: {  	_ =	shalt  }
0x4b: {  	_ =	shalt  }
0x4c: {  	_ =	shalt  }
0x4d: {  	_ =	shalt  }
0x4e: {  	_ =	shalt  }
0x4f: {  	_ =	shalt  }
0x50: {  	_ =	shalt  }
0x51: {  	_ =	shalt  }
0x52: {  	_ =	shalt  }
0x53: {  	_ =	shalt  }
0x54: {  	_ =	shalt  }
0x55: {  	_ =	shalt  }
0x56: {  	_ =	shalt  }
0x57: {  	_ =	shalt  }
0x58: {  	_ =	shalt  }
0x59: {  	_ =	shalt  }
0x5a: {  	_ =	shalt  }
0x5b: {  	_ =	shalt  }
0x5c: {  	_ =	shalt  }
0x5d: {  	_ =	shalt  }
0x5e: {  	_ =	shalt  }
0x5f: {  	_ =	shalt  }
0x60: {  	_ =	shalt  }
0x61: {  	_ =	shalt  }
0x62: {  	_ =	shalt  }
0x63: {  	_ =	shalt  }
0x64: {  	_ =	shalt  }
0x65: {  	_ =	shalt  }
0x66: {  	_ =	shalt  }
0x67: {  	_ =	shalt  }
0x68: {  	_ =	shalt  }
0x69: {  	_ =	shalt  }
0x6a: {  	_ =	shalt  }
0x6b: {  	_ =	shalt  }
0x6c: {  	_ =	shalt  }
0x6d: {  	_ =	shalt  }
0x6e: {  	_ =	shalt  }
0x6f: {  	_ =	shalt  }
0x70: {  	_ =	shalt  }
0x71: {  	_ =	shalt  }
0x72: {  	_ =	shalt  }
0x73: {  	_ =	shalt  }
0x74: {  	_ =	shalt  }
0x75: {  	_ =	shalt  }
0x76: {  	_ =	shalt  }
0x77: {  	_ =	shalt  }
0x78: {  	_ =	shalt  }
0x79: {  	_ =	shalt  }
0x7a: {  	_ =	shalt  }
0x7b: {  	_ =	shalt  }
0x7c: {  	_ =	shalt  }
0x7d: {  	_ =	shalt  }
0x7e: {  	_ =	shalt  }
0x7f: {  	_ =	shalt  }
0x80: {  	_ =	shalt  }
0x81: {  	_ =	shalt  }
0x82: {  	_ =	shalt  }
0x83: {  	_ =	shalt  }
0x84: {  	_ =	shalt  }
0x85: {  	_ =	shalt  }
0x86: {  	_ =	shalt  }
0x87: {  	_ =	shalt  }
.Lfunc_end0:
.L_simem_size_0:
called_computation.2_lowered:
.L_overlay_start_0:
0x88: {  	s2 =	sld [smem:$0x3FD9]  }
0x89: {  	s3 =	sld [smem:$0x3FFE];
	_ =	sdelay $0x1  }
0x8a: {  	s1 =	srdreg.scid  }
0x8b: {  	s0 =	sand.u32 $0x1, s1  }
0x8c: {  	s16 =	sshll.u32 s0, $0xA;
	s2 =	sadd.s32 s3, s2  }
0x8d: {  	s2 =	sadd.s32 s2, s16  }
0x8e: {  	[smem:$0x3FB7] =	sst s2  }
0x8f: {  	_ = 	snop  }
0x90: {  	(tm) =	ssettm $0x1  }
0x91: {  	s17 =	sld [smem:$0x3FFB];
	_ =	sdelay $0x3  }
0x92: {  	_ =	strace s17  }
0x93: {  	s2 =	sld [smem:$0x3FFC];
	_ =	sdelay $0x3  }
0x94: {  	_ =	strace s2  }
0x95: {  	s2 =	sld [smem:$0x3FFD];
	_ =	sdelay $0x3  }
0x96: {  	_ =	strace s2  }
0x97: {  	_ =	strace $0x8FFFFFFF  }
0x98: {  	s18 =	sld [smem:$0x3FDB];
	_ =	sdelay $0x1  }
0x99: {  	s19 =	simm.s32 $_scs_section_size  }
0x9a: {  	s4 =	simm.s32 $_size__tile_overlayer_lowered;
	s5 =	simm.s32 $_tile_overlayer_lowered  }
0x9b: {  	s22 =	simm.s32 $0x1BFF;
	s21 =	sshll.u32 s5, $0x1;
	s2 =	sadd.s32 s19, s18  }
0x9c: {  	s6 =	simm.s32 $0x0;
	s20 =	sshll.u32 s4, $0x1;
	s4 =	sadd.s32 s21, s2  }
0x9d: {  	[timem:s6], [sflag:s22] =	dma.local [hbm:s4], s20  }
0x9e: {  	_ =	swait.ge [sflag:s22], s20  }
0x9f: {  	s3 =	ssub.s32 $0x0, s20;
	[sflag:s22] =	ssyncset.done $0x0  }
0xa0: {  	[sflag:s22] =	ssyncadd.s32 s3;
	_ =	sdelay $0x1  }
0xa1: {  	s23 =	simm.s32 $0x1B8B  }
0xa2: {  	_ =	swait.ge [sflag:s23], $0x1  }
0xa3: {  	[sflag:s23] =	ssyncset.done $0x0  }
0xa4: {  	s25 =	simm.s32 $0x1B8E;
	s24 =	sld [smem:$0x3FFE];
	[sflag:s23] =	ssyncadd.s32 $0xFFFFFFFF  }
0xa5: {  	s26 =	simm.s32 $execute0_lowered;
	[smem:$0x3FD2] =	sst s25  }
0xa6: {  	s4 =	sshll.u32 s26, $0x1;
	_ =	strace $0x80000046;
	[dreg:$0x1] =	wrdreg $0xFFFFFFFF  }
0xa7: {  	s28 =	simm.s32 $_size_execute0_lowered;
	s2 =	sadd.s32 s2, s4;
	[dreg:$0x0] =	wrdreg $0x0  }
0xa8: {  	s4 =	sshll.u32 s28, $0x1;
	[dreg:$0x2] =	wrdreg s2  }
0xa9: {  	[dreg:$0x3] =	wrdreg s4  }
0xaa: {  	[dreg:$0x4] =	wrdreg $0xC0  }
0xab: {  	_ =	task [dreg:s6], $0x5FFFF  }
0xac: {  	[dreg:$0x1] =	wrdreg $0xFFFFFFFF  }
0xad: {  	[dreg:$0x0] =	wrdreg $0x60  }
0xae: {  	[dreg:$0x2] =	wrdreg s24  }
0xaf: {  	[dreg:$0x3] =	wrdreg $0x9  }
0xb0: {  	_ =	task.clear_ibuf [dreg:s6], $0x4FFFF;
	_ =	strace $0x90000046  }
0xb1: {  	s29 =	simm.s32 $0x9;
	_ =	strace $0x80000048  }
0xb2: {  	_ =	swait.ge [sflag:s29], $0x1  }
0xb3: {  	[sflag:s29] =	ssyncadd.s32 $0xFFFFFFFF  }
0xb4: {  	_ =	strace $0x90000048  }
0xb5: {  	_ =	sfence  }
0xb6: {  	s30 =	sld [smem:$0x0];
	_ =	sdelay $0x2  }
0xb7: {  	s31 =	sshll.u32 s1, $0xD;
	s1 =	sshrl.u32 s1, $0x2  }
0xb8: {  	s3 =	sand.u32 $0x4000, s31;
	s1 =	sadd.s32 s1, s30  }
0xb9: {  	s0 =	sor.u32 s3, s0;
	s1 =	sshll.u32 s1, $0x11  }
0xba: {  	s0 =	sor.u32 s1, s0  }
0xbb: {  	s0 =	sadd.s32 $0x8F2B, s0  }
0xbc: {  	[sflag:s0] =	ssyncadd.remote.s32 $0x1  }
0xbd: {  	_ =	sfence.sel $0xFFFF  }
0xbe: {  	[dreg:$0x0] =	wrdreg $0xFFFFFFFF;
	(pc) =	sbr.abs _section_cstart, $3  }
0xbf: {  	[dreg:$0x1] =	wrdreg $0xFFFFFFFF  }
0xc0: {  	_ =	task.clear_ibuf [dreg:s6], $0x2FFFF;
	_ =	strace $0x9FFFFFFF  }
0xc1: {  	(tm) =	ssettm $0x7FFFFFFF  }
tec
execute0_lowered:
.L_overlay_start_1:
0x0: {  	(tag) =	ssettag $0x1  }
0x1: {  	s0 =	rddreg [dreg:$0x0];
	s1 =	simm.s32 $0x0;
	s25 =	srdreg.scid  }
0x2: {  	s7 =	stileid.u32;
	s10 =	simm.s32 $0x3;
	s12 =	simm.s32 $0x200  }
0x3: {  	s28 =	simm.s32 $0x13200;
	s29 =	simm.s32 $0x13A00;
	s30 =	simm.s32 $0x14200  }
0x4: {  	s31 =	simm.s32 $0x14A00;
	s11 =	simm.s32 $0x17200;
	s13 =	simm.s32 $0x17A00  }
0x5: {  	s14 =	simm.s32 $0x18200;
	s15 =	simm.s32 $0x18A00;
	s16 =	simm.s32 $0x1  }
0x6: {  	s17 =	simm.s32 $0x2;
	s19 =	simm.s32 $0x0;
	[smem:$0x7FF] =	sst s1  }
0x7: {  	s3 =	sadd.s32 $0x63E00, s0;
	s4 =	sadd.s32 $0x15C00, s0;
	s1 =	sand.u32 $0x1, s25  }
0x8: {  	s5 =	sadd.s32 $0x2000, s0;
	s6 =	sadd.s32 $0xBE00, s0;
	s9 =	sshll.u32 s7, $0x1  }
0x9: {  	s7 =	sadd.s32 $0xB2000, s0;
	s25 =	simm.s32 $0x12200;
	s2 =	ssub.s32 $0x2, s1  }
0xa: {  	_ =	strace $0x80000047;
	s1 =	sor.u32 s1, s9;
	s8 =	sshrl.u32 s2, $0x1  }
0xb: {  	v2 =	vlaneseq.u32;
	s9 =	simm.s32 $0x16200;
	s26 =	ssub.s32 s2, s8;
	s8 =	smul.u32 $0x2710, s1  }
0xc: {  	vm0 =	vmmov $0xffff;
	v1 =	vshrl.u32 v2, $0x3;
	s2 =	simm.s32 $0x15A00;
	s1 =	simm.s32 $0x16A00;
	s0 =	smax.u32 s26, $0x1  }
0xd: {  	v0 =	vand.u32 $0x7, v2;
	v2 =	vor.u32 $0x8, v2;
	v1 =	vmul.u32 $0x8, v1;
	s26 =	simm.s32 $0x12A00;
	[dreg:$0x2] =	wrdreg s0;
	s0 =	simm.s32 $0x15200  }
.LBB2_1:
0xe: {  	[dreg:$0x3] =	wrdreg s19;
	s18 =	simm.s32 $0x0  }
.LBB2_2:
0xf: {  	s19 =	smul.u32 $0xC8, s18;
	_ =	sdelay $0x1  }
0x10: {  	s19 =	sadd.s32 s8, s19  }
0x11: {  	s21 =	sshrl.u32 s19, $0x3  }
0x12: {  	s20 =	simm.s32 $0x0;
	s22 =	sadd.s32 s5, s21  }
0x13: {  	[tilespmem:s20], [sflag:$0x3] =	stream.linear.gather [hbm4b:s22+s20], $0xC8, $0x38;
	[tilespmem:$0x19200] =	vst v63  }
0x14: {  	_ =	swait.ge [sflag:s10], $0xC8  }
0x15: {  	[sflag:s10] =	ssyncset.done $0x0  }
0x16: {  	s24 =	simm.s32 $0x100;
	s21 =	sadd.s32 s6, s21;
	[sflag:s10] =	ssyncadd.s32 $0xFFFFFF38  }
0x17: {  	[tilespmem:s24], [sflag:$0x3] =	stream.linear.gather [hbm4b:s21+s20], $0xC8, $0x38;
	[tilespmem:$0x19200] =	vst v63  }
0x18: {  	_ =	swait.ge [sflag:s10], $0xC8  }
0x19: {  	[sflag:s10] =	ssyncset.done $0x0  }
0x1a: {  	[sflag:s10] =	ssyncadd.s32 $0xFFFFFF38  }
0x1b: {  	v3 =	vld [tilespmem:$0x0];
	_ =	sdelay $0x4  }
0x1c: {  	v4 =	vshll.u32 v3, $0x1  }
0x1d: {  	v3 =	vand.u32 $0x7, v3;
	v4 =	vand.u32 $0xFFFFFFF0, v4  }
0x1e: {  	v3 =	vor.u32 v3, v4  }
0x1f: {  	v4 =	vperm.xlane v3, v0;
	_ =	sdelay $0x1  }
0x20: {  	v3 =	vperm.xlane v3, v2;
	v4 =	vadd.s32 v1, v4;
	_ =	sdelay $0x1  }
0x21: {  	v3 =	vadd.s32 v1, v3;
	_ =	sdelay $0x2  }
0x22: {  	[tilespmem:s12], [sflag:$0x1] =	stream.indirect_vreg.gather [hbm4b:s3+s20], $0x80, v4, vm0, $0xb8;
	[tilespmem:$0x19200] =	vst v63  }
0x23: {  	s22 =	simm.s32 $0xA00  }
0x24: {  	[tilespmem:s22], [sflag:$0x1] =	stream.indirect_vreg.gather [hbm4b:s3+s20], $0x80, v3, vm0, $0xb8;
	[tilespmem:$0x19200] =	vst v63  }
0x25: {  	v3 =	vld [tilespmem:$0x10];
	_ =	sdelay $0x4  }
0x26: {  	v4 =	vshll.u32 v3, $0x1  }
0x27: {  	v3 =	vand.u32 $0x7, v3;
	v4 =	vand.u32 $0xFFFFFFF0, v4  }
0x28: {  	v3 =	vor.u32 v3, v4  }
0x29: {  	v4 =	vperm.xlane v3, v0;
	_ =	sdelay $0x1  }
0x2a: {  	v3 =	vperm.xlane v3, v2;
	v4 =	vadd.s32 v1, v4;
	_ =	sdelay $0x1  }
0x2b: {  	v3 =	vadd.s32 v1, v3;
	_ =	sdelay $0x1  }
0x2c: {  	s23 =	simm.s32 $0x1200  }
0x2d: {  	[tilespmem:s23], [sflag:$0x1] =	stream.indirect_vreg.gather [hbm4b:s3+s20], $0x80, v4, vm0, $0xb8;
	[tilespmem:$0x19200] =	vst v63  }
0x2e: {  	s24 =	simm.s32 $0x1A00  }
0x2f: {  	[tilespmem:s24], [sflag:$0x1] =	stream.indirect_vreg.gather [hbm4b:s3+s20], $0x80, v3, vm0, $0xb8;
	[tilespmem:$0x19200] =	vst v63  }
0x30: {  	v3 =	vld [tilespmem:$0x20];
	_ =	sdelay $0x4  }
0x31: {  	v4 =	vshll.u32 v3, $0x1  }
0x32: {  	v3 =	vand.u32 $0x7, v3;
	v4 =	vand.u32 $0xFFFFFFF0, v4  }
0x33: {  	v3 =	vor.u32 v3, v4  }
0x34: {  	v4 =	vperm.xlane v3, v0;
	_ =	sdelay $0x1  }
0x35: {  	v3 =	vperm.xlane v3, v2;
	v4 =	vadd.s32 v1, v4;
	_ =	sdelay $0x1  }
0x36: {  	v3 =	vadd.s32 v1, v3;
	_ =	sdelay $0x1  }
0x37: {  	s22 =	simm.s32 $0x2200  }
0x38: {  	[tilespmem:s22], [sflag:$0x1] =	stream.indirect_vreg.gather [hbm4b:s3+s20], $0x80, v4, vm0, $0xb8;
	[tilespmem:$0x19200] =	vst v63  }
0x39: {  	s23 =	simm.s32 $0x2A00  }
0x3a: {  	[tilespmem:s23], [sflag:$0x1] =	stream.indirect_vreg.gather [hbm4b:s3+s20], $0x80, v3, vm0, $0xb8;
	[tilespmem:$0x19200] =	vst v63  }
0x3b: {  	v3 =	vld [tilespmem:$0x30];
	_ =	sdelay $0x4  }
0x3c: {  	v4 =	vshll.u32 v3, $0x1  }
0x3d: {  	v3 =	vand.u32 $0x7, v3;
	v4 =	vand.u32 $0xFFFFFFF0, v4  }
0x3e: {  	v3 =	vor.u32 v3, v4  }
0x3f: {  	v4 =	vperm.xlane v3, v0;
	_ =	sdelay $0x1  }
0x40: {  	v3 =	vperm.xlane v3, v2;
	v4 =	vadd.s32 v1, v4;
	_ =	sdelay $0x1  }
0x41: {  	v3 =	vadd.s32 v1, v3;
	_ =	sdelay $0x1  }
0x42: {  	s24 =	simm.s32 $0x3200  }
0x43: {  	[tilespmem:s24], [sflag:$0x1] =	stream.indirect_vreg.gather [hbm4b:s3+s20], $0x80, v4, vm0, $0xb8;
	[tilespmem:$0x19200] =	vst v63  }
0x44: {  	s22 =	simm.s32 $0x3A00  }
0x45: {  	[tilespmem:s22], [sflag:$0x1] =	stream.indirect_vreg.gather [hbm4b:s3+s20], $0x80, v3, vm0, $0xb8;
	[tilespmem:$0x19200] =	vst v63  }
0x46: {  	v3 =	vld [tilespmem:$0x40];
	_ =	sdelay $0x4  }
0x47: {  	v4 =	vshll.u32 v3, $0x1  }
0x48: {  	v3 =	vand.u32 $0x7, v3;
	v4 =	vand.u32 $0xFFFFFFF0, v4  }
0x49: {  	v3 =	vor.u32 v3, v4  }
0x4a: {  	v4 =	vperm.xlane v3, v0;
	_ =	sdelay $0x1  }
0x4b: {  	v3 =	vperm.xlane v3, v2;
	v4 =	vadd.s32 v1, v4;
	_ =	sdelay $0x1  }
0x4c: {  	v3 =	vadd.s32 v1, v3;
	_ =	sdelay $0x1  }
0x4d: {  	s23 =	simm.s32 $0x4200  }
0x4e: {  	[tilespmem:s23], [sflag:$0x1] =	stream.indirect_vreg.gather [hbm4b:s3+s20], $0x80, v4, vm0, $0xb8;
	[tilespmem:$0x19200] =	vst v63  }
0x4f: {  	s24 =	simm.s32 $0x4A00  }
0x50: {  	[tilespmem:s24], [sflag:$0x1] =	stream.indirect_vreg.gather [hbm4b:s3+s20], $0x80, v3, vm0, $0xb8;
	[tilespmem:$0x19200] =	vst v63  }
0x51: {  	v3 =	vld [tilespmem:$0x50];
	_ =	sdelay $0x4  }
0x52: {  	v4 =	vshll.u32 v3, $0x1  }
0x53: {  	v3 =	vand.u32 $0x7, v3;
	v4 =	vand.u32 $0xFFFFFFF0, v4  }
0x54: {  	v3 =	vor.u32 v3, v4  }
0x55: {  	v4 =	vperm.xlane v3, v0;
	_ =	sdelay $0x1  }
0x56: {  	v3 =	vperm.xlane v3, v2;
	v4 =	vadd.s32 v1, v4;
	_ =	sdelay $0x1  }
0x57: {  	v3 =	vadd.s32 v1, v3;
	_ =	sdelay $0x1  }
0x58: {  	s22 =	simm.s32 $0x5200  }
0x59: {  	[tilespmem:s22], [sflag:$0x1] =	stream.indirect_vreg.gather [hbm4b:s3+s20], $0x80, v4, vm0, $0xb8;
	[tilespmem:$0x19200] =	vst v63  }
0x5a: {  	s23 =	simm.s32 $0x5A00  }
0x5b: {  	[tilespmem:s23], [sflag:$0x1] =	stream.indirect_vreg.gather [hbm4b:s3+s20], $0x80, v3, vm0, $0xb8;
	[tilespmem:$0x19200] =	vst v63  }
0x5c: {  	v3 =	vld [tilespmem:$0x60];
	_ =	sdelay $0x4  }
0x5d: {  	v4 =	vshll.u32 v3, $0x1  }
0x5e: {  	v3 =	vand.u32 $0x7, v3;
	v4 =	vand.u32 $0xFFFFFFF0, v4  }
0x5f: {  	v3 =	vor.u32 v3, v4  }
0x60: {  	v4 =	vperm.xlane v3, v0;
	_ =	sdelay $0x1  }
0x61: {  	v3 =	vperm.xlane v3, v2;
	v4 =	vadd.s32 v1, v4;
	_ =	sdelay $0x1  }
0x62: {  	v3 =	vadd.s32 v1, v3;
	_ =	sdelay $0x1  }
0x63: {  	s24 =	simm.s32 $0x6200  }
0x64: {  	[tilespmem:s24], [sflag:$0x1] =	stream.indirect_vreg.gather [hbm4b:s3+s20], $0x80, v4, vm0, $0xb8;
	[tilespmem:$0x19200] =	vst v63  }
0x65: {  	s22 =	simm.s32 $0x6A00  }
0x66: {  	[tilespmem:s22], [sflag:$0x1] =	stream.indirect_vreg.gather [hbm4b:s3+s20], $0x80, v3, vm0, $0xb8;
	[tilespmem:$0x19200] =	vst v63  }
0x67: {  	v3 =	vld [tilespmem:$0x70];
	_ =	sdelay $0x4  }
0x68: {  	v4 =	vshll.u32 v3, $0x1  }
0x69: {  	v3 =	vand.u32 $0x7, v3;
	v4 =	vand.u32 $0xFFFFFFF0, v4  }
0x6a: {  	v3 =	vor.u32 v3, v4  }
0x6b: {  	v4 =	vperm.xlane v3, v0;
	_ =	sdelay $0x1  }
0x6c: {  	v3 =	vperm.xlane v3, v2;
	v4 =	vadd.s32 v1, v4;
	_ =	sdelay $0x1  }
0x6d: {  	v3 =	vadd.s32 v1, v3;
	_ =	sdelay $0x1  }
0x6e: {  	s23 =	simm.s32 $0x7200  }
0x6f: {  	[tilespmem:s23], [sflag:$0x1] =	stream.indirect_vreg.gather [hbm4b:s3+s20], $0x80, v4, vm0, $0xb8;
	[tilespmem:$0x19200] =	vst v63  }
0x70: {  	s24 =	simm.s32 $0x7A00  }
0x71: {  	[tilespmem:s24], [sflag:$0x1] =	stream.indirect_vreg.gather [hbm4b:s3+s20], $0x80, v3, vm0, $0xb8;
	[tilespmem:$0x19200] =	vst v63  }
0x72: {  	v3 =	vld [tilespmem:$0x80];
	_ =	sdelay $0x4  }
0x73: {  	v4 =	vshll.u32 v3, $0x1  }
0x74: {  	v3 =	vand.u32 $0x7, v3;
	v4 =	vand.u32 $0xFFFFFFF0, v4  }
0x75: {  	v3 =	vor.u32 v3, v4  }
0x76: {  	v4 =	vperm.xlane v3, v0;
	_ =	sdelay $0x1  }
0x77: {  	v3 =	vperm.xlane v3, v2;
	v4 =	vadd.s32 v1, v4;
	_ =	sdelay $0x1  }
0x78: {  	v3 =	vadd.s32 v1, v3;
	_ =	sdelay $0x1  }
0x79: {  	s22 =	simm.s32 $0x8200  }
0x7a: {  	[tilespmem:s22], [sflag:$0x1] =	stream.indirect_vreg.gather [hbm4b:s3+s20], $0x80, v4, vm0, $0xb8;
	[tilespmem:$0x19200] =	vst v63  }
0x7b: {  	s23 =	simm.s32 $0x8A00  }
0x7c: {  	[tilespmem:s23], [sflag:$0x1] =	stream.indirect_vreg.gather [hbm4b:s3+s20], $0x80, v3, vm0, $0xb8;
	[tilespmem:$0x19200] =	vst v63  }
0x7d: {  	v3 =	vld [tilespmem:$0x90];
	_ =	sdelay $0x4  }
0x7e: {  	v4 =	vshll.u32 v3, $0x1  }
0x7f: {  	v3 =	vand.u32 $0x7, v3;
	v4 =	vand.u32 $0xFFFFFFF0, v4  }
0x80: {  	v3 =	vor.u32 v3, v4  }
0x81: {  	v4 =	vperm.xlane v3, v0;
	_ =	sdelay $0x1  }
0x82: {  	v3 =	vperm.xlane v3, v2;
	v4 =	vadd.s32 v1, v4;
	_ =	sdelay $0x1  }
0x83: {  	v3 =	vadd.s32 v1, v3;
	_ =	sdelay $0x1  }
0x84: {  	s24 =	simm.s32 $0x9200  }
0x85: {  	[tilespmem:s24], [sflag:$0x1] =	stream.indirect_vreg.gather [hbm4b:s3+s20], $0x80, v4, vm0, $0xb8;
	[tilespmem:$0x19200] =	vst v63  }
0x86: {  	s22 =	simm.s32 $0x9A00  }
0x87: {  	[tilespmem:s22], [sflag:$0x1] =	stream.indirect_vreg.gather [hbm4b:s3+s20], $0x80, v3, vm0, $0xb8;
	[tilespmem:$0x19200] =	vst v63  }
0x88: {  	v3 =	vld [tilespmem:$0xA0];
	_ =	sdelay $0x4  }
0x89: {  	v4 =	vshll.u32 v3, $0x1  }
0x8a: {  	v3 =	vand.u32 $0x7, v3;
	v4 =	vand.u32 $0xFFFFFFF0, v4  }
0x8b: {  	v3 =	vor.u32 v3, v4  }
0x8c: {  	v4 =	vperm.xlane v3, v0;
	_ =	sdelay $0x1  }
0x8d: {  	v3 =	vperm.xlane v3, v2;
	v4 =	vadd.s32 v1, v4;
	_ =	sdelay $0x1  }
0x8e: {  	v3 =	vadd.s32 v1, v3;
	_ =	sdelay $0x1  }
0x8f: {  	s23 =	simm.s32 $0xA200  }
0x90: {  	[tilespmem:s23], [sflag:$0x1] =	stream.indirect_vreg.gather [hbm4b:s3+s20], $0x80, v4, vm0, $0xb8;
	[tilespmem:$0x19200] =	vst v63  }
0x91: {  	s24 =	simm.s32 $0xAA00  }
0x92: {  	[tilespmem:s24], [sflag:$0x1] =	stream.indirect_vreg.gather [hbm4b:s3+s20], $0x80, v3, vm0, $0xb8;
	[tilespmem:$0x19200] =	vst v63  }
0x93: {  	v3 =	vld [tilespmem:$0xB0];
	_ =	sdelay $0x4  }
0x94: {  	v4 =	vshll.u32 v3, $0x1  }
0x95: {  	v3 =	vand.u32 $0x7, v3;
	v4 =	vand.u32 $0xFFFFFFF0, v4  }
0x96: {  	v3 =	vor.u32 v3, v4  }
0x97: {  	v4 =	vperm.xlane v3, v0;
	_ =	sdelay $0x1  }
0x98: {  	v3 =	vperm.xlane v3, v2;
	v4 =	vadd.s32 v1, v4;
	_ =	sdelay $0x1  }
0x99: {  	v3 =	vadd.s32 v1, v3;
	_ =	sdelay $0x1  }
0x9a: {  	s22 =	simm.s32 $0xB200  }
0x9b: {  	[tilespmem:s22], [sflag:$0x1] =	stream.indirect_vreg.gather [hbm4b:s3+s20], $0x80, v4, vm0, $0xb8;
	[tilespmem:$0x19200] =	vst v63  }
0x9c: {  	s23 =	simm.s32 $0xBA00  }
0x9d: {  	[tilespmem:s23], [sflag:$0x1] =	stream.indirect_vreg.gather [hbm4b:s3+s20], $0x80, v3, vm0, $0xb8;
	[tilespmem:$0x19200] =	vst v63  }
0x9e: {  	v3 =	vld.msk [tilespmem:$0xC0], $0xff;
	_ =	sdelay $0x4  }
0x9f: {  	v4 =	vshll.u32 v3, $0x1  }
0xa0: {  	v3 =	vand.u32 $0x7, v3;
	v4 =	vand.u32 $0xFFFFFFF0, v4  }
0xa1: {  	v3 =	vor.u32 v3, v4  }
0xa2: {  	v3 =	vperm.xlane v3, v0;
	_ =	sdelay $0x1  }
0xa3: {  	v3 =	vadd.s32 v1, v3;
	_ =	sdelay $0x3  }
0xa4: {  	s24 =	simm.s32 $0xC200  }
0xa5: {  	[tilespmem:s24], [sflag:$0x1] =	stream.indirect_vreg.gather [hbm4b:s3+s20], $0x80, v3, vm0, $0xb8;
	[tilespmem:$0x19200] =	vst v63  }
0xa6: {  	v3 =	vld [tilespmem:$0x100];
	_ =	sdelay $0x4  }
0xa7: {  	v4 =	vshll.u32 v3, $0x1  }
0xa8: {  	v3 =	vand.u32 $0x7, v3;
	v4 =	vand.u32 $0xFFFFFFF0, v4  }
0xa9: {  	v3 =	vor.u32 v3, v4  }
0xaa: {  	v4 =	vperm.xlane v3, v0;
	_ =	sdelay $0x1  }
0xab: {  	v3 =	vperm.xlane v3, v2;
	v4 =	vadd.s32 v1, v4;
	_ =	sdelay $0x1  }
0xac: {  	v3 =	vadd.s32 v1, v3;
	_ =	sdelay $0x1  }
0xad: {  	s22 =	simm.s32 $0xCA00  }
0xae: {  	[tilespmem:s22], [sflag:$0x2] =	stream.indirect_vreg.gather [hbm4b:s4+s20], $0x80, v4, vm0, $0xb8;
	[tilespmem:$0x19200] =	vst v63  }
0xaf: {  	s23 =	simm.s32 $0xD200  }
0xb0: {  	[tilespmem:s23], [sflag:$0x2] =	stream.indirect_vreg.gather [hbm4b:s4+s20], $0x80, v3, vm0, $0xb8;
	[tilespmem:$0x19200] =	vst v63  }
0xb1: {  	v3 =	vld [tilespmem:$0x110];
	_ =	sdelay $0x4  }
0xb2: {  	v4 =	vshll.u32 v3, $0x1  }
0xb3: {  	v3 =	vand.u32 $0x7, v3;
	v4 =	vand.u32 $0xFFFFFFF0, v4  }
0xb4: {  	v3 =	vor.u32 v3, v4  }
0xb5: {  	v4 =	vperm.xlane v3, v0;
	_ =	sdelay $0x1  }
0xb6: {  	v3 =	vperm.xlane v3, v2;
	v4 =	vadd.s32 v1, v4;
	_ =	sdelay $0x1  }
0xb7: {  	v3 =	vadd.s32 v1, v3;
	_ =	sdelay $0x1  }
0xb8: {  	s24 =	simm.s32 $0xDA00  }
0xb9: {  	[tilespmem:s24], [sflag:$0x2] =	stream.indirect_vreg.gather [hbm4b:s4+s20], $0x80, v4, vm0, $0xb8;
	[tilespmem:$0x19200] =	vst v63  }
0xba: {  	s22 =	simm.s32 $0xE200  }
0xbb: {  	[tilespmem:s22], [sflag:$0x2] =	stream.indirect_vreg.gather [hbm4b:s4+s20], $0x80, v3, vm0, $0xb8;
	[tilespmem:$0x19200] =	vst v63  }
0xbc: {  	v3 =	vld [tilespmem:$0x120];
	_ =	sdelay $0x4  }
0xbd: {  	v4 =	vshll.u32 v3, $0x1  }
0xbe: {  	v3 =	vand.u32 $0x7, v3;
	v4 =	vand.u32 $0xFFFFFFF0, v4  }
0xbf: {  	v3 =	vor.u32 v3, v4  }
0xc0: {  	v4 =	vperm.xlane v3, v0;
	_ =	sdelay $0x1  }
0xc1: {  	v3 =	vperm.xlane v3, v2;
	v4 =	vadd.s32 v1, v4;
	_ =	sdelay $0x1  }
0xc2: {  	v3 =	vadd.s32 v1, v3;
	_ =	sdelay $0x1  }
0xc3: {  	s23 =	simm.s32 $0xEA00  }
0xc4: {  	[tilespmem:s23], [sflag:$0x2] =	stream.indirect_vreg.gather [hbm4b:s4+s20], $0x80, v4, vm0, $0xb8;
	[tilespmem:$0x19200] =	vst v63  }
0xc5: {  	s24 =	simm.s32 $0xF200  }
0xc6: {  	[tilespmem:s24], [sflag:$0x2] =	stream.indirect_vreg.gather [hbm4b:s4+s20], $0x80, v3, vm0, $0xb8;
	[tilespmem:$0x19200] =	vst v63  }
0xc7: {  	v3 =	vld [tilespmem:$0x130];
	_ =	sdelay $0x4  }
0xc8: {  	v4 =	vshll.u32 v3, $0x1  }
0xc9: {  	v3 =	vand.u32 $0x7, v3;
	v4 =	vand.u32 $0xFFFFFFF0, v4  }
0xca: {  	v3 =	vor.u32 v3, v4  }
0xcb: {  	v4 =	vperm.xlane v3, v0;
	_ =	sdelay $0x1  }
0xcc: {  	v3 =	vperm.xlane v3, v2;
	v4 =	vadd.s32 v1, v4;
	_ =	sdelay $0x1  }
0xcd: {  	v3 =	vadd.s32 v1, v3;
	_ =	sdelay $0x1  }
0xce: {  	s22 =	simm.s32 $0xFA00  }
0xcf: {  	[tilespmem:s22], [sflag:$0x2] =	stream.indirect_vreg.gather [hbm4b:s4+s20], $0x80, v4, vm0, $0xb8;
	[tilespmem:$0x19200] =	vst v63  }
0xd0: {  	s23 =	simm.s32 $0x10200  }
0xd1: {  	[tilespmem:s23], [sflag:$0x2] =	stream.indirect_vreg.gather [hbm4b:s4+s20], $0x80, v3, vm0, $0xb8;
	[tilespmem:$0x19200] =	vst v63  }
0xd2: {  	v3 =	vld [tilespmem:$0x140];
	_ =	sdelay $0x4  }
0xd3: {  	v4 =	vshll.u32 v3, $0x1  }
0xd4: {  	v3 =	vand.u32 $0x7, v3;
	v4 =	vand.u32 $0xFFFFFFF0, v4  }
0xd5: {  	v3 =	vor.u32 v3, v4  }
0xd6: {  	v4 =	vperm.xlane v3, v0;
	_ =	sdelay $0x1  }
0xd7: {  	v3 =	vperm.xlane v3, v2;
	v4 =	vadd.s32 v1, v4;
	_ =	sdelay $0x1  }
0xd8: {  	v3 =	vadd.s32 v1, v3;
	_ =	sdelay $0x1  }
0xd9: {  	s24 =	simm.s32 $0x10A00  }
0xda: {  	[tilespmem:s24], [sflag:$0x2] =	stream.indirect_vreg.gather [hbm4b:s4+s20], $0x80, v4, vm0, $0xb8;
	[tilespmem:$0x19200] =	vst v63  }
0xdb: {  	s22 =	simm.s32 $0x11200  }
0xdc: {  	[tilespmem:s22], [sflag:$0x2] =	stream.indirect_vreg.gather [hbm4b:s4+s20], $0x80, v3, vm0, $0xb8;
	[tilespmem:$0x19200] =	vst v63  }
0xdd: {  	v3 =	vld [tilespmem:$0x150];
	_ =	sdelay $0x4  }
0xde: {  	v4 =	vshll.u32 v3, $0x1  }
0xdf: {  	v3 =	vand.u32 $0x7, v3;
	v4 =	vand.u32 $0xFFFFFFF0, v4  }
0xe0: {  	v3 =	vor.u32 v3, v4  }
0xe1: {  	v4 =	vperm.xlane v3, v0;
	_ =	sdelay $0x1  }
0xe2: {  	v3 =	vperm.xlane v3, v2;
	v4 =	vadd.s32 v1, v4;
	_ =	sdelay $0x1  }
0xe3: {  	v3 =	vadd.s32 v1, v3;
	_ =	sdelay $0x1  }
0xe4: {  	s23 =	simm.s32 $0x11A00  }
0xe5: {  	[tilespmem:s23], [sflag:$0x2] =	stream.indirect_vreg.gather [hbm4b:s4+s20], $0x80, v4, vm0, $0xb8;
	[tilespmem:$0x19200] =	vst v63  }
0xe6: {  	_ = 	snop  }
0xe7: {  	[tilespmem:s25], [sflag:$0x2] =	stream.indirect_vreg.gather [hbm4b:s4+s20], $0x80, v3, vm0, $0xb8;
	[tilespmem:$0x19200] =	vst v63  }
0xe8: {  	v3 =	vld [tilespmem:$0x160];
	_ =	sdelay $0x4  }
0xe9: {  	v4 =	vshll.u32 v3, $0x1  }
0xea: {  	v3 =	vand.u32 $0x7, v3;
	v4 =	vand.u32 $0xFFFFFFF0, v4  }
0xeb: {  	v3 =	vor.u32 v3, v4  }
0xec: {  	v4 =	vperm.xlane v3, v0;
	_ =	sdelay $0x1  }
0xed: {  	v3 =	vperm.xlane v3, v2;
	v4 =	vadd.s32 v1, v4;
	_ =	sdelay $0x1  }
0xee: {  	v3 =	vadd.s32 v1, v3;
	_ =	sdelay $0x2  }
0xef: {  	[tilespmem:s26], [sflag:$0x2] =	stream.indirect_vreg.gather [hbm4b:s4+s20], $0x80, v4, vm0, $0xb8;
	[tilespmem:$0x19200] =	vst v63  }
0xf0: {  	_ = 	snop  }
0xf1: {  	[tilespmem:s28], [sflag:$0x2] =	stream.indirect_vreg.gather [hbm4b:s4+s20], $0x80, v3, vm0, $0xb8;
	[tilespmem:$0x19200] =	vst v63  }
0xf2: {  	v3 =	vld [tilespmem:$0x170];
	_ =	sdelay $0x4  }
0xf3: {  	v4 =	vshll.u32 v3, $0x1  }
0xf4: {  	v3 =	vand.u32 $0x7, v3;
	v4 =	vand.u32 $0xFFFFFFF0, v4  }
0xf5: {  	v3 =	vor.u32 v3, v4  }
0xf6: {  	v4 =	vperm.xlane v3, v0;
	_ =	sdelay $0x1  }
0xf7: {  	v3 =	vperm.xlane v3, v2;
	v4 =	vadd.s32 v1, v4;
	_ =	sdelay $0x1  }
0xf8: {  	v3 =	vadd.s32 v1, v3;
	_ =	sdelay $0x2  }
0xf9: {  	[tilespmem:s29], [sflag:$0x2] =	stream.indirect_vreg.gather [hbm4b:s4+s20], $0x80, v4, vm0, $0xb8;
	[tilespmem:$0x19200] =	vst v63  }
0xfa: {  	_ = 	snop  }
0xfb: {  	[tilespmem:s30], [sflag:$0x2] =	stream.indirect_vreg.gather [hbm4b:s4+s20], $0x80, v3, vm0, $0xb8;
	[tilespmem:$0x19200] =	vst v63  }
0xfc: {  	v3 =	vld [tilespmem:$0x180];
	_ =	sdelay $0x4  }
0xfd: {  	v4 =	vshll.u32 v3, $0x1  }
0xfe: {  	v3 =	vand.u32 $0x7, v3;
	v4 =	vand.u32 $0xFFFFFFF0, v4  }
0xff: {  	v3 =	vor.u32 v3, v4  }
0x100: {  	v4 =	vperm.xlane v3, v0;
	_ =	sdelay $0x1  }
0x101: {  	v3 =	vperm.xlane v3, v2;
	v4 =	vadd.s32 v1, v4;
	_ =	sdelay $0x1  }
0x102: {  	v3 =	vadd.s32 v1, v3;
	_ =	sdelay $0x2  }
0x103: {  	[tilespmem:s31], [sflag:$0x2] =	stream.indirect_vreg.gather [hbm4b:s4+s20], $0x80, v4, vm0, $0xb8;
	[tilespmem:$0x19200] =	vst v63  }
0x104: {  	_ = 	snop  }
0x105: {  	[tilespmem:s0], [sflag:$0x2] =	stream.indirect_vreg.gather [hbm4b:s4+s20], $0x80, v3, vm0, $0xb8;
	[tilespmem:$0x19200] =	vst v63  }
0x106: {  	v3 =	vld [tilespmem:$0x190];
	_ =	sdelay $0x4  }
0x107: {  	v4 =	vshll.u32 v3, $0x1  }
0x108: {  	v3 =	vand.u32 $0x7, v3;
	v4 =	vand.u32 $0xFFFFFFF0, v4  }
0x109: {  	v3 =	vor.u32 v3, v4  }
0x10a: {  	v4 =	vperm.xlane v3, v0;
	_ =	sdelay $0x1  }
0x10b: {  	v3 =	vperm.xlane v3, v2;
	v4 =	vadd.s32 v1, v4;
	_ =	sdelay $0x1  }
0x10c: {  	v3 =	vadd.s32 v1, v3;
	_ =	sdelay $0x2  }
0x10d: {  	[tilespmem:s2], [sflag:$0x2] =	stream.indirect_vreg.gather [hbm4b:s4+s20], $0x80, v4, vm0, $0xb8;
	[tilespmem:$0x19200] =	vst v63  }
0x10e: {  	_ = 	snop  }
0x10f: {  	[tilespmem:s9], [sflag:$0x2] =	stream.indirect_vreg.gather [hbm4b:s4+s20], $0x80, v3, vm0, $0xb8;
	[tilespmem:$0x19200] =	vst v63  }
0x110: {  	v3 =	vld [tilespmem:$0x1A0];
	_ =	sdelay $0x4  }
0x111: {  	v4 =	vshll.u32 v3, $0x1  }
0x112: {  	v3 =	vand.u32 $0x7, v3;
	v4 =	vand.u32 $0xFFFFFFF0, v4  }
0x113: {  	v3 =	vor.u32 v3, v4  }
0x114: {  	v4 =	vperm.xlane v3, v0;
	_ =	sdelay $0x1  }
0x115: {  	v3 =	vperm.xlane v3, v2;
	v4 =	vadd.s32 v1, v4;
	_ =	sdelay $0x1  }
0x116: {  	v3 =	vadd.s32 v1, v3;
	_ =	sdelay $0x2  }
0x117: {  	[tilespmem:s1], [sflag:$0x2] =	stream.indirect_vreg.gather [hbm4b:s4+s20], $0x80, v4, vm0, $0xb8;
	[tilespmem:$0x19200] =	vst v63  }
0x118: {  	_ = 	snop  }
0x119: {  	[tilespmem:s11], [sflag:$0x2] =	stream.indirect_vreg.gather [hbm4b:s4+s20], $0x80, v3, vm0, $0xb8;
	[tilespmem:$0x19200] =	vst v63  }
0x11a: {  	v3 =	vld [tilespmem:$0x1B0];
	_ =	sdelay $0x4  }
0x11b: {  	v4 =	vshll.u32 v3, $0x1  }
0x11c: {  	v3 =	vand.u32 $0x7, v3;
	v4 =	vand.u32 $0xFFFFFFF0, v4  }
0x11d: {  	v3 =	vor.u32 v3, v4  }
0x11e: {  	v4 =	vperm.xlane v3, v0;
	_ =	sdelay $0x1  }
0x11f: {  	v3 =	vperm.xlane v3, v2;
	v4 =	vadd.s32 v1, v4;
	_ =	sdelay $0x1  }
0x120: {  	v3 =	vadd.s32 v1, v3;
	_ =	sdelay $0x2  }
0x121: {  	[tilespmem:s13], [sflag:$0x2] =	stream.indirect_vreg.gather [hbm4b:s4+s20], $0x80, v4, vm0, $0xb8;
	[tilespmem:$0x19200] =	vst v63  }
0x122: {  	_ = 	snop  }
0x123: {  	[tilespmem:s14], [sflag:$0x2] =	stream.indirect_vreg.gather [hbm4b:s4+s20], $0x80, v3, vm0, $0xb8;
	[tilespmem:$0x19200] =	vst v63  }
0x124: {  	v3 =	vld.msk [tilespmem:$0x1C0], $0xff;
	_ =	sdelay $0x4  }
0x125: {  	v4 =	vshll.u32 v3, $0x1  }
0x126: {  	v3 =	vand.u32 $0x7, v3;
	v4 =	vand.u32 $0xFFFFFFF0, v4  }
0x127: {  	v3 =	vor.u32 v3, v4  }
0x128: {  	v3 =	vperm.xlane v3, v0;
	_ =	sdelay $0x1  }
0x129: {  	v3 =	vadd.s32 v1, v3;
	_ =	sdelay $0x4  }
0x12a: {  	[tilespmem:s15], [sflag:$0x2] =	stream.indirect_vreg.gather [hbm4b:s4+s20], $0x80, v3, vm0, $0xb8;
	[tilespmem:$0x19200] =	vst v63  }
0x12b: {  	_ =	swait.ge [sflag:s16], $0xC800  }
0x12c: {  	[sflag:s16] =	ssyncset.done $0x0  }
0x12d: {  	[sflag:s16] =	ssyncadd.s32 $0xFFFF3800  }
0x12e: {  	_ =	swait.ge [sflag:s17], $0xC800  }
0x12f: {  	s24 =	sand.u32 $0xF800, s20;
	s20 =	sand.u32 $0x380, s20;
	[sflag:s17] =	ssyncset.done $0x0  }
0x130: {  	s20 =	sor.u32 s20, s24;
	[sflag:s17] =	ssyncadd.s32 $0xFFFF3800  }
0x131: {  	v10 =	vld [tilespmem:s20+$0xCA00]  }
0x132: {  	v11 =	vld [tilespmem:s20+$0xCA10]  }
0x133: {  	v12 =	vld [tilespmem:s20+$0xCA20]  }
0x134: {  	v13 =	vld [tilespmem:s20+$0xCA30]  }
0x135: {  	v14 =	vld [tilespmem:s20+$0xCA40]  }
0x136: {  	v15 =	vld [tilespmem:s20+$0xCA50]  }
0x137: {  	v16 =	vld [tilespmem:s20+$0xCA60]  }
0x138: {  	v17 =	vld [tilespmem:s20+$0xCA70]  }
0x139: {  	v18 =	vld [tilespmem:s20+$0xCE00]  }
0x13a: {  	v9 =	vld [tilespmem:s20+$0xCE10]  }
0x13b: {  	v8 =	vld [tilespmem:s20+$0xCE20]  }
0x13c: {  	v7 =	vld [tilespmem:s20+$0xCE30]  }
0x13d: {  	v6 =	vld [tilespmem:s20+$0xCE40]  }
0x13e: {  	v5 =	vld [tilespmem:s20+$0xCE50]  }
0x13f: {  	v4 =	vld [tilespmem:s20+$0xCE60]  }
0x140: {  	v3 =	vld [tilespmem:s20+$0xCE70]  }
0x141: {  	v19 =	vld [tilespmem:s20+$0x200]  }
0x142: {  	v20 =	vld [tilespmem:s20+$0x210]  }
0x143: {  	v21 =	vld [tilespmem:s20+$0x220]  }
0x144: {  	v22 =	vld [tilespmem:s20+$0x230]  }
0x145: {  	v23 =	vld [tilespmem:s20+$0x240]  }
0x146: {  	v10 =	vsub.f32 v19, v10;
	v19 =	vld [tilespmem:s20+$0x250]  }
0x147: {  	v61 =	vld [tilespmem:s20+$0x260];
	v11 =	vsub.f32 v20, v11  }
0x148: {  	v62 =	vld [tilespmem:s20+$0x270];
	v12 =	vsub.f32 v21, v12;
	v10 =	vmax.f32 v10, $0.0e+00  }
0x149: {  	v63 =	vld [tilespmem:s20+$0x600];
	[tilespmem:s20+$0x200] =	vst v10;
	v10 =	vmax.f32 v11, $0.0e+00;
	v11 =	vsub.f32 v22, v13  }
0x14a: {  	v14 =	vsub.f32 v23, v14;
	v13 =	vld [tilespmem:s20+$0x610];
	[tilespmem:s20+$0x210] =	vst v10;
	v10 =	vmax.f32 v12, $0.0e+00  }
0x14b: {  	v12 =	vld [tilespmem:s20+$0x620];
	[tilespmem:s20+$0x220] =	vst v10;
	v10 =	vmax.f32 v11, $0.0e+00;
	v11 =	vsub.f32 v19, v15  }
0x14c: {  	v14 =	vmax.f32 v14, $0.0e+00;
	v15 =	vsub.f32 v61, v16;
	[tilespmem:s20+$0x230] =	vst v10;
	v10 =	vld [tilespmem:s20+$0x630]  }
0x14d: {  	[tilespmem:s20+$0x240] =	vst v14;
	v16 =	vsub.f32 v62, v17;
	v14 =	vmax.f32 v11, $0.0e+00;
	v11 =	vld [tilespmem:s20+$0x640]  }
0x14e: {  	s21 =	simm.s32 $0x80;
	s22 =	simm.s32 $0x100;
	v17 =	vmax.f32 v15, $0.0e+00;
	v15 =	vsub.f32 v63, v18;
	[tilespmem:s20+$0x250] =	vst v14;
	v14 =	vld [tilespmem:s20+$0x650]  }
.LBB2_3:
0x14f: {  	s23 =	sand.u32 $0xF800, s22;
	s24 =	sand.u32 $0x380, s21;
	p0 =	sne.s32 s22, $0xC700;
	[tilespmem:s20+$0x260] =	vst v17;
	v16 =	vmax.f32 v16, $0.0e+00;
	v9 =	vsub.f32 v13, v9;
	v13 =	vld [tilespmem:s20+$0x660]  }
0x150: {  	s23 =	sor.u32 s24, s23;
	[tilespmem:s20+$0x270] =	vst v16;
	v15 =	vmax.f32 v15, $0.0e+00;
	v8 =	vsub.f32 v12, v8;
	v12 =	vld [tilespmem:s20+$0x670]  }
0x151: {  	v16 =	vld [tilespmem:s23+$0xCA00];
	[tilespmem:s20+$0x600] =	vst v15;
	v9 =	vmax.f32 v9, $0.0e+00;
	v7 =	vsub.f32 v10, v7  }
0x152: {  	v10 =	vld [tilespmem:s23+$0xCA10];
	[tilespmem:s20+$0x610] =	vst v9;
	v8 =	vmax.f32 v8, $0.0e+00;
	v6 =	vsub.f32 v11, v6  }
0x153: {  	v11 =	vld [tilespmem:s23+$0xCA20];
	[tilespmem:s20+$0x620] =	vst v8;
	v7 =	vmax.f32 v7, $0.0e+00;
	v5 =	vsub.f32 v14, v5  }
0x154: {  	v14 =	vld [tilespmem:s23+$0xCA30];
	[tilespmem:s20+$0x630] =	vst v7;
	v6 =	vmax.f32 v6, $0.0e+00;
	v4 =	vsub.f32 v13, v4  }
0x155: {  	v13 =	vld [tilespmem:s23+$0xCA40];
	[tilespmem:s20+$0x640] =	vst v6;
	v5 =	vmax.f32 v5, $0.0e+00;
	v3 =	vsub.f32 v12, v3  }
0x156: {  	v12 =	vld [tilespmem:s23+$0xCA50];
	[tilespmem:s20+$0x650] =	vst v5;
	v4 =	vmax.f32 v4, $0.0e+00  }
0x157: {  	v15 =	vld [tilespmem:s23+$0xCA60];
	[tilespmem:s20+$0x660] =	vst v4;
	v3 =	vmax.f32 v3, $0.0e+00  }
0x158: {  	v17 =	vld [tilespmem:s23+$0xCA70];
	[tilespmem:s20+$0x670] =	vst v3;
	s20 =	smov.u32 s23  }
0x159: {  	v18 =	vld [tilespmem:s20+$0xCE00]  }
0x15a: {  	v9 =	vld [tilespmem:s20+$0xCE10]  }
0x15b: {  	v8 =	vld [tilespmem:s20+$0xCE20]  }
0x15c: {  	v7 =	vld [tilespmem:s20+$0xCE30]  }
0x15d: {  	v6 =	vld [tilespmem:s20+$0xCE40]  }
0x15e: {  	v5 =	vld [tilespmem:s20+$0xCE50]  }
0x15f: {  	v4 =	vld [tilespmem:s20+$0xCE60]  }
0x160: {  	v3 =	vld [tilespmem:s20+$0xCE70]  }
0x161: {  	v19 =	vld [tilespmem:s20+$0x200]  }
0x162: {  	v20 =	vld [tilespmem:s20+$0x210]  }
0x163: {  	v21 =	vld [tilespmem:s20+$0x220]  }
0x164: {  	v22 =	vld [tilespmem:s20+$0x230]  }
0x165: {  	v23 =	vld [tilespmem:s20+$0x240]  }
0x166: {  	v16 =	vsub.f32 v19, v16;
	v19 =	vld [tilespmem:s20+$0x250]  }
0x167: {  	v10 =	vsub.f32 v20, v10;
	v20 =	vld [tilespmem:s20+$0x260]  }
0x168: {  	v16 =	vmax.f32 v16, $0.0e+00;
	v11 =	vsub.f32 v21, v11;
	v21 =	vld [tilespmem:s20+$0x270]  }
0x169: {  	[tilespmem:s20+$0x200] =	vst v16;
	v10 =	vmax.f32 v10, $0.0e+00;
	v14 =	vsub.f32 v22, v14;
	v22 =	vld [tilespmem:s20+$0x600]  }
.Ltmp0:
0x16a: {  	[tilespmem:s20+$0x210] =	vst v10;
	v10 =	vmax.f32 v11, $0.0e+00;
	v11 =	vsub.f32 v23, v13;
	v13 =	vld [tilespmem:s20+$0x610];
	(pc) =	sbr.rel @p0 .LBB2_3-.Ltmp0, $4  }
0x16b: {  	[tilespmem:s20+$0x220] =	vst v10;
	v10 =	vmax.f32 v14, $0.0e+00;
	v14 =	vsub.f32 v19, v12;
	v12 =	vld [tilespmem:s20+$0x620]  }
0x16c: {  	[tilespmem:s20+$0x230] =	vst v10;
	v11 =	vmax.f32 v11, $0.0e+00;
	v15 =	vsub.f32 v20, v15;
	v10 =	vld [tilespmem:s20+$0x630]  }
0x16d: {  	[tilespmem:s20+$0x240] =	vst v11;
	v14 =	vmax.f32 v14, $0.0e+00;
	v16 =	vsub.f32 v21, v17;
	v11 =	vld [tilespmem:s20+$0x640]  }
0x16e: {  	s21 =	sadd.s32 $0x80, s21;
	s22 =	sadd.s32 $0x100, s22;
	[tilespmem:s20+$0x250] =	vst v14;
	v17 =	vmax.f32 v15, $0.0e+00;
	v15 =	vsub.f32 v22, v18;
	v14 =	vld [tilespmem:s20+$0x650]  }
0x16f: {  	[tilespmem:s20+$0x260] =	vst v17;
	v16 =	vmax.f32 v16, $0.0e+00;
	v9 =	vsub.f32 v13, v9;
	v62 =	vld [tilespmem:s20+$0x660]  }
0x170: {  	v63 =	vld [tilespmem:s20+$0x670];
	[tilespmem:s20+$0x270] =	vst v16;
	v15 =	vmax.f32 v15, $0.0e+00;
	v8 =	vsub.f32 v12, v8  }
0x171: {  	[tilespmem:s20+$0x600] =	vst v15;
	v9 =	vmax.f32 v9, $0.0e+00;
	v7 =	vsub.f32 v10, v7  }
0x172: {  	[tilespmem:s20+$0x610] =	vst v9;
	v8 =	vmax.f32 v8, $0.0e+00;
	v6 =	vsub.f32 v11, v6  }
0x173: {  	[tilespmem:s20+$0x620] =	vst v8;
	v7 =	vmax.f32 v7, $0.0e+00;
	v5 =	vsub.f32 v14, v5  }
0x174: {  	[tilespmem:s20+$0x630] =	vst v7;
	v6 =	vmax.f32 v6, $0.0e+00;
	v4 =	vsub.f32 v62, v4  }
0x175: {  	v3 =	vsub.f32 v63, v3;
	[tilespmem:s20+$0x640] =	vst v6;
	v5 =	vmax.f32 v5, $0.0e+00  }
0x176: {  	s18 =	sadd.s32 $0x1, s18;
	[tilespmem:s20+$0x650] =	vst v5;
	v4 =	vmax.f32 v4, $0.0e+00  }
0x177: {  	s19 =	sshll.u32 s19, $0x5;
	p0 =	sne.s32 s18, $0x32;
	v3 =	vmax.f32 v3, $0.0e+00;
	[tilespmem:s20+$0x660] =	vst v4  }
.Ltmp1:
0x178: {  	s24 =	simm.s32 $0x0;
	s19 =	sadd.s32 s7, s19;
	[tilespmem:s20+$0x670] =	vst v3;
	(pc) =	sbr.rel @p0 .LBB2_2-.Ltmp1, $4  }
0x179: {  	[hbm4b:s19+s24] =	stream.linear.scatter [tilespmem:s12], [sflag:$0x3], $0xC800, $0x38;
	[tilespmem:$0x19200] =	vst v63  }
0x17a: {  	_ =	swait.ge [sflag:s10], $0xC800  }
0x17b: {  	[sflag:s10] =	ssyncset.done $0x0  }
0x17c: {  	[sflag:s10] =	ssyncadd.s32 $0xFFFF3800  }
0x17d: {  	s19 =	rddreg [dreg:$0x3]  }
0x17e: {  	s18 =	rddreg [dreg:$0x2];
	s19 =	sadd.s32 $0x1, s19  }
0x17f: {  	p0 =	sne.s32 s19, s18  }
.Ltmp2:
0x180: {  	_ = 	snop;
	(pc) =	sbr.rel @p0 .LBB2_1-.Ltmp2, $1  }
0x181: {  	_ =	sdelay $0x3  }
0x182: {  	_ =	sfence.sel $0x180000  }
0x183: {  	[bflag:$0x0] =	sbarrier.arrive $0xFFFF  }
0x184: {  	_ =	strace $0x90000047  }
0x185: {  	s0 =	stileid.u32;
	[bflag:$0x2] =	sbarrier.arrive $0xFFFF  }
0x186: {  	p0 =	sne.s32 s0, $0x0;
	s0 =	rddreg [dreg:$0x1]  }
0x187: {  	s0 =	sadd.s32 @!p0 $0x100000, s0  }
0x188: {  	[sflag:s0] =	ssyncadd.tile.s32 @!p0 $0x1;
	_ =	shalt  }
.Lfunc_end2:
_tile_overlayer_lowered:
.L_overlay_start_2:
0x189: {  	(tag) =	ssettag $0x2  }
0x18a: {  	s0 =	rddreg [dreg:$0x0];
	s2 =	stileid.u32  }
0x18b: {  	s1 =	rddreg [dreg:$0x1];
	p0 =	sne.s32 s2, $0x0  }
0x18c: {  	s3 =	rddreg [dreg:$0x2];
	[bflag:$0x3] =	sbarrier.arrive $0xFFFF;
	s2 =	simm.s32 @!p0 $0x1C03  }
0x18d: {  	[timem:s3], [sflag:s2] =	dma.local @!p0 [hbm:s0], s1  }
0x18e: {  	s0 =	simm.s32 @!p0 $0x3  }
0x18f: {  	_ =	swait.ge @!p0 [sflag:s0], s1  }
0x190: {  	s1 =	ssub.s32 @!p0 $0x0, s1;
	[sflag:s0] =	ssyncset.done @!p0 $0x0  }
0x191: {  	[sflag:s0] =	ssyncadd.s32 @!p0 s1  }
0x192: {  	[bflag:$0x3] =	sbarrier.arrive $0xFFFF  }
0x193: {  	_ =	shalt  }

// kernel: kernel.9.cloned.1.call-start
scs
__scs_entry_jumppad:
0x0: {  	(pc) =	sbr.rel $0x88, $3  }
0x1: {  	(tag) =	ssettag $0x0;
	lr =	simm.s32 $0x1  }
0x2: {  	[smem:$0x3F90] =	sst lr;
	_ =	strace $0xD0000000  }
0x3: {  	_ = 	snop  }
0x4: {  	_ = 	snop  }
0x5: {  	_ = 	snop  }
0x6: {  	_ = 	snop  }
0x7: {  	_ = 	snop  }
__scs_overlays_trampoline_lowered:
0x8: {  	[smem:$0x3F9F] =	sst s0  }
0x9: {  	[smem:$0x3FA0] =	sst s1  }
0xa: {  	[smem:$0x3FA1] =	sst s2  }
0xb: {  	[smem:$0x3FA2] =	sst s3  }
0xc: {  	[smem:$0x3FA3] =	sst s4  }
0xd: {  	[smem:$0x3FA4] =	sst s5  }
0xe: {  	[smem:$0x3FA5] =	sst s6  }
0xf: {  	[smem:$0x3FA6] =	sst s7  }
0x10: {  	[smem:$0x3FA7] =	sst s8  }
0x11: {  	[smem:$0x3FA8] =	sst s9;
	s0 =	simm.s32 @!p0 $0x0  }
0x12: {  	s1 =	sld [smem:$0x3F8E];
	s0 =	simm.s32 @p0 $0x1  }
0x13: {  	[smem:$0x3FA9] =	sst s0;
	s0 =	simm.s32 @!p1 $0x0  }
0x14: {  	s2 =	sld [smem:$0x3F8D];
	s0 =	simm.s32 @p1 $0x1  }
0x15: {  	[smem:$0x3FAA] =	sst s0;
	s0 =	simm.s32 @!p2 $0x0  }
0x16: {  	s3 =	sld [smem:$0x3FDB];
	s0 =	simm.s32 @p2 $0x1  }
0x17: {  	s4 =	simm.s32 $0x1BF5;
	[smem:$0x3FAC] =	sst s0  }
0x18: {  	s0 =	sld [smem:$0x3F8F];
	_ =	swait.ge [sflag:s4], $0x0  }
0x19: {  	s7 =	sld [smem:$0x3F90]  }
0x1a: {  	s8 =	sadd.s32 $0xFFFFE003, lr  }
0x1b: {  	s9 =	sadd.s32 $0xFFFFFEF7, lr;
	s5 =	simm.s32 $0xFFFFFFFF;
	p2 =	slt.u32 s8, $0xFFFFF086  }
0x1c: {  	p1 =	slt.u32 s9, $0xF7A;
	s5 =	simm.s32 @!p2 $0x0  }
0x1d: {  	s5 =	simm.s32 @p1 $0x1;
	p0 =	seq.s32 s7, s2  }
0x1e: {  	s7 =	smul.u32 @!p0 $0xF7A, s2;
	p2 =	seq.s32 @!p0 s5, $0x0  }
0x1f: {  	s9 =	smul.u32 $0xF7A, s1;
	s8 =	simm.s32 @!p0 $0x1BF5;
	p2 =	por !p2, p0  }
0x20: {  	[sflag:s8] =	ssyncset.s32 @!p0 $0xFFFFF086;
	s6 =	sadd.s32 @!p0 s3, s7;
	s7 =	simm.s32 @!p0 $0x108  }
0x21: {  	s3 =	sadd.s32 s3, s9;
	s6 =	sadd.s32 @!p0 $0x88, s6;
	s7 =	simm.s32 @p2 $0x1082  }
0x22: {  	[simem:s7], [sflag:s8] =	dma.local @!p0 [hbm:s6], $0xF7A  }
0x23: {  	s9 =	sor.u32 $0xD0000000, s2;
	s6 =	simm.s32 $0x108;
	_ =	swait.ge @!p0 [sflag:s8], $0x0  }
0x24: {  	s3 =	sadd.s32 $0x88, s3;
	s6 =	simm.s32 @!p1 $0x1082;
	[sflag:s4] =	ssyncset.s32 $0xFFFFF086  }
0x25: {  	[simem:s6], [sflag:s4] =	dma.local [hbm:s3], $0xF7A  }
0x26: {  	[smem:$0x3F90] =	sst s1;
	(tag) =	ssettag s2;
	_ =	strace s9  }
0x27: {  	s1 =	sld [smem:$0x3FA0]  }
0x28: {  	s2 =	sld [smem:$0x3FA1]  }
0x29: {  	s4 =	sld [smem:$0x3FA3]  }
0x2a: {  	p0 =	seq.s32 s5, $0x0;
	s5 =	sld [smem:$0x3FA4]  }
0x2b: {  	s6 =	sld [smem:$0x3FA5]  }
0x2c: {  	s7 =	sld [smem:$0x3FA6]  }
0x2d: {  	s3 =	simm.s32 $0x108;
	s8 =	sld [smem:$0x3FA7]  }
0x2e: {  	s3 =	simm.s32 @!p0 $0x1082;
	s9 =	sld [smem:$0x3FA8]  }
0x2f: {  	lr =	sadd.s32 s0, s3;
	s0 =	sld [smem:$0x3F9F]  }
0x30: {  	s3 =	sld [smem:$0x3FA2]  }
0x31: {  	[smem:$0x3FAB] =	sst s10  }
0x32: {  	s10 =	sld [smem:$0x3FA9];
	_ =	sdelay $0x3  }
0x33: {  	p0 =	seq.s32 s10, $0x1;
	s10 =	sld [smem:$0x3FAB];
	_ =	sdelay $0x3  }
0x34: {  	[smem:$0x3FAB] =	sst s10  }
0x35: {  	s10 =	sld [smem:$0x3FAA];
	_ =	sdelay $0x3  }
0x36: {  	p1 =	seq.s32 s10, $0x1;
	s10 =	sld [smem:$0x3FAB];
	_ =	sdelay $0x3  }
0x37: {  	[smem:$0x3FAB] =	sst s10  }
0x38: {  	s10 =	sld [smem:$0x3FAC]  }
0x39: {  	_ = 	snop;
	(pc) =	sbr.ind lr, $3  }
0x3a: {  	_ = 	snop  }
0x3b: {  	_ = 	snop  }
0x3c: {  	p2 =	seq.s32 s10, $0x1;
	s10 =	sld [smem:$0x3FAB]  }
0x3d: {  	_ =	shalt  }
0x3e: {  	_ =	shalt  }
0x3f: {  	_ =	shalt  }
0x40: {  	_ =	shalt  }
0x41: {  	_ =	shalt  }
0x42: {  	_ =	shalt  }
0x43: {  	_ =	shalt  }
0x44: {  	_ =	shalt  }
0x45: {  	_ =	shalt  }
0x46: {  	_ =	shalt  }
0x47: {  	_ =	shalt  }
0x48: {  	_ =	shalt  }
0x49: {  	_ =	shalt  }
0x4a: {  	_ =	shalt  }
0x4b: {  	_ =	shalt  }
0x4c: {  	_ =	shalt  }
0x4d: {  	_ =	shalt  }
0x4e: {  	_ =	shalt  }
0x4f: {  	_ =	shalt  }
0x50: {  	_ =	shalt  }
0x51: {  	_ =	shalt  }
0x52: {  	_ =	shalt  }
0x53: {  	_ =	shalt  }
0x54: {  	_ =	shalt  }
0x55: {  	_ =	shalt  }
0x56: {  	_ =	shalt  }
0x57: {  	_ =	shalt  }
0x58: {  	_ =	shalt  }
0x59: {  	_ =	shalt  }
0x5a: {  	_ =	shalt  }
0x5b: {  	_ =	shalt  }
0x5c: {  	_ =	shalt  }
0x5d: {  	_ =	shalt  }
0x5e: {  	_ =	shalt  }
0x5f: {  	_ =	shalt  }
0x60: {  	_ =	shalt  }
0x61: {  	_ =	shalt  }
0x62: {  	_ =	shalt  }
0x63: {  	_ =	shalt  }
0x64: {  	_ =	shalt  }
0x65: {  	_ =	shalt  }
0x66: {  	_ =	shalt  }
0x67: {  	_ =	shalt  }
0x68: {  	_ =	shalt  }
0x69: {  	_ =	shalt  }
0x6a: {  	_ =	shalt  }
0x6b: {  	_ =	shalt  }
0x6c: {  	_ =	shalt  }
0x6d: {  	_ =	shalt  }
0x6e: {  	_ =	shalt  }
0x6f: {  	_ =	shalt  }
0x70: {  	_ =	shalt  }
0x71: {  	_ =	shalt  }
0x72: {  	_ =	shalt  }
0x73: {  	_ =	shalt  }
0x74: {  	_ =	shalt  }
0x75: {  	_ =	shalt  }
0x76: {  	_ =	shalt  }
0x77: {  	_ =	shalt  }
0x78: {  	_ =	shalt  }
0x79: {  	_ =	shalt  }
0x7a: {  	_ =	shalt  }
0x7b: {  	_ =	shalt  }
0x7c: {  	_ =	shalt  }
0x7d: {  	_ =	shalt  }
0x7e: {  	_ =	shalt  }
0x7f: {  	_ =	shalt  }
0x80: {  	_ =	shalt  }
0x81: {  	_ =	shalt  }
0x82: {  	_ =	shalt  }
0x83: {  	_ =	shalt  }
0x84: {  	_ =	shalt  }
0x85: {  	_ =	shalt  }
0x86: {  	_ =	shalt  }
0x87: {  	_ =	shalt  }
.Lfunc_end0:
.L_simem_size_0:
called_computation.3_lowered:
.L_overlay_start_0:
0x88: {  	s2 =	sld [smem:$0x3FD9]  }
0x89: {  	s3 =	sld [smem:$0x3FFE];
	_ =	sdelay $0x1  }
0x8a: {  	s1 =	srdreg.scid  }
0x8b: {  	s0 =	sand.u32 $0x1, s1  }
0x8c: {  	s17 =	sshll.u32 s0, $0xA;
	s2 =	sadd.s32 s3, s2  }
0x8d: {  	s2 =	sadd.s32 s2, s17  }
0x8e: {  	[smem:$0x3FB7] =	sst s2  }
0x8f: {  	_ = 	snop  }
0x90: {  	s2 =	sld [smem:$0x3FD0];
	(tm) =	ssettm $0x1  }
0x91: {  	s18 =	sld [smem:$0x3FFB];
	_ =	sdelay $0x3  }
0x92: {  	_ =	strace s18  }
0x93: {  	s3 =	sld [smem:$0x3FFC];
	_ =	sdelay $0x3  }
0x94: {  	_ =	strace s3  }
0x95: {  	s3 =	sld [smem:$0x3FFD];
	_ =	sdelay $0x3  }
0x96: {  	_ =	strace s3  }
0x97: {  	_ =	strace $0x8FFFFFFF  }
0x98: {  	s19 =	sld [smem:$0x3FDB];
	_ =	sdelay $0x1  }
0x99: {  	s4 =	simm.s32 $_scs_section_size  }
0x9a: {  	s5 =	simm.s32 $_size__tile_overlayer_lowered;
	s6 =	simm.s32 $_tile_overlayer_lowered  }
0x9b: {  	s22 =	simm.s32 $0x1BFF;
	s21 =	sshll.u32 s6, $0x1;
	s3 =	sadd.s32 s4, s19  }
0x9c: {  	s7 =	simm.s32 $0x0;
	s20 =	sshll.u32 s5, $0x1;
	s5 =	sadd.s32 s21, s3  }
0x9d: {  	[timem:s7], [sflag:s22] =	dma.local [hbm:s5], s20  }
0x9e: {  	_ =	swait.ge [sflag:s22], s20  }
0x9f: {  	s4 =	ssub.s32 $0x0, s20;
	[sflag:s22] =	ssyncset.done $0x0  }
0xa0: {  	[sflag:s22] =	ssyncadd.s32 s4;
	_ =	sdelay $0x1  }
0xa1: {  	s23 =	simm.s32 $0x1B8B  }
0xa2: {  	_ =	swait.ge [sflag:s23], $0x1  }
0xa3: {  	[sflag:s23] =	ssyncset.done $0x0  }
0xa4: {  	s25 =	simm.s32 $0x1B8E;
	s24 =	sld [smem:$0x3FFE];
	[sflag:s23] =	ssyncadd.s32 $0xFFFFFFFF  }
0xa5: {  	s26 =	simm.s32 $execute0_lowered;
	[smem:$0x3FD2] =	sst s25  }
0xa6: {  	s5 =	sshll.u32 s26, $0x1;
	_ =	strace $0x8000004F;
	[dreg:$0x1] =	wrdreg $0xFFFFFFFF  }
0xa7: {  	s28 =	simm.s32 $_size_execute0_lowered;
	s3 =	sadd.s32 s3, s5;
	[dreg:$0x0] =	wrdreg $0x0  }
0xa8: {  	s5 =	sshll.u32 s28, $0x1;
	[dreg:$0x2] =	wrdreg s3  }
0xa9: {  	[dreg:$0x3] =	wrdreg s5  }
0xaa: {  	[dreg:$0x4] =	wrdreg $0xC0  }
0xab: {  	_ =	task [dreg:s7], $0x5FFFF  }
0xac: {  	[dreg:$0x1] =	wrdreg $0xFFFFFFFF  }
0xad: {  	[dreg:$0x0] =	wrdreg $0x60  }
0xae: {  	[dreg:$0x2] =	wrdreg s24  }
0xaf: {  	[dreg:$0x3] =	wrdreg s2  }
0xb0: {  	[dreg:$0x4] =	wrdreg $0x0  }
0xb1: {  	[dreg:$0x5] =	wrdreg $0x9  }
0xb2: {  	_ =	task.clear_ibuf [dreg:s7], $0x6FFFF;
	_ =	strace $0x9000004F  }
0xb3: {  	s29 =	simm.s32 $0x9;
	_ =	strace $0x80000051  }
0xb4: {  	_ =	swait.ge [sflag:s29], $0x1  }
0xb5: {  	[sflag:s29] =	ssyncadd.s32 $0xFFFFFFFF  }
0xb6: {  	_ =	strace $0x90000051  }
0xb7: {  	_ =	sfence  }
0xb8: {  	s30 =	sld [smem:$0x0];
	_ =	sdelay $0x2  }
0xb9: {  	s31 =	sshll.u32 s1, $0xD;
	s1 =	sshrl.u32 s1, $0x2  }
0xba: {  	s3 =	sand.u32 $0x4000, s31;
	s1 =	sadd.s32 s1, s30  }
0xbb: {  	s0 =	sor.u32 s3, s0;
	s1 =	sshll.u32 s1, $0x11  }
0xbc: {  	s0 =	sor.u32 s1, s0  }
0xbd: {  	s0 =	sadd.s32 $0x8F2B, s0  }
0xbe: {  	[sflag:s0] =	ssyncadd.remote.s32 $0x1  }
0xbf: {  	_ =	sfence.sel $0xFFFF  }
0xc0: {  	[dreg:$0x0] =	wrdreg $0xFFFFFFFF;
	(pc) =	sbr.abs _section_cstart, $3  }
0xc1: {  	[dreg:$0x1] =	wrdreg $0xFFFFFFFF  }
0xc2: {  	_ =	task.clear_ibuf [dreg:s7], $0x2FFFF;
	_ =	strace $0x9FFFFFFF  }
0xc3: {  	(tm) =	ssettm $0x7FFFFFFF  }
tec
execute0_lowered:
.L_overlay_start_1:
0x0: {  	(tag) =	ssettag $0x1  }
0x1: {  	s7 =	rddreg [dreg:$0x0]  }
0x2: {  	s2 =	rddreg [dreg:$0x1]  }
0x3: {  	s3 =	rddreg [dreg:$0x2]  }
0x4: {  	s0 =	rddreg [dreg:$0x3];
	s4 =	simm.s32 $0x0  }
0x5: {  	s1 =	stileid.u32;
	s8 =	srdreg.scid;
	s16 =	simm.s32 $0x13880  }
0x6: {  	s17 =	simm.s32 $0x2;
	s18 =	simm.s32 $0x13980;
	s19 =	simm.s32 $0xC8  }
0x7: {  	s20 =	simm.s32 $0x13A80;
	s21 =	simm.s32 $0x1;
	s6 =	smul.u32 $0x9C4, s1  }
0x8: {  	s24 =	simm.s32 $0x0;
	[smem:$0x7FF] =	sst s4;
	s11 =	smul.u32 $0x7D000, s1  }
0x9: {  	s5 =	sadd.s32 $0x15C00, s7;
	s9 =	sand.u32 $0x1, s8;
	s8 =	smul.u32 $0x3E80, s1  }
0xa: {  	p1 =	sgt.u32 s1, $0x9;
	s22 =	sshll.u32 s1, $0x6;
	p2 =	slt.u32 s1, $0xA  }
0xb: {  	_ =	strace $0x80000050;
	s10 =	ssub.s32 $0x2, s9;
	p0 =	seq.s32 s9, $0x1  }
0xc: {  	s14 =	sshll.u32 @!p1 s1, $0x6;
	s22 =	sor.u32 $0x1C02, s22;
	s13 =	sadd.s32 s6, s7  }
.Ltmp0:
0xd: {  	s6 =	sadd.s32 $0x3CE00, s7;
	s7 =	sadd.s32 $0x64000, s7;
	(pc) =	sbr.rel .LBB2_1-.Ltmp0, $4  }
0xe: {  	s12 =	sshrl.u32 s10, $0x1;
	s31 =	sshrl.u32 s11, $0x2;
	s9 =	sadd.s32 s5, s8  }
0xf: {  	s14 =	sor.u32 @!p1 $0x1C02, s14;
	s12 =	ssub.s32 s10, s12;
	s23 =	sadd.s32 s31, s3  }
0x10: {  	s10 =	sadd.s32 s2, s8;
	s11 =	smax.u32 s12, $0x1;
	s12 =	sadd.s32 $0xBE00, s13  }
0x11: {  	s13 =	sadd.s32 $0x2000, s13;
	s15 =	sshrl.u32 @!p1 s23, $0x3;
	s23 =	sshrl.u32 s23, $0x3  }
.LBB2_8:
0x12: {  	s25 =	sadd.s32 s25, s8  }
0x13: {  	[hbm:s25], [sflag:s22] =	dma.local [spmem:s23], $0x3E80  }
0x14: {  	_ =	swait.ge [sflag:s17], $0x3E80  }
0x15: {  	[sflag:s17] =	ssyncset.done $0x0  }
0x16: {  	[sflag:s17] =	ssyncadd.s32 $0xFFFFC180  }
.LBB2_9:
0x17: {  	s24 =	sadd.s32 $0x1, s24  }
0x18: {  	p3 =	sne.s32 s24, s11  }
.Ltmp1:
0x19: {  	_ = 	snop;
	(pc) =	sbr.rel @!p3 .LBB2_10-.Ltmp1, $1  }
0x1a: {  	_ =	sdelay $0x3  }
.LBB2_1:
.Ltmp2:
0x1b: {  	(pc) =	sbr.rel @!p0 .LBB2_2-.Ltmp2, $1  }
0x1c: {  	_ =	sdelay $0x3  }
0x1d: {  	[spmem:s15], [sflag:s14] =	dma.local @!p1 [hbm:s10], $0x3E80  }
0x1e: {  	s25 =	simm.s32 @!p1 $0x2  }
0x1f: {  	_ =	swait.ge @!p1 [sflag:s25], $0x3E80  }
0x20: {  	[sflag:s25] =	ssyncset.done @!p1 $0x0  }
0x21: {  	[sflag:s25] =	ssyncadd.s32 @!p1 $0xFFFFC180  }
0x22: {  	s30 =	sadd.s32 $0x0, s13;
	[bflag:$0x0] =	sbarrier.arrive $0xFFFF  }
0x23: {  	[tilespmem:s16], [sflag:$0x2] =	stream.linear.gather [hbm4b:s30+s4], $0xC8, $0x38;
	[tilespmem:$0x19E80] =	vst v63  }
0x24: {  	_ =	swait.ge [sflag:s17], $0xC8  }
0x25: {  	[sflag:s17] =	ssyncset.done $0x0  }
0x26: {  	s31 =	sadd.s32 $0x0, s12;
	[sflag:s17] =	ssyncadd.s32 $0xFFFFFF38  }
0x27: {  	[tilespmem:s18], [sflag:$0x2] =	stream.linear.gather [hbm4b:s31+s4], $0xC8, $0x38;
	[tilespmem:$0x19E80] =	vst v63  }
0x28: {  	_ =	swait.ge [sflag:s17], $0xC8  }
0x29: {  	[sflag:s17] =	ssyncset.done $0x0  }
0x2a: {  	[sflag:s17] =	ssyncadd.s32 $0xFFFFFF38  }
0x2b: {  	[tilespmem:s20], [sflag:$0x1] =	stream.indirect.gather [hbm4b:s2+s19], $0x80, s16, s19, $0xb8;
	[tilespmem:$0x19E80] =	vst v63  }
0x2c: {  	_ =	swait.ge [sflag:s21], $0x6400  }
0x2d: {  	[sflag:s21] =	ssyncset.done $0x0  }
0x2e: {  	[sflag:s21] =	ssyncadd.s32 $0xFFFF9C00  }
0x2f: {  	[spmem:s3] =	stream.indirect.scatter.add.f32 [tilespmem:s20], [sflag:$0x1], $0x80, s18, s19, $0xb8;
	[tilespmem:$0x19E80] =	vst v63  }
0x30: {  	_ =	swait.ge [sflag:s21], $0x6400  }
0x31: {  	s26 =	simm.s32 $0x32;
	s25 =	simm.s32 $0x19;
	[sflag:s21] =	ssyncset.done $0x0  }
.LBB2_6:
0x32: {  	s28 =	sadd.s32 s25, s13  }
0x33: {  	[sflag:s21] =	ssyncadd.s32 $0xFFFF9C00;
	s29 =	smov.u32 s26;
	s30 =	sadd.s32 $0x19, s26  }
0x34: {  	[tilespmem:s16], [sflag:$0x2] =	stream.linear.gather [hbm4b:s28+s4], $0xC8, $0x38;
	[tilespmem:$0x19E80] =	vst v63  }
0x35: {  	p3 =	sne.s32 s26, $0x9AB;
	_ =	swait.ge [sflag:s17], $0xC8  }
0x36: {  	[sflag:s17] =	ssyncset.done $0x0  }
0x37: {  	s26 =	sadd.s32 s25, s12;
	s25 =	smov.u32 s29;
	[sflag:s17] =	ssyncadd.s32 $0xFFFFFF38  }
0x38: {  	[tilespmem:s18], [sflag:$0x2] =	stream.linear.gather [hbm4b:s26+s4], $0xC8, $0x38;
	[tilespmem:$0x19E80] =	vst v63  }
0x39: {  	_ =	swait.ge [sflag:s17], $0xC8  }
0x3a: {  	[sflag:s17] =	ssyncset.done $0x0  }
0x3b: {  	[sflag:s17] =	ssyncadd.s32 $0xFFFFFF38  }
0x3c: {  	[tilespmem:s20], [sflag:$0x1] =	stream.indirect.gather [hbm4b:s2+s19], $0x80, s16, s19, $0xb8;
	[tilespmem:$0x19E80] =	vst v63  }
0x3d: {  	_ =	swait.ge [sflag:s21], $0x6400  }
.Ltmp3:
0x3e: {  	[sflag:s21] =	ssyncset.done $0x0;
	(pc) =	sbr.rel @p3 .LBB2_6-.Ltmp3, $4  }
0x3f: {  	[sflag:s21] =	ssyncadd.s32 $0xFFFF9C00  }
0x40: {  	[spmem:s3] =	stream.indirect.scatter.add.f32 [tilespmem:s20], [sflag:$0x1], $0x80, s18, s19, $0xb8;
	[tilespmem:$0x19E80] =	vst v63  }
0x41: {  	_ =	swait.ge [sflag:s21], $0x6400  }
0x42: {  	s26 =	smov.u32 s30;
	[sflag:s21] =	ssyncset.done $0x0  }
0x43: {  	s26 =	sadd.s32 s25, s13;
	[sflag:s21] =	ssyncadd.s32 $0xFFFF9C00  }
0x44: {  	[tilespmem:s16], [sflag:$0x2] =	stream.linear.gather [hbm4b:s26+s4], $0xC8, $0x38;
	[tilespmem:$0x19E80] =	vst v63  }
0x45: {  	_ =	swait.ge [sflag:s17], $0xC8  }
0x46: {  	[sflag:s17] =	ssyncset.done $0x0  }
0x47: {  	s31 =	sadd.s32 s25, s12;
	[sflag:s17] =	ssyncadd.s32 $0xFFFFFF38  }
0x48: {  	[tilespmem:s18], [sflag:$0x2] =	stream.linear.gather [hbm4b:s31+s4], $0xC8, $0x38;
	[tilespmem:$0x19E80] =	vst v63  }
0x49: {  	_ =	swait.ge [sflag:s17], $0xC8  }
0x4a: {  	[sflag:s17] =	ssyncset.done $0x0  }
0x4b: {  	[sflag:s17] =	ssyncadd.s32 $0xFFFFFF38  }
0x4c: {  	[tilespmem:s20], [sflag:$0x1] =	stream.indirect.gather [hbm4b:s2+s19], $0x80, s16, s19, $0xb8;
	[tilespmem:$0x19E80] =	vst v63  }
0x4d: {  	_ =	swait.ge [sflag:s21], $0x6400  }
0x4e: {  	[sflag:s21] =	ssyncset.done $0x0  }
0x4f: {  	[sflag:s21] =	ssyncadd.s32 $0xFFFF9C00  }
0x50: {  	[spmem:s3] =	stream.indirect.scatter.add.f32 [tilespmem:s20], [sflag:$0x1], $0x80, s18, s19, $0xb8;
	[tilespmem:$0x19E80] =	vst v63  }
.Ltmp4:
0x51: {  	_ =	swait.ge [sflag:s21], $0x6400;
	(pc) =	sbr.rel @p1 .LBB2_9-.Ltmp4, $4  }
.Ltmp5:
0x52: {  	[sflag:s21] =	ssyncset.done $0x0;
	(pc) =	sbr.rel @!p1 .LBB2_8-.Ltmp5, $4  }
0x53: {  	[sflag:s21] =	ssyncadd.s32 $0xFFFF9C00  }
0x54: {  	[bflag:$0x0] =	sbarrier.arrive $0xFFFF  }
0x55: {  	s25 =	smov.u32 s7  }
0x56: {  	_ = 	snop  }
.LBB2_2:
0x57: {  	[spmem:s15], [sflag:s14] =	dma.local @!p1 [hbm:s9], $0x3E80  }
0x58: {  	s25 =	simm.s32 @!p1 $0x2  }
0x59: {  	_ =	swait.ge @!p1 [sflag:s25], $0x3E80  }
0x5a: {  	[sflag:s25] =	ssyncset.done @!p1 $0x0  }
0x5b: {  	[sflag:s25] =	ssyncadd.s32 @!p1 $0xFFFFC180  }
0x5c: {  	s30 =	sadd.s32 $0x0, s13;
	[bflag:$0x0] =	sbarrier.arrive $0xFFFF  }
0x5d: {  	[tilespmem:s16], [sflag:$0x2] =	stream.linear.gather [hbm4b:s30+s4], $0xC8, $0x38;
	[tilespmem:$0x19E80] =	vst v63  }
0x5e: {  	_ =	swait.ge [sflag:s17], $0xC8  }
0x5f: {  	[sflag:s17] =	ssyncset.done $0x0  }
0x60: {  	s31 =	sadd.s32 $0x0, s12;
	[sflag:s17] =	ssyncadd.s32 $0xFFFFFF38  }
0x61: {  	[tilespmem:s18], [sflag:$0x2] =	stream.linear.gather [hbm4b:s31+s4], $0xC8, $0x38;
	[tilespmem:$0x19E80] =	vst v63  }
0x62: {  	_ =	swait.ge [sflag:s17], $0xC8  }
0x63: {  	[sflag:s17] =	ssyncset.done $0x0  }
0x64: {  	[sflag:s17] =	ssyncadd.s32 $0xFFFFFF38  }
0x65: {  	[tilespmem:s20], [sflag:$0x1] =	stream.indirect.gather [hbm4b:s5+s19], $0x80, s16, s19, $0xb8;
	[tilespmem:$0x19E80] =	vst v63  }
0x66: {  	_ =	swait.ge [sflag:s21], $0x6400  }
0x67: {  	[sflag:s21] =	ssyncset.done $0x0  }
0x68: {  	[sflag:s21] =	ssyncadd.s32 $0xFFFF9C00  }
0x69: {  	[spmem:s3] =	stream.indirect.scatter.add.f32 [tilespmem:s20], [sflag:$0x1], $0x80, s18, s19, $0xb8;
	[tilespmem:$0x19E80] =	vst v63  }
0x6a: {  	_ =	swait.ge [sflag:s21], $0x6400  }
0x6b: {  	s26 =	simm.s32 $0x32;
	s25 =	simm.s32 $0x19;
	[sflag:s21] =	ssyncset.done $0x0  }
.LBB2_3:
0x6c: {  	s28 =	sadd.s32 s25, s13  }
0x6d: {  	[sflag:s21] =	ssyncadd.s32 $0xFFFF9C00;
	s29 =	smov.u32 s26;
	s30 =	sadd.s32 $0x19, s26  }
0x6e: {  	[tilespmem:s16], [sflag:$0x2] =	stream.linear.gather [hbm4b:s28+s4], $0xC8, $0x38;
	[tilespmem:$0x19E80] =	vst v63  }
0x6f: {  	p3 =	sne.s32 s26, $0x9AB;
	_ =	swait.ge [sflag:s17], $0xC8  }
0x70: {  	[sflag:s17] =	ssyncset.done $0x0  }
0x71: {  	s26 =	sadd.s32 s25, s12;
	s25 =	smov.u32 s29;
	[sflag:s17] =	ssyncadd.s32 $0xFFFFFF38  }
0x72: {  	[tilespmem:s18], [sflag:$0x2] =	stream.linear.gather [hbm4b:s26+s4], $0xC8, $0x38;
	[tilespmem:$0x19E80] =	vst v63  }
0x73: {  	_ =	swait.ge [sflag:s17], $0xC8  }
0x74: {  	[sflag:s17] =	ssyncset.done $0x0  }
0x75: {  	[sflag:s17] =	ssyncadd.s32 $0xFFFFFF38  }
0x76: {  	[tilespmem:s20], [sflag:$0x1] =	stream.indirect.gather [hbm4b:s5+s19], $0x80, s16, s19, $0xb8;
	[tilespmem:$0x19E80] =	vst v63  }
0x77: {  	_ =	swait.ge [sflag:s21], $0x6400  }
.Ltmp6:
0x78: {  	[sflag:s21] =	ssyncset.done $0x0;
	(pc) =	sbr.rel @p3 .LBB2_3-.Ltmp6, $4  }
0x79: {  	[sflag:s21] =	ssyncadd.s32 $0xFFFF9C00  }
0x7a: {  	[spmem:s3] =	stream.indirect.scatter.add.f32 [tilespmem:s20], [sflag:$0x1], $0x80, s18, s19, $0xb8;
	[tilespmem:$0x19E80] =	vst v63  }
0x7b: {  	_ =	swait.ge [sflag:s21], $0x6400  }
0x7c: {  	s26 =	smov.u32 s30;
	[sflag:s21] =	ssyncset.done $0x0  }
0x7d: {  	s26 =	sadd.s32 s25, s13;
	[sflag:s21] =	ssyncadd.s32 $0xFFFF9C00  }
0x7e: {  	[tilespmem:s16], [sflag:$0x2] =	stream.linear.gather [hbm4b:s26+s4], $0xC8, $0x38;
	[tilespmem:$0x19E80] =	vst v63  }
0x7f: {  	_ =	swait.ge [sflag:s17], $0xC8  }
0x80: {  	[sflag:s17] =	ssyncset.done $0x0  }
0x81: {  	s31 =	sadd.s32 s25, s12;
	[sflag:s17] =	ssyncadd.s32 $0xFFFFFF38  }
0x82: {  	[tilespmem:s18], [sflag:$0x2] =	stream.linear.gather [hbm4b:s31+s4], $0xC8, $0x38;
	[tilespmem:$0x19E80] =	vst v63  }
0x83: {  	_ =	swait.ge [sflag:s17], $0xC8  }
0x84: {  	[sflag:s17] =	ssyncset.done $0x0  }
0x85: {  	[sflag:s17] =	ssyncadd.s32 $0xFFFFFF38  }
0x86: {  	[tilespmem:s20], [sflag:$0x1] =	stream.indirect.gather [hbm4b:s5+s19], $0x80, s16, s19, $0xb8;
	[tilespmem:$0x19E80] =	vst v63  }
0x87: {  	_ =	swait.ge [sflag:s21], $0x6400  }
0x88: {  	[sflag:s21] =	ssyncset.done $0x0  }
0x89: {  	[sflag:s21] =	ssyncadd.s32 $0xFFFF9C00  }
0x8a: {  	[spmem:s3] =	stream.indirect.scatter.add.f32 [tilespmem:s20], [sflag:$0x1], $0x80, s18, s19, $0xb8;
	[tilespmem:$0x19E80] =	vst v63  }
.Ltmp7:
0x8b: {  	_ =	swait.ge [sflag:s21], $0x6400;
	(pc) =	sbr.rel @p2 .LBB2_8-.Ltmp7, $4  }
.Ltmp8:
0x8c: {  	[sflag:s21] =	ssyncset.done $0x0;
	(pc) =	sbr.rel @!p2 .LBB2_9-.Ltmp8, $4  }
0x8d: {  	[sflag:s21] =	ssyncadd.s32 $0xFFFF9C00  }
0x8e: {  	[bflag:$0x0] =	sbarrier.arrive $0xFFFF  }
0x8f: {  	s25 =	smov.u32 s6  }
0x90: {  	_ = 	snop  }
.LBB2_10:
0x91: {  	_ =	sfence.sel $0x180000  }
0x92: {  	[bflag:$0x0] =	sbarrier.arrive $0xFFFF  }
0x93: {  	p0 =	sne.s32 s1, $0x0;
	_ =	strace $0x90000050  }
0x94: {  	s0 =	sadd.s32 @!p0 $0x100000, s0;
	[bflag:$0x2] =	sbarrier.arrive $0xFFFF  }
0x95: {  	[sflag:s0] =	ssyncadd.tile.s32 @!p0 $0x1;
	_ =	shalt  }
.Lfunc_end2:
_tile_overlayer_lowered:
.L_overlay_start_2:
0x96: {  	(tag) =	ssettag $0x2  }
0x97: {  	s0 =	rddreg [dreg:$0x0];
	s2 =	stileid.u32  }
0x98: {  	s1 =	rddreg [dreg:$0x1];
	p0 =	sne.s32 s2, $0x0  }
0x99: {  	s3 =	rddreg [dreg:$0x2];
	[bflag:$0x3] =	sbarrier.arrive $0xFFFF;
	s2 =	simm.s32 @!p0 $0x1C02  }
0x9a: {  	[timem:s3], [sflag:s2] =	dma.local @!p0 [hbm:s0], s1  }
0x9b: {  	s0 =	simm.s32 @!p0 $0x2  }
0x9c: {  	_ =	swait.ge @!p0 [sflag:s0], s1  }
0x9d: {  	s1 =	ssub.s32 @!p0 $0x0, s1;
	[sflag:s0] =	ssyncset.done @!p0 $0x0  }
0x9e: {  	[sflag:s0] =	ssyncadd.s32 @!p0 s1  }
0x9f: {  	[bflag:$0x3] =	sbarrier.arrive $0xFFFF  }
0xa0: {  	_ =	shalt  }

// kernel: scatter_offload_async_start.1
scs
__scs_entry_jumppad:
0x0: {  	(pc) =	sbr.rel $0x88, $3  }
0x1: {  	(tag) =	ssettag $0x0;
	lr =	simm.s32 $0x1  }
0x2: {  	[smem:$0x3F90] =	sst lr;
	_ =	strace $0xD0000000  }
0x3: {  	_ = 	snop  }
0x4: {  	_ = 	snop  }
0x5: {  	_ = 	snop  }
0x6: {  	_ = 	snop  }
0x7: {  	_ = 	snop  }
__scs_overlays_trampoline_lowered:
0x8: {  	[smem:$0x3F9F] =	sst s0  }
0x9: {  	[smem:$0x3FA0] =	sst s1  }
0xa: {  	[smem:$0x3FA1] =	sst s2  }
0xb: {  	[smem:$0x3FA2] =	sst s3  }
0xc: {  	[smem:$0x3FA3] =	sst s4  }
0xd: {  	[smem:$0x3FA4] =	sst s5  }
0xe: {  	[smem:$0x3FA5] =	sst s6  }
0xf: {  	[smem:$0x3FA6] =	sst s7  }
0x10: {  	[smem:$0x3FA7] =	sst s8  }
0x11: {  	[smem:$0x3FA8] =	sst s9;
	s0 =	simm.s32 @!p0 $0x0  }
0x12: {  	s1 =	sld [smem:$0x3F8E];
	s0 =	simm.s32 @p0 $0x1  }
0x13: {  	[smem:$0x3FA9] =	sst s0;
	s0 =	simm.s32 @!p1 $0x0  }
0x14: {  	s2 =	sld [smem:$0x3F8D];
	s0 =	simm.s32 @p1 $0x1  }
0x15: {  	[smem:$0x3FAA] =	sst s0;
	s0 =	simm.s32 @!p2 $0x0  }
0x16: {  	s3 =	sld [smem:$0x3FDB];
	s0 =	simm.s32 @p2 $0x1  }
0x17: {  	s4 =	simm.s32 $0x1BF5;
	[smem:$0x3FAC] =	sst s0  }
0x18: {  	s0 =	sld [smem:$0x3F8F];
	_ =	swait.ge [sflag:s4], $0x0  }
0x19: {  	s7 =	sld [smem:$0x3F90]  }
0x1a: {  	s8 =	sadd.s32 $0xFFFFE003, lr  }
0x1b: {  	s9 =	sadd.s32 $0xFFFFFEF7, lr;
	s5 =	simm.s32 $0xFFFFFFFF;
	p2 =	slt.u32 s8, $0xFFFFF086  }
0x1c: {  	p1 =	slt.u32 s9, $0xF7A;
	s5 =	simm.s32 @!p2 $0x0  }
0x1d: {  	s5 =	simm.s32 @p1 $0x1;
	p0 =	seq.s32 s7, s2  }
0x1e: {  	s7 =	smul.u32 @!p0 $0xF7A, s2;
	p2 =	seq.s32 @!p0 s5, $0x0  }
0x1f: {  	s9 =	smul.u32 $0xF7A, s1;
	s8 =	simm.s32 @!p0 $0x1BF5;
	p2 =	por !p2, p0  }
0x20: {  	[sflag:s8] =	ssyncset.s32 @!p0 $0xFFFFF086;
	s6 =	sadd.s32 @!p0 s3, s7;
	s7 =	simm.s32 @!p0 $0x108  }
0x21: {  	s3 =	sadd.s32 s3, s9;
	s6 =	sadd.s32 @!p0 $0x88, s6;
	s7 =	simm.s32 @p2 $0x1082  }
0x22: {  	[simem:s7], [sflag:s8] =	dma.local @!p0 [hbm:s6], $0xF7A  }
0x23: {  	s9 =	sor.u32 $0xD0000000, s2;
	s6 =	simm.s32 $0x108;
	_ =	swait.ge @!p0 [sflag:s8], $0x0  }
0x24: {  	s3 =	sadd.s32 $0x88, s3;
	s6 =	simm.s32 @!p1 $0x1082;
	[sflag:s4] =	ssyncset.s32 $0xFFFFF086  }
0x25: {  	[simem:s6], [sflag:s4] =	dma.local [hbm:s3], $0xF7A  }
0x26: {  	[smem:$0x3F90] =	sst s1;
	(tag) =	ssettag s2;
	_ =	strace s9  }
0x27: {  	s1 =	sld [smem:$0x3FA0]  }
0x28: {  	s2 =	sld [smem:$0x3FA1]  }
0x29: {  	s4 =	sld [smem:$0x3FA3]  }
0x2a: {  	p0 =	seq.s32 s5, $0x0;
	s5 =	sld [smem:$0x3FA4]  }
0x2b: {  	s6 =	sld [smem:$0x3FA5]  }
0x2c: {  	s7 =	sld [smem:$0x3FA6]  }
0x2d: {  	s3 =	simm.s32 $0x108;
	s8 =	sld [smem:$0x3FA7]  }
0x2e: {  	s3 =	simm.s32 @!p0 $0x1082;
	s9 =	sld [smem:$0x3FA8]  }
0x2f: {  	lr =	sadd.s32 s0, s3;
	s0 =	sld [smem:$0x3F9F]  }
0x30: {  	s3 =	sld [smem:$0x3FA2]  }
0x31: {  	[smem:$0x3FAB] =	sst s10  }
0x32: {  	s10 =	sld [smem:$0x3FA9];
	_ =	sdelay $0x3  }
0x33: {  	p0 =	seq.s32 s10, $0x1;
	s10 =	sld [smem:$0x3FAB];
	_ =	sdelay $0x3  }
0x34: {  	[smem:$0x3FAB] =	sst s10  }
0x35: {  	s10 =	sld [smem:$0x3FAA];
	_ =	sdelay $0x3  }
0x36: {  	p1 =	seq.s32 s10, $0x1;
	s10 =	sld [smem:$0x3FAB];
	_ =	sdelay $0x3  }
0x37: {  	[smem:$0x3FAB] =	sst s10  }
0x38: {  	s10 =	sld [smem:$0x3FAC]  }
0x39: {  	_ = 	snop;
	(pc) =	sbr.ind lr, $3  }
0x3a: {  	_ = 	snop  }
0x3b: {  	_ = 	snop  }
0x3c: {  	p2 =	seq.s32 s10, $0x1;
	s10 =	sld [smem:$0x3FAB]  }
0x3d: {  	_ =	shalt  }
0x3e: {  	_ =	shalt  }
0x3f: {  	_ =	shalt  }
0x40: {  	_ =	shalt  }
0x41: {  	_ =	shalt  }
0x42: {  	_ =	shalt  }
0x43: {  	_ =	shalt  }
0x44: {  	_ =	shalt  }
0x45: {  	_ =	shalt  }
0x46: {  	_ =	shalt  }
0x47: {  	_ =	shalt  }
0x48: {  	_ =	shalt  }
0x49: {  	_ =	shalt  }
0x4a: {  	_ =	shalt  }
0x4b: {  	_ =	shalt  }
0x4c: {  	_ =	shalt  }
0x4d: {  	_ =	shalt  }
0x4e: {  	_ =	shalt  }
0x4f: {  	_ =	shalt  }
0x50: {  	_ =	shalt  }
0x51: {  	_ =	shalt  }
0x52: {  	_ =	shalt  }
0x53: {  	_ =	shalt  }
0x54: {  	_ =	shalt  }
0x55: {  	_ =	shalt  }
0x56: {  	_ =	shalt  }
0x57: {  	_ =	shalt  }
0x58: {  	_ =	shalt  }
0x59: {  	_ =	shalt  }
0x5a: {  	_ =	shalt  }
0x5b: {  	_ =	shalt  }
0x5c: {  	_ =	shalt  }
0x5d: {  	_ =	shalt  }
0x5e: {  	_ =	shalt  }
0x5f: {  	_ =	shalt  }
0x60: {  	_ =	shalt  }
0x61: {  	_ =	shalt  }
0x62: {  	_ =	shalt  }
0x63: {  	_ =	shalt  }
0x64: {  	_ =	shalt  }
0x65: {  	_ =	shalt  }
0x66: {  	_ =	shalt  }
0x67: {  	_ =	shalt  }
0x68: {  	_ =	shalt  }
0x69: {  	_ =	shalt  }
0x6a: {  	_ =	shalt  }
0x6b: {  	_ =	shalt  }
0x6c: {  	_ =	shalt  }
0x6d: {  	_ =	shalt  }
0x6e: {  	_ =	shalt  }
0x6f: {  	_ =	shalt  }
0x70: {  	_ =	shalt  }
0x71: {  	_ =	shalt  }
0x72: {  	_ =	shalt  }
0x73: {  	_ =	shalt  }
0x74: {  	_ =	shalt  }
0x75: {  	_ =	shalt  }
0x76: {  	_ =	shalt  }
0x77: {  	_ =	shalt  }
0x78: {  	_ =	shalt  }
0x79: {  	_ =	shalt  }
0x7a: {  	_ =	shalt  }
0x7b: {  	_ =	shalt  }
0x7c: {  	_ =	shalt  }
0x7d: {  	_ =	shalt  }
0x7e: {  	_ =	shalt  }
0x7f: {  	_ =	shalt  }
0x80: {  	_ =	shalt  }
0x81: {  	_ =	shalt  }
0x82: {  	_ =	shalt  }
0x83: {  	_ =	shalt  }
0x84: {  	_ =	shalt  }
0x85: {  	_ =	shalt  }
0x86: {  	_ =	shalt  }
0x87: {  	_ =	shalt  }
.Lfunc_end0:
.L_simem_size_0:
called_computation.1_lowered:
.L_overlay_start_0:
0x88: {  	s0 =	sld [smem:$0x3FD9]  }
0x89: {  	s1 =	sld [smem:$0x3FFE];
	_ =	sdelay $0x3  }
0x8a: {  	s0 =	sadd.s32 s1, s0  }
0x8b: {  	[smem:$0x3FB7] =	sst s0  }
0x8c: {  	_ = 	snop  }
0x8d: {  	(tm) =	ssettm $0x1  }
0x8e: {  	s15 =	sld [smem:$0x3FFB];
	_ =	sdelay $0x3  }
0x8f: {  	_ =	strace s15  }
0x90: {  	s0 =	sld [smem:$0x3FFC];
	_ =	sdelay $0x3  }
0x91: {  	_ =	strace s0  }
0x92: {  	s0 =	sld [smem:$0x3FFD];
	_ =	sdelay $0x3  }
0x93: {  	_ =	strace s0  }
0x94: {  	_ =	strace $0x8FFFFFFF  }
0x95: {  	s16 =	sld [smem:$0x3FDB];
	_ =	sdelay $0x1  }
0x96: {  	s17 =	simm.s32 $_scs_section_size  }
0x97: {  	s2 =	simm.s32 $_size__tile_overlayer_lowered;
	s3 =	simm.s32 $_tile_overlayer_lowered  }
0x98: {  	s20 =	simm.s32 $0x1BFF;
	s19 =	sshll.u32 s3, $0x1;
	s0 =	sadd.s32 s17, s16  }
0x99: {  	s4 =	simm.s32 $0x0;
	s18 =	sshll.u32 s2, $0x1;
	s2 =	sadd.s32 s19, s0  }
0x9a: {  	[timem:s4], [sflag:s20] =	dma.local [hbm:s2], s18  }
0x9b: {  	_ =	swait.ge [sflag:s20], s18  }
0x9c: {  	s1 =	ssub.s32 $0x0, s18;
	[sflag:s20] =	ssyncset.done $0x0  }
0x9d: {  	[sflag:s20] =	ssyncadd.s32 s1;
	_ =	sdelay $0x1  }
0x9e: {  	s21 =	simm.s32 $0x1B8B  }
0x9f: {  	_ =	swait.ge [sflag:s21], $0x1  }
0xa0: {  	[sflag:s21] =	ssyncset.done $0x0  }
0xa1: {  	s23 =	simm.s32 $0x1B8E;
	s22 =	sld [smem:$0x3FFE];
	[sflag:s21] =	ssyncadd.s32 $0xFFFFFFFF  }
0xa2: {  	s24 =	simm.s32 $execute0_lowered;
	[smem:$0x3FD2] =	sst s23  }
0xa3: {  	s2 =	sshll.u32 s24, $0x1;
	_ =	strace $0x80000049;
	[dreg:$0x1] =	wrdreg $0xFFFFFFFF  }
0xa4: {  	s25 =	simm.s32 $_size_execute0_lowered;
	s0 =	sadd.s32 s0, s2;
	[dreg:$0x0] =	wrdreg $0x0  }
0xa5: {  	s2 =	sshll.u32 s25, $0x1;
	[dreg:$0x2] =	wrdreg s0  }
0xa6: {  	[dreg:$0x3] =	wrdreg s2  }
0xa7: {  	[dreg:$0x4] =	wrdreg $0xC0  }
0xa8: {  	_ =	task [dreg:s4], $0x5FFFF  }
0xa9: {  	[dreg:$0x1] =	wrdreg $0xFFFFFFFF  }
0xaa: {  	[dreg:$0x0] =	wrdreg $0x60  }
0xab: {  	[dreg:$0x2] =	wrdreg s22  }
0xac: {  	[dreg:$0x3] =	wrdreg $0xA  }
0xad: {  	_ =	task.clear_ibuf [dreg:s4], $0x4FFFF;
	_ =	strace $0x90000049  }
0xae: {  	s26 =	simm.s32 $0xA;
	_ =	strace $0x8000004B  }
0xaf: {  	_ =	swait.ge [sflag:s26], $0x1  }
0xb0: {  	[sflag:s26] =	ssyncadd.s32 $0xFFFFFFFF  }
0xb1: {  	_ =	strace $0x9000004B  }
0xb2: {  	_ =	sfence  }
0xb3: {  	s28 =	sld [smem:$0x0];
	_ =	sdelay $0x1  }
0xb4: {  	s29 =	srdreg.scid  }
0xb5: {  	s30 =	sshll.u32 s29, $0xD;
	s31 =	sshrl.u32 s29, $0x2  }
0xb6: {  	s1 =	sand.u32 $0x1, s29;
	s2 =	sand.u32 $0x4000, s30;
	s0 =	sadd.s32 s31, s28  }
0xb7: {  	s1 =	sor.u32 s2, s1;
	s0 =	sshll.u32 s0, $0x11  }
0xb8: {  	s0 =	sor.u32 s0, s1  }
0xb9: {  	s0 =	sadd.s32 $0x8F2B, s0  }
0xba: {  	[sflag:s0] =	ssyncadd.remote.s32 $0x1  }
0xbb: {  	_ =	sfence.sel $0xFFFF  }
0xbc: {  	[dreg:$0x0] =	wrdreg $0xFFFFFFFF;
	(pc) =	sbr.abs _section_cstart, $3  }
0xbd: {  	[dreg:$0x1] =	wrdreg $0xFFFFFFFF  }
0xbe: {  	_ =	task.clear_ibuf [dreg:s4], $0x2FFFF;
	_ =	strace $0x9FFFFFFF  }
0xbf: {  	(tm) =	ssettm $0x7FFFFFFF  }
tec
execute0_lowered:
.L_overlay_start_1:
0x0: {  	(tag) =	ssettag $0x1  }
0x1: {  	s0 =	rddreg [dreg:$0x0];
	_ =	strace $0x8000004A;
	s15 =	stileid.u32  }
0x2: {  	s2 =	simm.s32 $0x1;
	s1 =	smin.u32 s15, $0x8;
	s3 =	sshll.u32 s15, $0x1  }
0x3: {  	v1 =	vimm.s32 $0xFFFFFFFF;
	[sflag:s2] =	ssyncpa.u1 $0x0;
	s1 =	sadd.s32 s1, s3  }
0x4: {  	p0 =	slt.u32 s15, $0x8;
	[tilespmem:$0x10] =	vst v1;
	s4 =	smul.u32 $0x1F40, s1;
	s1 =	simm.s32 $0x5DC0  }
0x5: {  	v0 =	vimm.f32 $0.0e+00;
	[tilespmem:$0x20] =	vst v1;
	s1 =	simm.s32 @!p0 $0x3E80  }
0x6: {  	[tilespmem:$0x30] =	vst v0;
	s1 =	sadd.s32 s1, s4  }
0x7: {  	[tilespmem:$0x40] =	vst v0;
	s5 =	smin.u32 s1, $0x4E200  }
0x8: {  	s7 =	simm.s32 $0x2;
	s8 =	simm.s32 $0x8;
	[tilespmem:$0x50] =	vst v0;
	s9 =	ssub.s32 s5, s4  }
0x9: {  	s31 =	simm.s32 $0x9;
	s16 =	simm.s32 $0x0;
	[tilespmem:$0x60] =	vst v1;
	p0 =	sgt.s32 s9, $0x0  }
0xa: {  	s17 =	simm.s32 $0xF0;
	s18 =	simm.s32 $0xFFFFFFFF;
	[tilespmem:$0x70] =	vst v1;
	s9 =	simm.s32 @!p0 $0x0  }
0xb: {  	s19 =	simm.s32 $0xFFFFC280;
	s20 =	simm.s32 $0xFFFFFFFE;
	[tilespmem:$0x80] =	vst v1;
	s30 =	smulhi.u32 $0x10624DD3, s9  }
0xc: {  	s21 =	simm.s32 $0xF;
	s25 =	simm.s32 $0x0;
	s24 =	simm.s32 $0x0;
	v1 =	vimm.s32 $0x0;
	[tilespmem:$0xB0] =	vst v0  }
0xd: {  	s6 =	sadd.s32 $0xA89C00, s0;
	s15 =	sshllo.u32 s15, $0x1;
	[tilespmem:$0x90] =	vst v1;
	s10 =	sshrl.u32 s30, $0x9  }
0xe: {  	[tilespmem:$0xA0] =	vst v1;
	[sflag:s7] =	ssyncpa.u1 $0x0;
	s7 =	simm.s32 $0x7;
	s11 =	smul.u32 $0x1F40, s10  }
.Ltmp0:
0xf: {  	s13 =	sor.u32 $0x80, s3;
	[sflag:s7] =	ssyncpa.u1 $0x0;
	(pc) =	sbr.rel .LBB2_1-.Ltmp0, $4  }
0x10: {  	s14 =	sor.u32 $0x81, s3;
	[sflag:s8] =	ssyncpa.u1 $0x0;
	p0 =	sne.s32 s9, s11  }
0x11: {  	s23 =	smov.u32 s4;
	s1 =	sadd.s32 $0x15C00, s0;
	s2 =	simm.s32 @!p0 $0x0  }
0x12: {  	vm0 =	vmmov $0xffff;
	v2 =	vlaneseq.u32;
	[sflag:s31] =	ssyncpa.u1 $0x0;
	s9 =	sadd.s32 $0xA93A00, s0;
	s10 =	sadd.s32 s2, s10  }
0x13: {  	vm1 =	vmxor vm1, vm1;
	vm2 =	vmmov $0x1;
	vm3 =	vcmask $0x3F3C;
	p0 =	por $0x0, $0x0;
	s11 =	sadd.s32 $0x1, s10;
	s12 =	sadd.s32 $0x2, s10  }
.LBB2_9:
0x14: {  	p1 =	slt.u32 s24, $0x3  }
0x15: {  	s0 =	simm.s32 @!p1 $0x2  }
0x16: {  	_ =	swait.ge @!p1 [sflag:s0], $0x1F40  }
0x17: {  	[sflag:s0] =	ssyncset.done @!p1 $0x0  }
0x18: {  	[sflag:s0] =	ssyncadd.s32 @!p1 $0xFFFFE0C0;
	s0 =	simm.s32 @!p1 $0x9  }
0x19: {  	_ =	swait.ge @!p1 [sflag:s0], $0x10  }
0x1a: {  	[sflag:s0] =	ssyncset.done @!p1 $0x0  }
0x1b: {  	[sflag:s0] =	ssyncadd.s32 @!p1 $0xFFFFFFF0;
	p1 =	sne.s32 s24, s12  }
.Ltmp1:
0x1c: {  	s2 =	sadd.s32 $0x1F40, s23;
	(pc) =	sbr.rel @!p1 .LBB2_10-.Ltmp1, $4  }
0x1d: {  	s22 =	smov.u32 s4;
	s31 =	sadd.s32 $0x1, s24;
	s17 =	sadd.s32 $0x1F40, s17  }
0x1e: {  	s18 =	sadd.s32 $0x1, s18;
	s25 =	smov.u32 s23;
	p2 =	slt.s32 s2, s5  }
0x1f: {  	p0 =	por !p0, !p0;
	s19 =	sadd.s32 $0x1F40, s19;
	s22 =	smov.u32 @p2 s2  }
0x20: {  	s20 =	sadd.s32 $0x1, s20;
	s23 =	smov.u32 s22;
	s24 =	smov.u32 s31  }
.LBB2_1:
0x21: {  	p1 =	sge.u32 s24, s10  }
0x22: {  	s0 =	smulhi.u32 @!p1 $0xAAAAAAAB, s24;
	_ =	sdelay $0x1  }
0x23: {  	s0 =	sshrl.u32 @!p1 s0, $0x1  }
0x24: {  	s0 =	smul.u32 @!p1 $0x3, s0;
	_ =	sdelay $0x1  }
0x25: {  	s0 =	ssub.s32 @!p1 s24, s0  }
0x26: {  	s0 =	smul.u32 @!p1 $0x7D00, s0;
	_ =	sdelay $0x1  }
0x27: {  	s2 =	sshrl.u32 @!p1 s23, $0x3;
	s0 =	sshrl.u32 @!p1 s0, $0x2  }
0x28: {  	s22 =	sand.u32 @!p1 $0x7, s23;
	s2 =	sadd.s32 @!p1 s6, s2;
	s0 =	sadd.s32 @!p1 $0x100, s0  }
0x29: {  	[tilespmem:s0], [sflag:$0x7] =	stream.linear.gather @!p1 [hbm4b:s2+s22], $0x1F40, $0x38;
	[tilespmem:$0x11A60] =	vst v63  }
0x2a: {  	s0 =	sadd.s32 $0xFFFFFFFF, s24  }
0x2b: {  	p1 =	sge.u32 s0, s10  }
.Ltmp2:
0x2c: {  	_ = 	snop;
	(pc) =	sbr.rel @p1 .LBB2_5-.Ltmp2, $1  }
0x2d: {  	_ =	sdelay $0x3  }
0x2e: {  	s2 =	smulhi.u32 $0xAAAAAAAB, s0;
	_ =	sdelay $0x1  }
0x2f: {  	s2 =	sshrl.u32 s2, $0x1  }
0x30: {  	s2 =	smul.u32 $0x3, s2;
	_ =	sdelay $0x1  }
0x31: {  	s2 =	ssub.s32 s0, s2  }
0x32: {  	s2 =	smul.u32 $0x7D00, s2  }
0x33: {  	_ =	swait.ge [sflag:s7], $0x1F40  }
0x34: {  	[sflag:s7] =	ssyncset.done $0x0;
	s2 =	sshrl.u32 s2, $0x2  }
0x35: {  	[sflag:s7] =	ssyncadd.s32 $0xFFFFE0C0;
	(ifvalue) =	ssetifvalue $0xFFFFFFFF;
	v3 =	vld.msk [tilespmem:s2+$0x100 ss:$0x1], $0xffff;
	_ =	sdelay $0x2  }
0x36: {  	s30 =	smulhi.u32 $0xAAAAAAAB, s18;
	p1 =	sne.s32 s24, $0x1  }
0x37: {  	v4 =	vimm.s32 @!p1 $0x0  }
0x38: {  	s2 =	sshrl.u32 s30, $0x1;
	v4 =	vperm.xlane @!p1 v3, v4  }
0x39: {  	s22 =	sshll.u32 s24, $0x4;
	s2 =	smul.u32 $0xFFFE8900, s2;
	vm4 =	vlt.u32 v3, $0x2800  }
0x3a: {  	s22 =	sand.u32 $0x10, s22;
	v3 =	vnsel vm4, $0xFFFFFFFE, v3;
	vm4 =	vlt.u32 @!p1 v4, $0x2800  }
0x3b: {  	s2 =	sshra.s32 s2, $0x2;
	[tilespmem:s22+$0x60] =	vst v3;
	v3 =	vnsel @!p1 vm4, $0xFFFFFFFE, v4  }
0x3c: {  	s28 =	sadd.s32 s2, s17;
	[tilespmem:$0x80] =	vst @!p1 v3  }
0x3d: {  	v3 =	vld.msk [tilespmem:s28+$0x0 ss:$0x1], $0xffff;
	_ =	sdelay $0x4  }
0x3e: {  	(xrf1) =	vunique.msk.u32 $0xffff, v3;
	_ =	sdelay $0xd  }
0x3f: {  	v4 =	vimm.s32 $0xFFFFFFFF;
	v5, _, _ =	vpop (xrf1)  }
0x40: {  	vm5 =	vne.s32 v3, v4;
	vm4 =	veq.s32 v5, v2  }
0x41: {  	vm6 =	vlt.u32 v3, $0x2800;
	vm4 =	vmand vm5, vm4  }
0x42: {  	vm4 =	vmand vm6, vm4  }
0x43: {  	v4 =	vnsel vm4, $0xFFFFFFFF, v3  }
0x44: {  	s31 =	sand.u32 $0x1, s0  }
0x45: {  	s0 =	simm.s32 $0x1F40;
	p1 =	seq.s32 s31, $0x1  }
0x46: {  	s0 =	simm.s32 @!p1 $0x0  }
0x47: {  	s26 =	sadd.s32 $0x7DF0, s0;
	(ifvalue) =	ssetifvalue $0xFFFFFFFF  }
0x48: {  	v3 =	vperm.xlane v3, v1;
	[tilespmem:s26], [sflag:$0x8] =	stream.indirect_vreg.gather [hbm4b:s1+s16], $0x1, v4, vm0, $0x4038;
	v4 =	vnsel vm6, $0xFFFFFFFE, v4;
	[tilespmem:$0x11A60] =	vst v63  }
0x49: {  	s2 =	simm.s32 $0x0;
	s22 =	sadd.s32 $0xFFFFFFF0, s28;
	[tilespmem:s28+$0x0] =	vst v4  }
.LBB2_3:
0x4a: {  	v4 =	vld.msk [tilespmem:s22+$0x0 ss:$0x1], $0xffff;
	s2 =	sadd.s32 $0x10, s2;
	v5 =	vmov v3;
	s28 =	smov.u32 s22  }
0x4b: {  	p1 =	slt.u32 s2, $0x1F30;
	_ =	sdelay $0x4  }
0x4c: {  	v3 =	vperm.xlane v4, v1;
	(xrf1) =	vunique.msk.u32 $0xffff, v4;
	_ =	sdelay $0xd  }
0x4d: {  	v6, _, _ =	vpop (xrf1)  }
0x4e: {  	vm5 =	vne.s32 v4, v5;
	vm4 =	veq.s32 v6, v2  }
0x4f: {  	vm6 =	vlt.u32 v4, $0x2800;
	vm4 =	vmand vm5, vm4  }
0x50: {  	vm4 =	vmand vm6, vm4  }
0x51: {  	v4 =	vnsel vm4, $0xFFFFFFFF, v4  }
.Ltmp3:
0x52: {  	v5 =	vnsel vm6, $0xFFFFFFFE, v4;
	(pc) =	sbr.rel @p1 .LBB2_3-.Ltmp3, $3  }
0x53: {  	_ =	sdelay $0x1  }
0x54: {  	s22 =	sadd.s32 $0xFFFFFFF0, s22;
	s26 =	sadd.s32 $0xFFFFFFF0, s26;
	(ifvalue) =	ssetifvalue $0xFFFFFFFF  }
0x55: {  	[tilespmem:s26], [sflag:$0x8] =	stream.indirect_vreg.gather [hbm4b:s1+s16], $0x1, v4, vm0, $0x4038;
	[tilespmem:s28+$0x0] =	vst v5  }
0x56: {  	s2 =	sshrl.u32 s25, $0x3  }
0x57: {  	s0 =	sadd.s32 $0x9D40, s0;
	s2 =	sadd.s32 s9, s2  }
0x58: {  	[tilespmem:s0], [sflag:$0x8] =	stream.linear.gather [hbm:s2], $0x1F40, $0x38;
	[tilespmem:$0x11A60] =	vst v63  }
.LBB2_5:
0x59: {  	p1 =	slt.u32 s24, $0x2  }
0x5a: {  	p2 =	sge.u32 @!p1 s24, s12  }
0x5b: {  	p1 =	por p1, p2  }
.Ltmp4:
0x5c: {  	_ = 	snop;
	(pc) =	sbr.rel @p1 .LBB2_9-.Ltmp4, $1  }
0x5d: {  	_ =	sdelay $0x3  }
0x5e: {  	s0 =	sadd.s32 $0xFFFFFFFE, s24  }
0x5f: {  	s2 =	smulhi.u32 $0xAAAAAAAB, s0;
	_ =	sdelay $0x1  }
0x60: {  	s2 =	sshrl.u32 s2, $0x1  }
0x61: {  	s2 =	smul.u32 $0x3, s2;
	_ =	sdelay $0x1  }
0x62: {  	s0 =	ssub.s32 s0, s2  }
0x63: {  	_ =	swait.ge [sflag:s8], $0x3E80;
	s0 =	smul.u32 $0x1F40, s0  }
0x64: {  	p1 =	sne.s32 s24, s11;
	[sflag:s8] =	ssyncset.done $0x0  }
0x65: {  	[sflag:s8] =	ssyncadd.s32 $0xFFFFC180;
	s2 =	sadd.s32 @!p1 $0x203F, s0  }
0x66: {  	[spmem:s14] =	stream.linear.scatter @!p1 [tilespmem:s2], [sflag:$0x1], $0x1, $0x38;
	[tilespmem:$0x11A60] =	vst v63  }
0x67: {  	s2 =	simm.s32 @!p1 $0x1  }
0x68: {  	_ =	swait.ge @!p1 [sflag:s2], $0x1  }
0x69: {  	s22 =	sshll.u32 s24, $0x4;
	[sflag:s2] =	ssyncset.done @!p1 $0x0  }
0x6a: {  	s25 =	sand.u32 $0x10, s22;
	[sflag:s2] =	ssyncadd.s32 @!p1 $0xFFFFFFFF  }
0x6b: {  	s2 =	sxor.u32 $0x10, s25;
	v4 =	vld [tilespmem:s25+$0x10]  }
0x6c: {  	v5 =	vld [tilespmem:s2+$0x60]  }
0x6d: {  	v3 =	vld [tilespmem:$0x80];
	_ =	sdelay $0x2  }
0x6e: {  	(v2sf) =	vpush v4, $0x0  }
0x6f: {  	(v2sf) =	vpush v5, $0x0  }
0x70: {  	(v2sf) =	vpush v3, $0x0;
	_ =	sdelay $0xc  }
0x71: {  	s22 =	spop (v2sf)  }
0x72: {  	s26 =	spop (v2sf)  }
0x73: {  	s28 =	spop (v2sf)  }
0x74: {  	p2 =	seq.s32 s22, s26;
	p3 =	seq.s32 s28, s22  }
0x75: {  	p3 =	por p2, p3  }
0x76: {  	s26 =	sand.u32 $0x1, s24;
	v4 =	vpsel p3, $0xFFFFFFFF, v4  }
0x77: {  	s29 =	smul.u32 $0x1F40, s26;
	[tilespmem:s25+$0x10] =	vst.msk $0x1, v4  }
0x78: {  	v4 =	vld [tilespmem:$0x30]  }
0x79: {  	v5 =	vld [tilespmem:s29+$0x9D40]  }
0x7a: {  	v6 =	vld [tilespmem:s25+$0x40];
	_ =	sdelay $0x3  }
0x7b: {  	vm4 =	vmmov vm1;
	v5 =	vadd.f32 v5, v4  }
0x7c: {  	vm5 =	vmmov vm2;
	vm4 =	vmmov @p2 vm2;
	s22 =	sshll.u32 s26, $0x4;
	v4 =	vadd.f32 v6, v4  }
0x7d: {  	s26 =	sor.u32 $0x11A40, s22;
	vm5 =	vmmov @p3 vm1;
	[tilespmem:s29+$0x9D40] =	vst.msk vm4, v5  }
0x7e: {  	[tilespmem:s26+$0x0] =	vst.msk vm5, v4  }
0x7f: {  	v4 =	vld [tilespmem:s29+$0x7DF0];
	_ =	sdelay $0x3  }
0x80: {  	v5 =	vimm.f32 $0.0e+00  }
0x81: {  	v4 =	vshift.insert v4, v5, s21  }
0x82: {  	s22 =	sor.u32 $0x40, s2  }
0x83: {  	[tilespmem:s22+$0x0] =	vst.msk $0x1, v4  }
0x84: {  	[tilespmem:s29+$0x7DFF] =	vst.msk $0x1, v5  }
0x85: {  	v4 =	vld [tilespmem:s0+$0x2030];
	_ =	sdelay $0x1  }
0x86: {  	s22 =	smulhi.u32 $0xAAAAAAAB, s20;
	s0 =	simm.s32 $0x1  }
0x87: {  	s0 =	simm.s32 @!p0 $0x0  }
0x88: {  	s22 =	sshrl.u32 s22, $0x1;
	s0 =	smul.u32 $0x7D00, s0  }
0x89: {  	s22 =	smul.u32 $0xFFFE8900, s22;
	v4 =	vshift.insert v4, v1, s21  }
0x8a: {  	s0 =	sshrl.u32 s0, $0x2  }
0x8b: {  	s22 =	sshra.s32 s22, $0x2;
	s30 =	sadd.s32 $0x9D40, s0;
	[tilespmem:s2+$0x10] =	vst.msk $0x1, v4  }
0x8c: {  	s22 =	sadd.s32 s22, s19;
	v6 =	vld [tilespmem:s30+$0x0]  }
0x8d: {  	v7 =	vld [tilespmem:s22+$0x0];
	_ =	sdelay $0x3  }
0x8e: {  	v5 =	vadd.f32 v6, v5  }
0x8f: {  	vm4 =	vne.s32 v7, $0xFFFFFFFF  }
0x90: {  	(xrf2) =	vadd.seg.scan.f32 vm4, v5;
	_ =	sdelay $0x3  }
0x91: {  	s31 =	sadd.s32 $0x5EC0, s0;
	v5 =	vperm.xlane v4, v1  }
0x92: {  	v6 =	vld [tilespmem:s31+$0x0]  }
0x93: {  	vm5 =	veq.s32 v7, v3;
	vm6 =	veq.s32 v7, v5  }
0x94: {  	vm7 =	vgt.u32 v7, $0xFFFFFFFD;
	vm6 =	vmor vm6, vm5  }
0x95: {  	vm6 =	vmor vm6, vm7  }
0x96: {  	v9 =	vld [tilespmem:$0xA0];
	v7 =	vsel vm6, $0xFFFFFFFF, v7  }
0x97: {  	v10 =	vld [tilespmem:$0x90];
	v6 =	vsel vm5, $0x0, v6;
	v8, _, _ =	vpop (xrf2)  }
0x98: {  	v6 =	vadd.f32 v8, v6  }
0x99: {  	s0 =	sadd.s32 $0xDBC0, s0  }
0x9a: {  	vm4 =	vmand vm4, vm3;
	[tilespmem:s0+$0x0] =	vst v6;
	(ifvalue) =	ssetifvalue $0xFFFFFFFF  }
0x9b: {  	vm6 =	veq.s32 v9, $0x1;
	[hbm4b:s1+s16] =	stream.indirect_vreg.scatter [tilespmem:s0], [sflag:$0x2], $0x1, v7, vm0, $0x4038;
	v7 =	vsel vm4, $0x0, v8;
	[tilespmem:$0x11A60] =	vst v63  }
0x9c: {  	s2 =	simm.s32 $0x0;
	s22 =	sadd.s32 $0x10, s22;
	vm4 =	vmor vm6, vm5;
	v6 =	vsel vm5, v8, v10;
	v7 =	vshift.insert v7, v0, s21  }
.LBB2_7:
0x9d: {  	v8 =	vld [tilespmem:s22+$0x0];
	s30 =	sadd.s32 $0x10, s30  }
0x9e: {  	s31 =	sadd.s32 $0x10, s31;
	v9 =	vld [tilespmem:s30+$0x0]  }
0x9f: {  	s2 =	sadd.s32 $0x10, s2;
	v10 =	vld [tilespmem:s31+$0x0]  }
0xa0: {  	p2 =	slt.u32 s2, $0x1F30;
	_ =	sdelay $0x2  }
0xa1: {  	v7 =	vadd.f32 v9, v7  }
0xa2: {  	vm5 =	vne.s32 v8, $0xFFFFFFFF  }
0xa3: {  	vm6 =	vmand vm5, vm3;
	(xrf2) =	vadd.seg.scan.f32 vm5, v7;
	_ =	sdelay $0x5  }
0xa4: {  	vm7 =	veq.s32 v8, v5;
	vm5 =	veq.s32 v8, v3  }
0xa5: {  	vm8 =	vgt.u32 v8, $0xFFFFFFFD;
	vm4 =	vmor vm4, vm5;
	vm7 =	vmor vm7, vm5  }
0xa6: {  	vm7 =	vmor vm7, vm8  }
0xa7: {  	v8 =	vsel vm7, $0xFFFFFFFF, v8  }
.Ltmp5:
0xa8: {  	v7 =	vsel vm5, $0x0, v10;
	v9, _, _ =	vpop (xrf2);
	(pc) =	sbr.rel @p2 .LBB2_7-.Ltmp5, $4  }
0xa9: {  	v6 =	vsel vm5, v9, v6;
	v10 =	vadd.f32 v9, v7;
	v7 =	vsel vm6, $0x0, v9  }
0xaa: {  	s0 =	sadd.s32 $0x10, s0;
	v7 =	vshift.insert v7, v0, s21  }
0xab: {  	s22 =	sadd.s32 $0x10, s22;
	[tilespmem:s0+$0x0] =	vst v10;
	(ifvalue) =	ssetifvalue $0xFFFFFFFF  }
0xac: {  	[hbm4b:s1+s16] =	stream.indirect_vreg.scatter [tilespmem:s0], [sflag:$0x2], $0x1, v8, vm0, $0x4038;
	[tilespmem:$0x11A60] =	vst v63  }
0xad: {  	v3 =	vld [tilespmem:s29+$0xFAF0];
	_ =	sdelay $0x4  }
0xae: {  	v3 =	vshift.insert v3, v0, s21  }
0xaf: {  	s0 =	simm.s32 $0x30  }
0xb0: {  	[tilespmem:s0+$0x0] =	vst.msk $0x1, v3  }
0xb1: {  	v3 =	vsel vm4, $0x1, v1;
	[tilespmem:$0x90] =	vst v6  }
0xb2: {  	s0 =	sadd.s32 @!p1 $0xFAFF, s29;
	[tilespmem:$0xA0] =	vst v3  }
0xb3: {  	[spmem:s15] =	stream.linear.scatter @!p1 [tilespmem:s0], [sflag:$0x1], $0x1, $0x38;
	[tilespmem:$0x11A60] =	vst v63  }
0xb4: {  	s0 =	simm.s32 @!p1 $0x1  }
0xb5: {  	v3 =	vmctz.xlane @!p1 vm4;
	_ =	swait.ge @!p1 [sflag:s0], $0x1  }
0xb6: {  	(v2sf) =	vpush @!p1 v4, $0x0  }
0xb7: {  	(v2sf) =	vpush @!p1 v3, $0x0;
	_ =	sdelay $0xd  }
0xb8: {  	s2 =	spop @!p1 (v2sf)  }
0xb9: {  	s22 =	spop @!p1 (v2sf)  }
0xba: {  	p2 =	sne.s32 @!p1 s28, s2;
	p3 =	slt.s32 @!p1 s22, $0xF  }
0xbb: {  	[sflag:s0] =	ssyncset.done @!p1 $0x0;
	p2 =	por p2, p1;
	p3 =	por !p3, p1  }
0xbc: {  	[sflag:s0] =	ssyncadd.s32 @!p1 $0xFFFFFFFF;
	v3 =	vimm.s32 @!p2 $0xFFFFFFFF;
	s22 =	simm.s32 @p3 $0xF  }
0xbd: {  	[tilespmem:$0x80] =	vst @!p2 v3;
	s2 =	sadd.s32 @!p1 $0x90, s22  }
0xbe: {  	[spmem:s3] =	stream.linear.scatter @!p1 [tilespmem:s2], [sflag:$0x1], $0x1, $0x38;
	[tilespmem:$0x11A60] =	vst v63  }
0xbf: {  	_ =	swait.ge @!p1 [sflag:s0], $0x1  }
0xc0: {  	[sflag:s0] =	ssyncset.done @!p1 $0x0  }
0xc1: {  	s2 =	simm.s32 @!p1 $0x80;
	[sflag:s0] =	ssyncadd.s32 @!p1 $0xFFFFFFFF  }
0xc2: {  	[spmem:s13] =	stream.linear.scatter @!p1 [tilespmem:s2], [sflag:$0x1], $0x1, $0x38;
	[tilespmem:$0x11A60] =	vst v63  }
0xc3: {  	_ =	swait.ge @!p1 [sflag:s0], $0x1  }
0xc4: {  	[sflag:s0] =	ssyncset.done @!p1 $0x0  }
0xc5: {  	[sflag:s0] =	ssyncadd.s32 @!p1 $0xFFFFFFFF;
	(ifvalue) =	ssetifvalue $0xFFFFFFFF;
	v3 =	vld [tilespmem:s25+$0x10];
	_ =	sdelay $0x3  }
.Ltmp6:
0xc6: {  	_ = 	snop;
	(pc) =	sbr.rel .LBB2_9-.Ltmp6, $3  }
0xc7: {  	_ =	sdelay $0x1  }
0xc8: {  	(ifvalue) =	ssetifvalue $0xFFFFFFFF  }
0xc9: {  	[hbm4b:s1+s16] =	stream.indirect_vreg.scatter [tilespmem:s26], [sflag:$0x9], $0x1, v3, vm0, $0x4038;
	[tilespmem:$0x11A60] =	vst v63  }
.LBB2_10:
0xca: {  	_ =	sfence.sel $0x180000  }
0xcb: {  	s0 =	simm.s32 $0x7;
	[bflag:$0x0] =	sbarrier.arrive $0xFFFF  }
0xcc: {  	s26 =	simm.s32 $0x8;
	[sflag:s0] =	ssyncpa.u1 $0x1  }
0xcd: {  	s28 =	simm.s32 $0x9;
	[sflag:s26] =	ssyncpa.u1 $0x1  }
0xce: {  	[sflag:s28] =	ssyncpa.u1 $0x1  }
0xcf: {  	_ =	sfence.stream.spmem  }
0xd0: {  	s29 =	simm.s32 $0x3;
	[bflag:$0x0] =	sbarrier.arrive $0xFFFF  }
0xd1: {  	s30 =	simm.s32 $0x4;
	[sflag:s29] =	ssyncpa.u1 $0x1  }
0xd2: {  	s31 =	simm.s32 $0x3C;
	s2 =	stileid.u32;
	[sflag:s30] =	ssyncpa.u1 $0x1  }
0xd3: {  	p0 =	sne.s32 s2, $0x0;
	[sflag:s31] =	ssyncpa.u1 $0x1  }
0xd4: {  	s0 =	simm.s32 @p0 $0x1;
	_ =	sfence @p0  }
0xd5: {  	[sflag:s0] =	ssyncpa.u1 @p0 $0x1;
	s0 =	simm.s32 @p0 $0x2  }
0xd6: {  	[sflag:s0] =	ssyncpa.u1 @p0 $0x1  }
0xd7: {  	_ =	strace @p0 $0x9000004A  }
0xd8: {  	[bflag:$0x2] =	sbarrier.arrive @p0 $0xFFFF  }
0xd9: {  	_ =	shalt @p0  }
.LBB2_11:
0xda: {  	_ =	sfence.stream.spmem;
	s0 =	simm.s32 $0x5  }
0xdb: {  	s2 =	simm.s32 $0x80;
	s3 =	simm.s32 $0xC0;
	[sflag:s0] =	ssyncpa.u1 $0x0  }
0xdc: {  	[tilespmem:s3], [sflag:$0x5] =	stream.linear.gather [spmem:s2], $0x20, $0x38;
	[tilespmem:$0x11A60] =	vst v63  }
0xdd: {  	s2 =	simm.s32 $0x0;
	s3 =	simm.s32 $0xE0  }
0xde: {  	[tilespmem:s3], [sflag:$0x5] =	stream.linear.gather [spmem:s2], $0x20, $0x38;
	[tilespmem:$0x11A60] =	vst v63  }
.Ltmp7:
0xdf: {  	_ = 	snop;
	(pc) =	sbr.rel .LBB2_12-.Ltmp7, $4  }
0xe0: {  	_ =	swait.ge [sflag:s0], $0x40  }
0xe1: {  	[sflag:s0] =	ssyncset.done $0x0  }
0xe2: {  	s31 =	simm.s32 $0x6;
	[sflag:s0] =	ssyncadd.s32 $0xFFFFFFC0  }
0xe3: {  	s4 =	simm.s32 $0x0;
	[sflag:s31] =	ssyncpa.u1 $0x0  }
.LBB2_17:
0xe4: {  	p0 =	sgt.u32 s5, $0x27FF  }
0xe5: {  	s0 =	sshrl.u32 @!p0 s5, $0x3  }
0xe6: {  	s5 =	sand.u32 @!p0 $0x7, s5;
	s6 =	simm.s32 @!p0 $0xB0;
	s0 =	sadd.s32 @!p0 s1, s0  }
0xe7: {  	[tilespmem:s6], [sflag:$0x6] =	stream.linear.gather @!p0 [hbm4b:s0+s5], $0x1, $0x38;
	[tilespmem:$0x11A60] =	vst v63  }
0xe8: {  	s0 =	simm.s32 @!p0 $0x6  }
0xe9: {  	_ =	swait.ge @!p0 [sflag:s0], $0x1  }
0xea: {  	[sflag:s0] =	ssyncset.done @!p0 $0x0  }
0xeb: {  	[sflag:s0] =	ssyncadd.s32 @!p0 $0xFFFFFFFF  }
0xec: {  	v2 =	vmov @!p0 s4;
	v1 =	vld.msk @!p0 [tilespmem:$0xB0], $0x1;
	_ =	sdelay $0x3  }
0xed: {  	s0 =	simm.s32 @!p0 $0xE0  }
0xee: {  	[tilespmem:v2+s0+$0x0], v1 =	vst.idx.ret.add.f32.msk @!p0 $0x1, v1  }
0xef: {  	[tilespmem:s2+$0xC0] =	vst.msk $0x1, v0  }
0xf0: {  	v0 =	vld.msk [tilespmem:s4+$0xE0], $0x1;
	_ =	sdelay $0x4  }
0xf1: {  	[tilespmem:s2+$0xE0] =	vst.msk $0x1, v0;
	s2 =	sadd.s32 $0x1, s2  }
.LBB2_19:
0xf2: {  	s4 =	sadd.s32 $0x1, s4  }
0xf3: {  	p0 =	sne.s32 s4, $0x20  }
.Ltmp8:
0xf4: {  	_ = 	snop;
	(pc) =	sbr.rel @!p0 .LBB2_20-.Ltmp8, $1  }
0xf5: {  	_ =	sdelay $0x3  }
.LBB2_12:
0xf6: {  	v0 =	vld.msk [tilespmem:s4+$0xC0], $0x1;
	_ =	sdelay $0x4  }
0xf7: {  	(v2sf) =	vpush v0, $0x0;
	_ =	sdelay $0xe  }
0xf8: {  	s5 =	spop (v2sf)  }
0xf9: {  	p0 =	seq.s32 s5, $0xFFFFFFFF  }
.Ltmp9:
0xfa: {  	_ = 	snop;
	(pc) =	sbr.rel @p0 .LBB2_19-.Ltmp9, $1  }
0xfb: {  	_ =	sdelay $0x3  }
0xfc: {  	p0 =	slt.s32 s2, $0x1  }
.Ltmp10:
0xfd: {  	_ = 	snop;
	(pc) =	sbr.rel @p0 .LBB2_17-.Ltmp10, $1  }
0xfe: {  	_ =	sdelay $0x3  }
0xff: {  	s0 =	simm.s32 $0xC0;
	p0 =	por $0x0, $0x0  }
0x100: {  	v1 =	vld.msk @!p0 [tilespmem:s0+$0x0], $0x1;
	_ =	sdelay $0x4  }
0x101: {  	(v2sf) =	vpush @!p0 v1, $0x0;
	_ =	sdelay $0xd  }
0x102: {  	p2 =	sne.s32 s2, $0x1  }
.Ltmp11:
0x103: {  	s6 =	spop @!p0 (v2sf);
	(pc) =	sbr.rel @!p2 .LBB2_16-.Ltmp11, $4  }
0x104: {  	p1 =	seq.s32 @!p0 s5, s6  }
0x105: {  	s6 =	simm.s32 $0x0;
	p1 =	por !p1, p0  }
0x106: {  	s8 =	simm.s32 $0xFFFFFFFF;
	s6 =	simm.s32 @p1 $0xFFFFFFFF  }
0x107: {  	s7 =	simm.s32 $0x1;
	s6 =	smov.u32 @p0 s8  }
.LBB2_15:
0x108: {  	s8 =	smov.u32 s6;
	p0 =	sne.s32 s6, $0xFFFFFFFF  }
0x109: {  	s0 =	sadd.s32 $0x1, s0;
	s6 =	smov.u32 s7;
	s7 =	sadd.s32 $0x1, s7  }
0x10a: {  	p1 =	sne.s32 s2, s7;
	v1 =	vld.msk @!p0 [tilespmem:s0+$0x0], $0x1;
	_ =	sdelay $0x4  }
0x10b: {  	(v2sf) =	vpush @!p0 v1, $0x0;
	_ =	sdelay $0xe  }
.Ltmp12:
0x10c: {  	s9 =	spop @!p0 (v2sf);
	(pc) =	sbr.rel @p1 .LBB2_15-.Ltmp12, $4  }
0x10d: {  	p2 =	seq.s32 @!p0 s5, s9  }
0x10e: {  	p2 =	por !p2, p0  }
0x10f: {  	s6 =	simm.s32 @p2 $0xFFFFFFFF  }
0x110: {  	s6 =	smov.u32 @p0 s8  }
.LBB2_16:
0x111: {  	p0 =	sne.s32 s6, $0xFFFFFFFF  }
.Ltmp13:
0x112: {  	_ = 	snop;
	(pc) =	sbr.rel @!p0 .LBB2_17-.Ltmp13, $1  }
0x113: {  	_ =	sdelay $0x3  }
0x114: {  	v0 =	vld.msk [tilespmem:s4+$0xE0], $0x1;
	v1 =	vmov s6  }
.Ltmp14:
0x115: {  	_ = 	snop;
	(pc) =	sbr.rel .LBB2_19-.Ltmp14, $2  }
0x116: {  	_ =	sdelay $0x2  }
0x117: {  	[tilespmem:v1+s3+$0x0], v0 =	vst.idx.ret.add.f32.msk $0x1, v0  }
.LBB2_20:
0x118: {  	p0 =	slt.s32 s2, $0x1  }
.Ltmp15:
0x119: {  	_ = 	snop;
	(pc) =	sbr.rel @p0 .LBB2_24-.Ltmp15, $3  }
0x11a: {  	_ =	sdelay $0x1  }
0x11b: {  	s0 =	simm.s32 $0x6  }
0x11c: {  	s3 =	simm.s32 $0x0;
	[sflag:s0] =	ssyncpa.u1 $0x1  }
0x11d: {  	s0 =	simm.s32 $0xC0  }
0x11e: {  	v0 =	vld.msk [tilespmem:s0+$0x0], $0x1;
	_ =	sdelay $0x4  }
0x11f: {  	(v2sf) =	vpush v0, $0x0;
	_ =	sdelay $0xe  }
0x120: {  	s2 =	sadd.s32 $0xFFFFFFFF, s2;
	s4 =	spop (v2sf)  }
0x121: {  	p1 =	sne.s32 s2, $0x0;
	p0 =	sgt.u32 s4, $0x27FF  }
.Ltmp16:
0x122: {  	s5 =	sshrl.u32 @!p0 s4, $0x3;
	(pc) =	sbr.rel @!p1 .LBB2_23-.Ltmp16, $4  }
0x123: {  	s0 =	simm.s32 $0xE0;
	s4 =	sand.u32 @!p0 $0x7, s4;
	s5 =	sadd.s32 @!p0 s1, s5  }
0x124: {  	[hbm4b:s5+s4] =	stream.linear.scatter @!p0 [tilespmem:s0], [sflag:$0x5], $0x1, $0x38;
	[tilespmem:$0x11A60] =	vst v63  }
0x125: {  	s5 =	simm.s32 $0x0  }
0x126: {  	s4 =	simm.s32 $0xC1;
	s5 =	simm.s32 @!p0 $0x4  }
.LBB2_22:
0x127: {  	v0 =	vld.msk [tilespmem:s4+$0x0], $0x1;
	s2 =	sadd.s32 $0xFFFFFFFF, s2;
	s3 =	sadd.s32 s3, s5  }
0x128: {  	p0 =	sne.s32 s2, $0x0;
	_ =	sdelay $0x3  }
0x129: {  	(v2sf) =	vpush v0, $0x0;
	_ =	sdelay $0xe  }
.Ltmp17:
0x12a: {  	s6 =	spop (v2sf);
	(pc) =	sbr.rel @p0 .LBB2_22-.Ltmp17, $4  }
0x12b: {  	s5 =	simm.s32 $0x0;
	p1 =	sgt.u32 s6, $0x27FF  }
0x12c: {  	s0 =	sadd.s32 $0x1, s0;
	s5 =	simm.s32 @!p1 $0x4;
	s7 =	sshrl.u32 @!p1 s6, $0x3  }
0x12d: {  	s4 =	sadd.s32 $0x1, s4;
	s6 =	sand.u32 @!p1 $0x7, s6;
	s7 =	sadd.s32 @!p1 s1, s7  }
0x12e: {  	[hbm4b:s7+s6] =	stream.linear.scatter @!p1 [tilespmem:s0], [sflag:$0x5], $0x1, $0x38;
	[tilespmem:$0x11A60] =	vst v63  }
.LBB2_23:
0x12f: {  	s0 =	sadd.s32 s3, s5  }
0x130: {  	s3 =	sshrl.u32 s0, $0x2  }
.LBB2_24:
0x131: {  	s0 =	simm.s32 $0x5  }
0x132: {  	_ =	swait.ge [sflag:s0], s3  }
0x133: {  	s1 =	ssub.s32 $0x0, s3;
	[sflag:s0] =	ssyncset.done $0x0  }
0x134: {  	[sflag:s0] =	ssyncadd.s32 s1  }
0x135: {  	[sflag:s0] =	ssyncpa.u1 $0x1  }
0x136: {  	s29 =	simm.s32 $0x1;
	_ =	sfence  }
0x137: {  	s30 =	simm.s32 $0x2;
	[sflag:s29] =	ssyncpa.u1 $0x1  }
0x138: {  	[sflag:s30] =	ssyncpa.u1 $0x1  }
0x139: {  	_ =	strace $0x9000004A  }
0x13a: {  	[bflag:$0x2] =	sbarrier.arrive $0xFFFF  }
0x13b: {  	s31 =	rddreg [dreg:$0x1]  }
0x13c: {  	s0 =	sadd.s32 $0x100000, s31  }
0x13d: {  	[sflag:s0] =	ssyncadd.tile.s32 $0x1;
	_ =	shalt  }
.Lfunc_end2:
_tile_overlayer_lowered:
.L_overlay_start_2:
0x13e: {  	(tag) =	ssettag $0x2  }
0x13f: {  	s0 =	rddreg [dreg:$0x0];
	s2 =	stileid.u32  }
0x140: {  	s1 =	rddreg [dreg:$0x1];
	p0 =	sne.s32 s2, $0x0  }
0x141: {  	s3 =	rddreg [dreg:$0x2];
	[bflag:$0x3] =	sbarrier.arrive $0xFFFF;
	s2 =	simm.s32 @!p0 $0x1C01  }
0x142: {  	[timem:s3], [sflag:s2] =	dma.local @!p0 [hbm:s0], s1  }
0x143: {  	s0 =	simm.s32 @!p0 $0x1  }
0x144: {  	_ =	swait.ge @!p0 [sflag:s0], s1  }
0x145: {  	s1 =	ssub.s32 @!p0 $0x0, s1;
	[sflag:s0] =	ssyncset.done @!p0 $0x0  }
0x146: {  	[sflag:s0] =	ssyncadd.s32 @!p0 s1  }
0x147: {  	[bflag:$0x3] =	sbarrier.arrive $0xFFFF  }
0x148: {  	_ =	shalt  }

// kernel: scatter_offload_async_start
scs
__scs_entry_jumppad:
0x0: {  	(pc) =	sbr.rel $0x88, $3  }
0x1: {  	(tag) =	ssettag $0x0;
	lr =	simm.s32 $0x1  }
0x2: {  	[smem:$0x3F90] =	sst lr;
	_ =	strace $0xD0000000  }
0x3: {  	_ = 	snop  }
0x4: {  	_ = 	snop  }
0x5: {  	_ = 	snop  }
0x6: {  	_ = 	snop  }
0x7: {  	_ = 	snop  }
__scs_overlays_trampoline_lowered:
0x8: {  	[smem:$0x3F9F] =	sst s0  }
0x9: {  	[smem:$0x3FA0] =	sst s1  }
0xa: {  	[smem:$0x3FA1] =	sst s2  }
0xb: {  	[smem:$0x3FA2] =	sst s3  }
0xc: {  	[smem:$0x3FA3] =	sst s4  }
0xd: {  	[smem:$0x3FA4] =	sst s5  }
0xe: {  	[smem:$0x3FA5] =	sst s6  }
0xf: {  	[smem:$0x3FA6] =	sst s7  }
0x10: {  	[smem:$0x3FA7] =	sst s8  }
0x11: {  	[smem:$0x3FA8] =	sst s9;
	s0 =	simm.s32 @!p0 $0x0  }
0x12: {  	s1 =	sld [smem:$0x3F8E];
	s0 =	simm.s32 @p0 $0x1  }
0x13: {  	[smem:$0x3FA9] =	sst s0;
	s0 =	simm.s32 @!p1 $0x0  }
0x14: {  	s2 =	sld [smem:$0x3F8D];
	s0 =	simm.s32 @p1 $0x1  }
0x15: {  	[smem:$0x3FAA] =	sst s0;
	s0 =	simm.s32 @!p2 $0x0  }
0x16: {  	s3 =	sld [smem:$0x3FDB];
	s0 =	simm.s32 @p2 $0x1  }
0x17: {  	s4 =	simm.s32 $0x1BF5;
	[smem:$0x3FAC] =	sst s0  }
0x18: {  	s0 =	sld [smem:$0x3F8F];
	_ =	swait.ge [sflag:s4], $0x0  }
0x19: {  	s7 =	sld [smem:$0x3F90]  }
0x1a: {  	s8 =	sadd.s32 $0xFFFFE003, lr  }
0x1b: {  	s9 =	sadd.s32 $0xFFFFFEF7, lr;
	s5 =	simm.s32 $0xFFFFFFFF;
	p2 =	slt.u32 s8, $0xFFFFF086  }
0x1c: {  	p1 =	slt.u32 s9, $0xF7A;
	s5 =	simm.s32 @!p2 $0x0  }
0x1d: {  	s5 =	simm.s32 @p1 $0x1;
	p0 =	seq.s32 s7, s2  }
0x1e: {  	s7 =	smul.u32 @!p0 $0xF7A, s2;
	p2 =	seq.s32 @!p0 s5, $0x0  }
0x1f: {  	s9 =	smul.u32 $0xF7A, s1;
	s8 =	simm.s32 @!p0 $0x1BF5;
	p2 =	por !p2, p0  }
0x20: {  	[sflag:s8] =	ssyncset.s32 @!p0 $0xFFFFF086;
	s6 =	sadd.s32 @!p0 s3, s7;
	s7 =	simm.s32 @!p0 $0x108  }
0x21: {  	s3 =	sadd.s32 s3, s9;
	s6 =	sadd.s32 @!p0 $0x88, s6;
	s7 =	simm.s32 @p2 $0x1082  }
0x22: {  	[simem:s7], [sflag:s8] =	dma.local @!p0 [hbm:s6], $0xF7A  }
0x23: {  	s9 =	sor.u32 $0xD0000000, s2;
	s6 =	simm.s32 $0x108;
	_ =	swait.ge @!p0 [sflag:s8], $0x0  }
0x24: {  	s3 =	sadd.s32 $0x88, s3;
	s6 =	simm.s32 @!p1 $0x1082;
	[sflag:s4] =	ssyncset.s32 $0xFFFFF086  }
0x25: {  	[simem:s6], [sflag:s4] =	dma.local [hbm:s3], $0xF7A  }
0x26: {  	[smem:$0x3F90] =	sst s1;
	(tag) =	ssettag s2;
	_ =	strace s9  }
0x27: {  	s1 =	sld [smem:$0x3FA0]  }
0x28: {  	s2 =	sld [smem:$0x3FA1]  }
0x29: {  	s4 =	sld [smem:$0x3FA3]  }
0x2a: {  	p0 =	seq.s32 s5, $0x0;
	s5 =	sld [smem:$0x3FA4]  }
0x2b: {  	s6 =	sld [smem:$0x3FA5]  }
0x2c: {  	s7 =	sld [smem:$0x3FA6]  }
0x2d: {  	s3 =	simm.s32 $0x108;
	s8 =	sld [smem:$0x3FA7]  }
0x2e: {  	s3 =	simm.s32 @!p0 $0x1082;
	s9 =	sld [smem:$0x3FA8]  }
0x2f: {  	lr =	sadd.s32 s0, s3;
	s0 =	sld [smem:$0x3F9F]  }
0x30: {  	s3 =	sld [smem:$0x3FA2]  }
0x31: {  	[smem:$0x3FAB] =	sst s10  }
0x32: {  	s10 =	sld [smem:$0x3FA9];
	_ =	sdelay $0x3  }
0x33: {  	p0 =	seq.s32 s10, $0x1;
	s10 =	sld [smem:$0x3FAB];
	_ =	sdelay $0x3  }
0x34: {  	[smem:$0x3FAB] =	sst s10  }
0x35: {  	s10 =	sld [smem:$0x3FAA];
	_ =	sdelay $0x3  }
0x36: {  	p1 =	seq.s32 s10, $0x1;
	s10 =	sld [smem:$0x3FAB];
	_ =	sdelay $0x3  }
0x37: {  	[smem:$0x3FAB] =	sst s10  }
0x38: {  	s10 =	sld [smem:$0x3FAC]  }
0x39: {  	_ = 	snop;
	(pc) =	sbr.ind lr, $3  }
0x3a: {  	_ = 	snop  }
0x3b: {  	_ = 	snop  }
0x3c: {  	p2 =	seq.s32 s10, $0x1;
	s10 =	sld [smem:$0x3FAB]  }
0x3d: {  	_ =	shalt  }
0x3e: {  	_ =	shalt  }
0x3f: {  	_ =	shalt  }
0x40: {  	_ =	shalt  }
0x41: {  	_ =	shalt  }
0x42: {  	_ =	shalt  }
0x43: {  	_ =	shalt  }
0x44: {  	_ =	shalt  }
0x45: {  	_ =	shalt  }
0x46: {  	_ =	shalt  }
0x47: {  	_ =	shalt  }
0x48: {  	_ =	shalt  }
0x49: {  	_ =	shalt  }
0x4a: {  	_ =	shalt  }
0x4b: {  	_ =	shalt  }
0x4c: {  	_ =	shalt  }
0x4d: {  	_ =	shalt  }
0x4e: {  	_ =	shalt  }
0x4f: {  	_ =	shalt  }
0x50: {  	_ =	shalt  }
0x51: {  	_ =	shalt  }
0x52: {  	_ =	shalt  }
0x53: {  	_ =	shalt  }
0x54: {  	_ =	shalt  }
0x55: {  	_ =	shalt  }
0x56: {  	_ =	shalt  }
0x57: {  	_ =	shalt  }
0x58: {  	_ =	shalt  }
0x59: {  	_ =	shalt  }
0x5a: {  	_ =	shalt  }
0x5b: {  	_ =	shalt  }
0x5c: {  	_ =	shalt  }
0x5d: {  	_ =	shalt  }
0x5e: {  	_ =	shalt  }
0x5f: {  	_ =	shalt  }
0x60: {  	_ =	shalt  }
0x61: {  	_ =	shalt  }
0x62: {  	_ =	shalt  }
0x63: {  	_ =	shalt  }
0x64: {  	_ =	shalt  }
0x65: {  	_ =	shalt  }
0x66: {  	_ =	shalt  }
0x67: {  	_ =	shalt  }
0x68: {  	_ =	shalt  }
0x69: {  	_ =	shalt  }
0x6a: {  	_ =	shalt  }
0x6b: {  	_ =	shalt  }
0x6c: {  	_ =	shalt  }
0x6d: {  	_ =	shalt  }
0x6e: {  	_ =	shalt  }
0x6f: {  	_ =	shalt  }
0x70: {  	_ =	shalt  }
0x71: {  	_ =	shalt  }
0x72: {  	_ =	shalt  }
0x73: {  	_ =	shalt  }
0x74: {  	_ =	shalt  }
0x75: {  	_ =	shalt  }
0x76: {  	_ =	shalt  }
0x77: {  	_ =	shalt  }
0x78: {  	_ =	shalt  }
0x79: {  	_ =	shalt  }
0x7a: {  	_ =	shalt  }
0x7b: {  	_ =	shalt  }
0x7c: {  	_ =	shalt  }
0x7d: {  	_ =	shalt  }
0x7e: {  	_ =	shalt  }
0x7f: {  	_ =	shalt  }
0x80: {  	_ =	shalt  }
0x81: {  	_ =	shalt  }
0x82: {  	_ =	shalt  }
0x83: {  	_ =	shalt  }
0x84: {  	_ =	shalt  }
0x85: {  	_ =	shalt  }
0x86: {  	_ =	shalt  }
0x87: {  	_ =	shalt  }
.Lfunc_end0:
.L_simem_size_0:
called_computation_lowered:
.L_overlay_start_0:
0x88: {  	s2 =	sld [smem:$0x3FD9]  }
0x89: {  	s3 =	sld [smem:$0x3FFE];
	_ =	sdelay $0x1  }
0x8a: {  	s1 =	srdreg.scid  }
0x8b: {  	s0 =	sand.u32 $0x1, s1  }
0x8c: {  	s17 =	sshll.u32 s0, $0xA;
	s2 =	sadd.s32 s3, s2  }
0x8d: {  	s2 =	sadd.s32 s2, s17  }
0x8e: {  	[smem:$0x3FB7] =	sst s2  }
0x8f: {  	_ = 	snop  }
0x90: {  	(tm) =	ssettm $0x1  }
0x91: {  	s18 =	sld [smem:$0x3FFB];
	_ =	sdelay $0x3  }
0x92: {  	_ =	strace s18  }
0x93: {  	s2 =	sld [smem:$0x3FFC];
	_ =	sdelay $0x3  }
0x94: {  	_ =	strace s2  }
0x95: {  	s2 =	sld [smem:$0x3FFD];
	_ =	sdelay $0x3  }
0x96: {  	_ =	strace s2  }
0x97: {  	_ =	strace $0x8FFFFFFF  }
0x98: {  	s19 =	sld [smem:$0x3FDB];
	_ =	sdelay $0x1  }
0x99: {  	s20 =	simm.s32 $_scs_section_size  }
0x9a: {  	s4 =	simm.s32 $_size__tile_overlayer_lowered;
	s5 =	simm.s32 $_tile_overlayer_lowered  }
0x9b: {  	s6 =	simm.s32 $0x1BFF;
	s21 =	sshll.u32 s5, $0x1;
	s3 =	sadd.s32 s20, s19  }
0x9c: {  	s22 =	simm.s32 $0x0;
	s4 =	sshll.u32 s4, $0x1;
	s5 =	sadd.s32 s21, s3  }
0x9d: {  	[timem:s22], [sflag:s6] =	dma.local [hbm:s5], s4  }
0x9e: {  	_ =	swait.ge [sflag:s6], s4  }
0x9f: {  	s4 =	ssub.s32 $0x0, s4;
	[sflag:s6] =	ssyncset.done $0x0  }
0xa0: {  	[sflag:s6] =	ssyncadd.s32 s4;
	_ =	sdelay $0x1  }
0xa1: {  	s23 =	simm.s32 $0x1B8B  }
0xa2: {  	_ =	swait.ge [sflag:s23], $0x1  }
0xa3: {  	[sflag:s23] =	ssyncset.done $0x0  }
0xa4: {  	[sflag:s23] =	ssyncadd.s32 $0xFFFFFFFF  }
0xa5: {  	s4 =	sld [smem:$0x0]  }
0xa6: {  	s5 =	sand.u32 $0xFFFFFFFE, s1  }
0xa7: {  	p0 =	sne.s32 s1, s5  }
0xa8: {  	s5 =	sshll.u32 @p0 s5, $0xE  }
0xa9: {  	s5 =	sadd.s32 @p0 $0x11B8D, s5;
	s6 =	sshll.u32 @p0 s4, $0x11  }
0xaa: {  	s5 =	sor.u32 @p0 s6, s5  }
0xab: {  	[sflag:s5] =	ssyncadd.remote.s32 @p0 $0x1;
	_ =	sdelay $0x1  }
0xac: {  	s5 =	simm.s32 @p0 $0x1B8D  }
0xad: {  	_ =	swait.eq @p0 [sflag:s5], $0x1  }
0xae: {  	[sflag:s5] =	ssyncadd.s32 @p0 $0xFFFFFFFF  }
0xaf: {  	s6 =	sshll.u32 @!p0 s1, $0xE  }
0xb0: {  	s6 =	sor.u32 @!p0 $0x4000, s6;
	s5 =	simm.s32 @!p0 $0x1B8D  }
0xb1: {  	s7 =	sshll.u32 @!p0 s4, $0x11;
	s6 =	sadd.s32 @!p0 $0x11B8D, s6;
	_ =	swait.eq @!p0 [sflag:s5], $0x1  }
0xb2: {  	[sflag:s5] =	ssyncadd.s32 @!p0 $0xFFFFFFFF;
	s5 =	sor.u32 @!p0 s7, s6  }
0xb3: {  	s25 =	simm.s32 $0x1B8E;
	s24 =	sld [smem:$0x3FFE];
	[sflag:s5] =	ssyncadd.remote.s32 @!p0 $0x1  }
0xb4: {  	s26 =	simm.s32 $execute0_lowered;
	[smem:$0x3FD2] =	sst s25  }
0xb5: {  	s6 =	sshll.u32 s26, $0x1;
	_ =	strace $0x8000004C;
	[dreg:$0x1] =	wrdreg $0xFFFFFFFF  }
0xb6: {  	s28 =	simm.s32 $_size_execute0_lowered;
	s3 =	sadd.s32 s3, s6;
	[dreg:$0x0] =	wrdreg $0x0  }
0xb7: {  	s6 =	sshll.u32 s28, $0x1;
	[dreg:$0x2] =	wrdreg s3  }
0xb8: {  	[dreg:$0x3] =	wrdreg s6  }
0xb9: {  	[dreg:$0x4] =	wrdreg $0xC0  }
0xba: {  	_ =	task [dreg:s22], $0x5FFFF  }
0xbb: {  	[dreg:$0x1] =	wrdreg $0xFFFFFFFF  }
0xbc: {  	[dreg:$0x0] =	wrdreg $0x60  }
0xbd: {  	[dreg:$0x2] =	wrdreg s24  }
0xbe: {  	[dreg:$0x3] =	wrdreg s1  }
0xbf: {  	[dreg:$0x4] =	wrdreg s4  }
0xc0: {  	[dreg:$0x5] =	wrdreg $0x9  }
0xc1: {  	_ =	task.clear_ibuf [dreg:s22], $0x6FFFF;
	_ =	strace $0x9000004C  }
0xc2: {  	s29 =	simm.s32 $0x9;
	_ =	strace $0x8000004E  }
0xc3: {  	_ =	swait.ge [sflag:s29], $0x1  }
0xc4: {  	[sflag:s29] =	ssyncadd.s32 $0xFFFFFFFF  }
0xc5: {  	_ =	strace $0x9000004E  }
0xc6: {  	_ =	sfence  }
0xc7: {  	s30 =	sld [smem:$0x0];
	_ =	sdelay $0x2  }
0xc8: {  	s31 =	sshll.u32 s1, $0xD;
	s1 =	sshrl.u32 s1, $0x2  }
0xc9: {  	s4 =	sand.u32 $0x4000, s31;
	s1 =	sadd.s32 s1, s30  }
0xca: {  	s0 =	sor.u32 s4, s0;
	s1 =	sshll.u32 s1, $0x11  }
0xcb: {  	s0 =	sor.u32 s1, s0  }
0xcc: {  	s0 =	sadd.s32 $0x8F2B, s0  }
0xcd: {  	[sflag:s0] =	ssyncadd.remote.s32 $0x1  }
0xce: {  	_ =	sfence.sel $0xFFFF  }
0xcf: {  	[dreg:$0x0] =	wrdreg $0xFFFFFFFF;
	(pc) =	sbr.abs _section_cstart, $3  }
0xd0: {  	[dreg:$0x1] =	wrdreg $0xFFFFFFFF  }
0xd1: {  	_ =	task.clear_ibuf [dreg:s22], $0x2FFFF;
	_ =	strace $0x9FFFFFFF  }
0xd2: {  	(tm) =	ssettm $0x7FFFFFFF  }
0xd3: {  	_ =	shalt  }
tec
execute0_lowered:
.L_overlay_start_1:
0x0: {  	(tag) =	ssettag $0x1  }
0x1: {  	s2 =	rddreg [dreg:$0x0]  }
0x2: {  	s3 =	rddreg [dreg:$0x1];
	_ =	strace $0x8000004D;
	s0 =	simm.s32 $0x1  }
0x3: {  	s5 =	simm.s32 $0x208;
	v0 =	vimm.s32 $0x0;
	[sflag:s0] =	ssyncpa.u1 $0x0  }
0x4: {  	[tilespmem:s5+$0x70] =	vst v0  }
0x5: {  	[tilespmem:s5+$0x60] =	vst v0  }
0x6: {  	[tilespmem:s5+$0x50] =	vst v0  }
0x7: {  	[tilespmem:s5+$0x40] =	vst v0  }
0x8: {  	[tilespmem:s5+$0x30] =	vst v0  }
0x9: {  	s1 =	sadd.s32 $0x16200, s2;
	s0 =	sadd.s32 $0xA76000, s2;
	s6 =	sadd.s32 $0xA9D800, s2;
	[tilespmem:s5+$0x20] =	vst v0  }
0xa: {  	s4 =	sadd.s32 $0xA7FE00, s2;
	s10 =	sand.u32 $0x1, s3;
	s2 =	simm.s32 $0x40;
	[tilespmem:s5+$0x10] =	vst v0  }
.LBB2_1:
0xb: {  	s2 =	sadd.s32 $0x40, s2;
	[tilespmem:s5+$0x0] =	vst v0;
	s5 =	sadd.s32 $0x80, s5  }
0xc: {  	p0 =	slt.u32 s2, $0x3880;
	[tilespmem:s5+$0x70] =	vst v0  }
0xd: {  	[tilespmem:s5+$0x60] =	vst v0  }
.Ltmp0:
0xe: {  	[tilespmem:s5+$0x50] =	vst v0;
	(pc) =	sbr.rel @p0 .LBB2_1-.Ltmp0, $4  }
0xf: {  	[tilespmem:s5+$0x40] =	vst v0  }
0x10: {  	[tilespmem:s5+$0x30] =	vst v0  }
0x11: {  	[tilespmem:s5+$0x20] =	vst v0  }
0x12: {  	[tilespmem:s5+$0x10] =	vst v0  }
0x13: {  	s11 =	stileid.u32  }
0x14: {  	s2 =	smul.u32 $0x59, s11  }
0x15: {  	s3 =	smin.u32 s11, $0x5  }
0x16: {  	s2 =	sadd.s32 s3, s2  }
0x17: {  	p0 =	slt.u32 s11, $0x5;
	s20 =	smul.u32 $0x70, s2;
	s2 =	simm.s32 $0x2760  }
0x18: {  	s2 =	simm.s32 @!p0 $0x26F0  }
0x19: {  	s2 =	sadd.s32 s2, s20  }
0x1a: {  	s8 =	smin.u32 s2, $0x27100  }
0x1b: {  	s26 =	simm.s32 $0x2;
	s2 =	ssub.s32 s8, s20  }
0x1c: {  	s9 =	simm.s32 $0x9;
	s29 =	simm.s32 $0xA;
	p0 =	sgt.s32 s2, $0x0  }
0x1d: {  	s30 =	simm.s32 $0xB;
	s31 =	smul.u32 $0x4E20, s10;
	s2 =	simm.s32 @!p0 $0x0  }
0x1e: {  	[dreg:$0x4] =	wrdreg s10;
	s12 =	simm.s32 $0x1;
	s25 =	smulhi.u32 $0x92492493, s2  }
0x1f: {  	p1 =	por $0x0, $0x0;
	s18 =	simm.s32 $0x80;
	s19 =	simm.s32 $0x400  }
0x20: {  	s17 =	simm.s32 $0xC;
	s21 =	simm.s32 $0x0;
	s3 =	sshrl.u32 s25, $0x6  }
0x21: {  	[tilespmem:s5+$0x0] =	vst v0;
	v0 =	vimm.s32 $0xFFFFFFFF;
	s23 =	simm.s32 $0x0;
	[sflag:s26] =	ssyncpa.u1 $0x0;
	s28 =	smul.u32 $0x70, s3  }
.Ltmp1:
0x22: {  	s16 =	sshll.u32 s11, $0x9;
	[tilespmem:$0xE408] =	vst v0;
	[sflag:s9] =	ssyncpa.u1 $0x0;
	(pc) =	sbr.rel .LBB2_3-.Ltmp1, $4  }
0x23: {  	s14 =	sadd.s32 s31, s4;
	p0 =	sne.s32 s2, s28;
	s2 =	simm.s32 $0x1  }
0x24: {  	s15 =	sadd.s32 s31, s0;
	[sflag:s29] =	ssyncpa.u1 $0x0;
	s2 =	simm.s32 @!p0 $0x0  }
0x25: {  	s0 =	simm.s32 $0x0;
	[sflag:s30] =	ssyncpa.u1 $0x0;
	s13 =	sadd.s32 s2, s3  }
0x26: {  	v0 =	vlaneseq.u32;
	s22 =	smov.u32 s20;
	p0 =	por $0x1, $0x1;
	s11 =	sadd.s32 $0x1, s13  }
.LBB2_24:
0x27: {  	s0 =	sshrl.u32 s0, $0x2  }
.LBB2_26:
0x28: {  	_ =	swait.ge [sflag:s17], s0  }
0x29: {  	s31 =	ssub.s32 $0x0, s0;
	v1 =	vmov s26;
	vm0 =	veq.s32 v0, $0x0;
	[sflag:s17] =	ssyncset.done $0x0  }
0x2a: {  	vm15 =	veq.s32 v0, $0x2;
	v1 =	vsel vm0, s4, v1;
	[sflag:s17] =	ssyncadd.s32 s31  }
0x2b: {  	v1 =	vsel vm15, s24, v1;
	[sflag:s17] =	ssyncpa.u1 $0x1  }
0x2c: {  	[tilespmem:$0xE408] =	vst v1  }
.LBB2_27:
0x2d: {  	s2 =	sadd.s32 $0x70, s22  }
0x2e: {  	s3 =	smov.u32 s20;
	p2 =	slt.s32 s2, s8  }
0x2f: {  	s3 =	smov.u32 @p2 s2;
	p2 =	sne.s32 s23, s11  }
.Ltmp2:
0x30: {  	_ = 	snop;
	(pc) =	sbr.rel @!p2 .LBB2_28-.Ltmp2, $4  }
0x31: {  	_ = 	snop  }
0x32: {  	s0 =	smov.u32 s21  }
0x33: {  	s31 =	sadd.s32 $0x1, s23;
	s21 =	smov.u32 s22;
	p0 =	por !p0, !p0  }
0x34: {  	p1 =	por !p1, !p1;
	s23 =	smov.u32 s31;
	s22 =	smov.u32 s3  }
.LBB2_3:
0x35: {  	p2 =	sge.u32 s23, s13  }
0x36: {  	s2 =	smulhi.u32 @!p2 $0xAAAAAAAB, s23  }
0x37: {  	s3 =	smov.u32 s22;
	p3 =	sgt.s32 @!p2 s22, $0x27090  }
0x38: {  	s4 =	sshra.s32 @!p2 s22, $0x1F;
	p3 =	por !p3, p2;
	s2 =	sshrl.u32 @!p2 s2, $0x1  }
0x39: {  	s4 =	sand.u32 @!p2 s4, s22;
	s3 =	simm.s32 @p3 $0x27090;
	s2 =	smul.u32 @!p2 $0x3, s2  }
0x3a: {  	s3 =	ssub.s32 @!p2 s3, s4  }
0x3b: {  	s3 =	sadd.s32 @!p2 $0xFFFD8F70, s3;
	s2 =	ssub.s32 @!p2 s23, s2  }
0x3c: {  	s4 =	sshll.u32 @!p2 s3, $0x2;
	p3 =	sgt.s32 @!p2 s3, $0x6F;
	s2 =	smul.u32 @!p2 $0x1C0, s2  }
0x3d: {  	s5 =	sand.u32 @!p2 $0x7, s22;
	s3 =	ssub.s32 @!p2 $0x1C0, s4;
	p3 =	por !p3, p2  }
0x3e: {  	s4 =	sshrl.u32 @!p2 s22, $0x3;
	s3 =	sshrl.u32 @!p2 s3, $0x2;
	s2 =	sshrl.u32 @!p2 s2, $0x2  }
0x3f: {  	s4 =	sadd.s32 @!p2 s4, s14;
	s3 =	simm.s32 @!p3 $0x0;
	s2 =	sadd.s32 @!p2 $0x10448, s2  }
0x40: {  	[tilespmem:s2], [sflag:$0xA] =	stream.linear.gather @!p2 [hbm4b:s4+s5], s3, $0x38;
	[tilespmem:$0x1E678] =	vst v63  }
0x41: {  	s2 =	sadd.s32 $0xFFFFFFFF, s23  }
0x42: {  	p2 =	sge.u32 s2, s13  }
0x43: {  	p3 =	sgt.s32 @!p2 s21, $0x27090  }
0x44: {  	s3 =	smov.u32 s21;
	s4 =	sshra.s32 @!p2 s21, $0x1F;
	p3 =	por !p3, p2  }
0x45: {  	s4 =	sand.u32 @!p2 s4, s21;
	s3 =	simm.s32 @p3 $0x27090  }
0x46: {  	s3 =	ssub.s32 @!p2 s3, s4  }
0x47: {  	s3 =	sadd.s32 @!p2 $0xFFFD8F70, s3  }
0x48: {  	s4 =	sshll.u32 @!p2 s3, $0x2  }
0x49: {  	p3 =	sgt.s32 @!p2 s3, $0x6F;
	s3 =	ssub.s32 @!p2 $0x1C0, s4  }
0x4a: {  	p3 =	por !p3, p2;
	s3 =	sshrl.u32 @!p2 s3, $0x2  }
0x4b: {  	s5 =	simm.s32 @!p2 $0xA;
	s4 =	sand.u32 @!p2 $0x1, s2;
	s3 =	simm.s32 @!p3 $0x0  }
0x4c: {  	s4 =	smul.u32 @!p2 $0x1C0, s4;
	_ =	swait.ge @!p2 [sflag:s5], s3  }
0x4d: {  	s9 =	ssub.s32 @!p2 $0x0, s3;
	[sflag:s5] =	ssyncset.done @!p2 $0x0  }
0x4e: {  	s4 =	sshrl.u32 @!p2 s4, $0x2;
	[sflag:s5] =	ssyncadd.s32 @!p2 s9;
	s5 =	sshrl.u32 @!p2 s21, $0x3  }
0x4f: {  	s4 =	sadd.s32 @!p2 $0x10598, s4;
	s9 =	sand.u32 @!p2 $0x7, s21;
	s5 =	sadd.s32 @!p2 s5, s15  }
0x50: {  	[tilespmem:s4], [sflag:$0xB] =	stream.linear.gather @!p2 [hbm4b:s5+s9], s3, $0x38;
	[tilespmem:$0x1E678] =	vst v63  }
0x51: {  	s4 =	ssub.s32 @!p2 $0x27100, s21  }
0x52: {  	p3 =	slt.s32 @!p2 s4, $0x1  }
0x53: {  	p3 =	por p2, p3  }
.Ltmp3:
0x54: {  	_ = 	snop;
	(pc) =	sbr.rel @p3 .LBB2_9-.Ltmp3, $1  }
0x55: {  	_ =	sdelay $0x3  }
0x56: {  	s3 =	smulhi.u32 $0xAAAAAAAB, s2;
	_ =	sdelay $0x1  }
0x57: {  	s3 =	sshrl.u32 s3, $0x1  }
0x58: {  	s3 =	smul.u32 $0x3, s3;
	_ =	sdelay $0x1  }
0x59: {  	s30 =	ssub.s32 s2, s3  }
0x5a: {  	s5 =	simm.s32 $0x1;
	s2 =	smul.u32 $0x1C0, s30  }
.Ltmp4:
0x5b: {  	s5 =	simm.s32 @!p0 $0x0;
	(pc) =	sbr.rel .LBB2_6-.Ltmp4, $4  }
0x5c: {  	s31 =	smul.u32 $0x1C000, s5  }
0x5d: {  	p3 =	slt.s32 @!p2 s4, $0x70;
	s2 =	sshrl.u32 s2, $0x2  }
0x5e: {  	p2 =	por !p3, p2;
	s3 =	sshrl.u32 s31, $0x2;
	s9 =	sadd.s32 $0x10448, s2  }
0x5f: {  	s4 =	simm.s32 @p2 $0x70;
	s5 =	sor.u32 $0x10678, s3;
	s2 =	simm.s32 $0x0;
	v1 =	vmov s9  }
.LBB2_5:
0x60: {  	p2 =	sge.s32 s2, s4  }
.Ltmp5:
0x61: {  	_ = 	snop;
	(pc) =	sbr.rel @p2 .LBB2_9-.Ltmp5, $2  }
0x62: {  	_ =	sdelay $0x2  }
0x63: {  	s5 =	sadd.s32 $0x1000, s5  }
.LBB2_6:
0x64: {  	p2 =	sle.s32 s4, s2  }
.Ltmp6:
0x65: {  	_ = 	snop;
	(pc) =	sbr.rel @p2 .LBB2_5-.Ltmp6, $2  }
0x66: {  	_ =	sdelay $0x2  }
0x67: {  	s24 =	smov.u32 s2;
	s2 =	sadd.s32 $0x10, s2  }
0x68: {  	s3 =	ssub.s32 s4, s24  }
0x69: {  	p2 =	slt.s32 s3, $0x10  }
0x6a: {  	s3 =	simm.s32 @!p2 $0x10  }
0x6b: {  	v2 =	vmov s3  }
0x6c: {  	vm0 =	vgt.s32 v2, v0;
	_ =	sdelay $0x5  }
0x6d: {  	v2 =	vld.idx.msk [tilespmem:v1+s24+$0x0 ss:$0x1], vm0;
	_ =	sdelay $0x2  }
0x6e: {  	p2 =	slt.s32 s2, s4;
	s3 =	smov.u32 s4  }
0x6f: {  	s9 =	smov.u32 s5;
	s25 =	simm.s32 $0x0;
	s3 =	smov.u32 @p2 s2  }
.LBB2_8:
0x70: {  	(v2sf) =	vpush v2, s25;
	_ =	sdelay $0xe  }
0x71: {  	s25 =	sadd.s32 $0x1, s25;
	s10 =	spop (v2sf)  }
0x72: {  	s31 =	sadd.s32 s25, s24;
	s26 =	sshll.u32 s10, $0x8;
	s10 =	sshll.u32 s10, $0x7  }
0x73: {  	p2 =	slt.s32 s31, s3;
	s26 =	sand.u32 $0xFFFFF800, s26;
	s10 =	sand.u32 $0x380, s10  }
.Ltmp7:
0x74: {  	s10 =	sor.u32 s10, s26;
	(pc) =	sbr.rel @p2 .LBB2_8-.Ltmp7, $4  }
0x75: {  	s10 =	sshrl.u32 s10, $0x3  }
0x76: {  	s10 =	sadd.s32 s6, s10  }
0x77: {  	[tilespmem:s9], [sflag:$0x9] =	stream.strided.gather [hbm4b:s10+s18], $0x100, s19, s18, $0x38;
	[tilespmem:$0x1E678] =	vst v63  }
0x78: {  	s9 =	sadd.s32 $0x100, s9  }
.Ltmp8:
0x79: {  	_ = 	snop;
	(pc) =	sbr.rel .LBB2_5-.Ltmp8, $1  }
0x7a: {  	_ =	sdelay $0x3  }
.LBB2_9:
0x7b: {  	p2 =	slt.u32 s23, $0x2  }
.Ltmp9:
0x7c: {  	_ = 	snop;
	(pc) =	sbr.rel @p2 .LBB2_27-.Ltmp9, $1  }
0x7d: {  	_ =	sdelay $0x3  }
0x7e: {  	p2 =	sgt.s32 s0, $0x27090  }
0x7f: {  	s2 =	smov.u32 s0;
	s3 =	sshra.s32 s0, $0x1F;
	s4 =	ssub.s32 $0x27100, s0  }
0x80: {  	s2 =	simm.s32 @!p2 $0x27090;
	s3 =	sand.u32 s3, s0;
	p2 =	slt.s32 s4, $0x70  }
0x81: {  	s2 =	ssub.s32 s2, s3;
	s4 =	simm.s32 @!p2 $0x70  }
0x82: {  	s2 =	sadd.s32 $0xFFFD8F70, s2;
	s24 =	sshll.u32 s4, $0x8  }
0x83: {  	s29 =	simm.s32 $0x9;
	s25 =	sshll.u32 s2, $0x2;
	s3 =	sand.u32 $0x3FFFFF00, s24  }
0x84: {  	p2 =	sgt.s32 s2, $0x6F;
	s26 =	ssub.s32 $0x1C0, s25;
	_ =	swait.ge [sflag:s29], s3  }
0x85: {  	s3 =	ssub.s32 $0x0, s3;
	[sflag:s29] =	ssyncset.done $0x0;
	s2 =	sshrl.u32 s26, $0x2  }
0x86: {  	s30 =	simm.s32 $0xB;
	[sflag:s29] =	ssyncadd.s32 s3;
	s2 =	simm.s32 @p2 $0x0  }
0x87: {  	_ =	swait.ge [sflag:s30], s2  }
0x88: {  	s2 =	ssub.s32 $0x0, s2;
	[sflag:s30] =	ssyncset.done $0x0  }
0x89: {  	[sflag:s30] =	ssyncadd.s32 s2  }
0x8a: {  	v1 =	vld [tilespmem:$0xE408];
	_ =	sdelay $0x4  }
0x8b: {  	(v2sf) =	vpush v1, $0x0  }
0x8c: {  	(v2sf) =	vpush v1, $0x1  }
0x8d: {  	(v2sf) =	vpush v1, $0x2;
	_ =	sdelay $0x3  }
0x8e: {  	s2 =	sadd.s32 $0x70, s0  }
0x8f: {  	s3 =	ssub.s32 $0x4E200, s0;
	p2 =	slt.s32 s8, s2  }
0x90: {  	s2 =	smov.u32 @p2 s8;
	p2 =	sgt.s32 s3, $0x0  }
0x91: {  	s0 =	ssub.s32 s2, s0;
	s3 =	simm.s32 @!p2 $0x0  }
0x92: {  	p2 =	slt.s32 s3, s0  }
0x93: {  	s0 =	smov.u32 @p2 s3  }
0x94: {  	s4 =	simm.s32 $0x1;
	p2 =	slt.s32 s0, $0x1  }
.Ltmp10:
0x95: {  	s4 =	simm.s32 @!p1 $0x0;
	(pc) =	sbr.rel @p2 .LBB2_14-.Ltmp10, $4  }
0x96: {  	s31 =	smul.u32 $0x1C0, s4  }
0x97: {  	s5 =	spop (v2sf)  }
0x98: {  	s2 =	sshrl.u32 s31, $0x2;
	s28 =	spop (v2sf)  }
0x99: {  	s25 =	sadd.s32 $0x10598, s2;
	s24 =	spop (v2sf)  }
0x9a: {  	s2 =	smin.u32 s0, $0x10  }
0x9b: {  	v1 =	vmov s2  }
0x9c: {  	vm1 =	vgt.u32 v1, v0  }
0x9d: {  	p3 =	sgt.s32 s0, $0x10  }
.Ltmp11:
0x9e: {  	_ = 	snop;
	(pc) =	sbr.rel @!p3 .LBB2_13-.Ltmp11, $2  }
0x9f: {  	_ =	sdelay $0x2  }
0xa0: {  	s26 =	simm.s32 $0x10;
	s29 =	sadd.s32 $0xFFFFFFF0, s0;
	s2 =	smov.u32 s25;
	vm0 =	vmmov vm1;
	v1 =	vld.msk [tilespmem:s25+$0x0 ss:$0x1], vm1  }
.LBB2_12:
0xa1: {  	s3 =	smin.u32 s29, $0x10;
	s26 =	sadd.s32 $0x10, s26  }
0xa2: {  	v2 =	vmov s3;
	p3 =	slt.s32 s26, s0  }
0xa3: {  	vm1 =	vgt.u32 v2, v0;
	_ =	sdelay $0x1  }
0xa4: {  	v2 =	vshll.u32 v1, $0x5;
	v1 =	vshll.u32 v1, $0x4  }
.Ltmp12:
0xa5: {  	v2 =	vand.u32 $0xFFFFFF00, v2;
	v1 =	vand.u32 $0x70, v1;
	(pc) =	sbr.rel @p3 .LBB2_12-.Ltmp12, $4  }
0xa6: {  	v1 =	vor.u32 v1, v2  }
0xa7: {  	[tilespmem:s2+$0x0] =	vst.msk vm0, v1;
	s2 =	sadd.s32 $0x10, s2;
	vm0 =	vmmov vm1  }
0xa8: {  	v1 =	vld.msk [tilespmem:s2+$0x0 ss:$0x1], vm1  }
0xa9: {  	s29 =	sadd.s32 $0xFFFFFFF0, s29  }
.LBB2_13:
0xaa: {  	_ =	sdelay $0x3  }
0xab: {  	v2 =	vshll.u32 v1, $0x5;
	v1 =	vshll.u32 v1, $0x4  }
0xac: {  	v2 =	vand.u32 $0xFFFFFF00, v2;
	v1 =	vand.u32 $0x70, v1  }
0xad: {  	v1 =	vor.u32 v1, v2  }
0xae: {  	[tilespmem:s2+$0x0] =	vst.msk vm0, v1  }
.LBB2_14:
0xaf: {  	s2 =	sand.u32 $0x1, s23  }
0xb0: {  	s3 =	smul.u32 $0x7000, s2  }
0xb1: {  	p3 =	sne.s32 s28, $0xFFFFFFFF  }
0xb2: {  	v1 =	vld @!p3 [tilespmem:s3+$0x10678];
	_ =	sdelay $0x2  }
0xb3: {  	s2 =	smul.u32 $0x70, s2;
	_ =	sdelay $0x1  }
0xb4: {  	v2 =	vld.msk @!p3 [tilespmem:s2+$0x10598], $0x1;
	[tilespmem:$0x208] =	vst @!p3 v1  }
0xb5: {  	v1 =	vld @!p3 [tilespmem:s3+$0x10688];
	_ =	sdelay $0x4  }
0xb6: {  	[tilespmem:$0x218] =	vst @!p3 v1  }
0xb7: {  	v1 =	vld @!p3 [tilespmem:s3+$0x10698];
	_ =	sdelay $0x4  }
0xb8: {  	[tilespmem:$0x228] =	vst @!p3 v1  }
0xb9: {  	v1 =	vld @!p3 [tilespmem:s3+$0x106A8];
	_ =	sdelay $0x4  }
0xba: {  	[tilespmem:$0x238] =	vst @!p3 v1  }
0xbb: {  	v1 =	vld @!p3 [tilespmem:s3+$0x106B8];
	_ =	sdelay $0x4  }
0xbc: {  	[tilespmem:$0x248] =	vst @!p3 v1  }
0xbd: {  	v1 =	vld @!p3 [tilespmem:s3+$0x106C8];
	_ =	sdelay $0x4  }
0xbe: {  	[tilespmem:$0x258] =	vst @!p3 v1  }
0xbf: {  	v1 =	vld @!p3 [tilespmem:s3+$0x106D8];
	_ =	sdelay $0x4  }
0xc0: {  	[tilespmem:$0x268] =	vst @!p3 v1  }
0xc1: {  	v1 =	vld @!p3 [tilespmem:s3+$0x106E8];
	_ =	sdelay $0x4  }
0xc2: {  	[tilespmem:$0x278] =	vst @!p3 v1  }
0xc3: {  	v1 =	vld @!p3 [tilespmem:s3+$0x106F8];
	_ =	sdelay $0x4  }
0xc4: {  	[tilespmem:$0x288] =	vst @!p3 v1  }
0xc5: {  	v1 =	vld @!p3 [tilespmem:s3+$0x10708];
	_ =	sdelay $0x4  }
0xc6: {  	[tilespmem:$0x298] =	vst @!p3 v1  }
0xc7: {  	v1 =	vld @!p3 [tilespmem:s3+$0x10718];
	_ =	sdelay $0x4  }
0xc8: {  	[tilespmem:$0x2A8] =	vst @!p3 v1  }
0xc9: {  	v1 =	vld @!p3 [tilespmem:s3+$0x10728];
	_ =	sdelay $0x4  }
0xca: {  	[tilespmem:$0x2B8] =	vst @!p3 v1  }
0xcb: {  	v1 =	vld @!p3 [tilespmem:s3+$0x10738];
	_ =	sdelay $0x4  }
0xcc: {  	[tilespmem:$0x2C8] =	vst @!p3 v1  }
0xcd: {  	(v2sf) =	vpush @!p3 v2, $0x0;
	v1 =	vld @!p3 [tilespmem:s3+$0x10748];
	_ =	sdelay $0x4  }
0xce: {  	[tilespmem:$0x2D8] =	vst @!p3 v1  }
0xcf: {  	v1 =	vld @!p3 [tilespmem:s3+$0x10758];
	_ =	sdelay $0x4  }
0xd0: {  	[tilespmem:$0x2E8] =	vst @!p3 v1  }
0xd1: {  	v1 =	vld @!p3 [tilespmem:s3+$0x10768]  }
.Ltmp13:
0xd2: {  	_ = 	snop;
	(pc) =	sbr.rel @p2 .LBB2_25-.Ltmp13, $4  }
0xd3: {  	_ = 	snop  }
0xd4: {  	s31 =	spop @!p3 (v2sf)  }
0xd5: {  	s24 =	simm.s32 @!p3 $0x0;
	s26 =	smov.u32 s31  }
0xd6: {  	s31 =	smov.u32 @p3 s5;
	s26 =	smov.u32 @p3 s28;
	[tilespmem:$0x2F8] =	vst @!p3 v1;
	[sflag:s17] =	ssyncpa.u1 $0x0  }
0xd7: {  	v1 =	vld.msk [tilespmem:s25+$0x0], $0x1;
	_ =	sdelay $0x4  }
0xd8: {  	(v2sf) =	vpush v1, $0x0;
	_ =	sdelay $0xe  }
0xd9: {  	s7 =	smov.u32 s11;
	s5 =	spop (v2sf)  }
0xda: {  	s17 =	smov.u32 s15;
	s2 =	smul.u32 $0x1C000, s4;
	p2 =	seq.s32 s31, s5  }
0xdb: {  	s3 =	smov.u32 s31;
	s29 =	ssub.s32 $0x0, s0;
	p3 =	sgt.s32 @!p2 s31, $0x0  }
0xdc: {  	s30 =	simm.s32 $0x0;
	s2 =	sshrl.u32 s2, $0x2;
	p3 =	por !p3, p2  }
0xdd: {  	s0 =	sadd.s32 $0x1, s29;
	s28 =	sor.u32 $0x106F8, s2;
	s3 =	simm.s32 @p3 $0x0  }
0xde: {  	s2 =	simm.s32 @!p2 $0x1;
	p3 =	seq.s32 s0, $0x0;
	s3 =	smin.u32 @!p2 s3, $0x4E170  }
.Ltmp14:
0xdf: {  	s4 =	simm.s32 @!p2 $0x7308;
	s9 =	sand.u32 @!p2 $0x7FFF8, s3;
	(pc) =	sbr.rel @p3 .LBB2_17-.Ltmp14, $4  }
0xe0: {  	s10 =	sadd.s32 @!p2 $0x80, s3;
	s11 =	sadd.s32 @!p2 s1, s9;
	s9 =	sand.u32 @!p2 $0x7, s3  }
0xe1: {  	[tilespmem:s4], [sflag:$0x2] =	stream.linear.gather @!p2 [hbm4b:s11+s9], $0x80, $0x38;
	[tilespmem:$0x1E678] =	vst v63  }
0xe2: {  	s15 =	smov.u32 s14;
	s2 =	smov.u32 @p2 s30;
	s4 =	sand.u32 @!p2 $0xFFFF8, s10  }
0xe3: {  	s3 =	simm.s32 @!p2 $0x7388;
	s10 =	sadd.s32 @!p2 s1, s4;
	s4 =	sadd.s32 $0x1, s25  }
.LBB2_16:
0xe4: {  	s11 =	smov.u32 s2  }
0xe5: {  	[tilespmem:s3], [sflag:$0x2] =	stream.linear.gather @!p2 [hbm4b:s10+s9], $0x80, $0x38;
	[tilespmem:$0x1E678] =	vst v63  }
0xe6: {  	s0 =	sadd.s32 $0x1, s0;
	s9 =	smov.u32 s5;
	v1 =	vld.msk [tilespmem:s4+$0x0], $0x1  }
0xe7: {  	p3 =	seq.s32 s0, $0x0;
	_ =	sdelay $0x3  }
0xe8: {  	(v2sf) =	vpush v1, $0x0;
	_ =	sdelay $0xe  }
0xe9: {  	s5 =	spop (v2sf)  }
0xea: {  	p2 =	seq.s32 s9, s5  }
0xeb: {  	p4 =	sgt.s32 @!p2 s9, $0x0;
	s3 =	sshll.u32 @!p2 s2, $0xA;
	s2 =	sadd.s32 @!p2 $0x1, s2  }
0xec: {  	p4 =	por !p4, p2;
	s3 =	sshra.s32 @!p2 s3, $0x2;
	s2 =	smov.u32 @p2 s11  }
0xed: {  	s9 =	simm.s32 @p4 $0x0;
	s10 =	sadd.s32 @!p2 $0x7308, s3;
	s3 =	sadd.s32 @!p2 $0x7388, s3  }
.Ltmp15:
0xee: {  	s9 =	smin.u32 @!p2 s9, $0x4E170;
	(pc) =	sbr.rel @!p3 .LBB2_16-.Ltmp15, $4  }
0xef: {  	s11 =	sand.u32 @!p2 $0x7FFF8, s9;
	s14 =	sadd.s32 @!p2 $0x80, s9  }
0xf0: {  	s9 =	sand.u32 @!p2 $0x7, s9;
	s11 =	sadd.s32 @!p2 s1, s11;
	s14 =	sand.u32 @!p2 $0xFFFF8, s14  }
0xf1: {  	[tilespmem:s10], [sflag:$0x2] =	stream.linear.gather @!p2 [hbm4b:s11+s9], $0x80, $0x38;
	[tilespmem:$0x1E678] =	vst v63  }
0xf2: {  	s4 =	sadd.s32 $0x1, s4;
	s10 =	sadd.s32 @!p2 s1, s14  }
.LBB2_17:
0xf3: {  	[tilespmem:s3], [sflag:$0x2] =	stream.linear.gather @!p2 [hbm4b:s10+s9], $0x80, $0x38;
	[tilespmem:$0x1E678] =	vst v63  }
0xf4: {  	s0 =	sshll.u32 s2, $0x8  }
.Ltmp16:
0xf5: {  	s14 =	simm.s32 $0x2;
	s0 =	sand.u32 $0x3FFFFF00, s0;
	(pc) =	sbr.rel .LBB2_18-.Ltmp16, $4  }
0xf6: {  	_ =	swait.ge [sflag:s14], s0  }
0xf7: {  	s0 =	ssub.s32 $0x0, s0;
	[sflag:s14] =	ssyncset.done $0x0  }
0xf8: {  	s11 =	smov.u32 s7;
	[sflag:s14] =	ssyncadd.s32 s0;
	s0 =	simm.s32 $0x0  }
0xf9: {  	s14 =	smov.u32 s15;
	s15 =	smov.u32 s17;
	s17 =	simm.s32 $0xC  }
.LBB2_19:
0xfa: {  	v1 =	vld [tilespmem:s28+$0xFFFFFF80]  }
0xfb: {  	v2 =	vld [tilespmem:s5+$0x208];
	_ =	sdelay $0x4  }
0xfc: {  	v1 =	vmax.f32 v1, v2  }
0xfd: {  	v2 =	vld [tilespmem:s5+$0x218];
	[tilespmem:s5+$0x208] =	vst v1  }
0xfe: {  	v1 =	vld [tilespmem:s28+$0xFFFFFF90];
	_ =	sdelay $0x4  }
0xff: {  	v1 =	vmax.f32 v1, v2  }
0x100: {  	v2 =	vld [tilespmem:s5+$0x228];
	[tilespmem:s5+$0x218] =	vst v1  }
0x101: {  	v1 =	vld [tilespmem:s28+$0xFFFFFFA0];
	_ =	sdelay $0x4  }
0x102: {  	v1 =	vmax.f32 v1, v2  }
0x103: {  	v2 =	vld [tilespmem:s5+$0x238];
	[tilespmem:s5+$0x228] =	vst v1  }
0x104: {  	v1 =	vld [tilespmem:s28+$0xFFFFFFB0];
	_ =	sdelay $0x4  }
0x105: {  	v1 =	vmax.f32 v1, v2  }
0x106: {  	v2 =	vld [tilespmem:s5+$0x248];
	[tilespmem:s5+$0x238] =	vst v1  }
0x107: {  	v1 =	vld [tilespmem:s28+$0xFFFFFFC0];
	_ =	sdelay $0x4  }
0x108: {  	v1 =	vmax.f32 v1, v2  }
0x109: {  	v2 =	vld [tilespmem:s5+$0x258];
	[tilespmem:s5+$0x248] =	vst v1  }
0x10a: {  	v1 =	vld [tilespmem:s28+$0xFFFFFFD0];
	_ =	sdelay $0x4  }
0x10b: {  	v1 =	vmax.f32 v1, v2  }
0x10c: {  	v2 =	vld [tilespmem:s5+$0x268];
	[tilespmem:s5+$0x258] =	vst v1  }
0x10d: {  	v1 =	vld [tilespmem:s28+$0xFFFFFFE0];
	_ =	sdelay $0x4  }
0x10e: {  	v1 =	vmax.f32 v1, v2  }
0x10f: {  	v2 =	vld [tilespmem:s5+$0x278];
	[tilespmem:s5+$0x268] =	vst v1  }
0x110: {  	v1 =	vld [tilespmem:s28+$0xFFFFFFF0];
	_ =	sdelay $0x4  }
0x111: {  	v1 =	vmax.f32 v1, v2  }
0x112: {  	v2 =	vld [tilespmem:s5+$0x288];
	[tilespmem:s5+$0x278] =	vst v1  }
0x113: {  	v1 =	vld [tilespmem:s28+$0x0];
	_ =	sdelay $0x4  }
0x114: {  	v1 =	vmax.f32 v1, v2  }
0x115: {  	v2 =	vld [tilespmem:s5+$0x298];
	[tilespmem:s5+$0x288] =	vst v1  }
0x116: {  	v1 =	vld [tilespmem:s28+$0x10];
	_ =	sdelay $0x4  }
0x117: {  	v1 =	vmax.f32 v1, v2  }
0x118: {  	v2 =	vld [tilespmem:s5+$0x2A8];
	[tilespmem:s5+$0x298] =	vst v1  }
0x119: {  	v1 =	vld [tilespmem:s28+$0x20];
	_ =	sdelay $0x4  }
0x11a: {  	v1 =	vmax.f32 v1, v2  }
0x11b: {  	v2 =	vld [tilespmem:s5+$0x2B8];
	[tilespmem:s5+$0x2A8] =	vst v1  }
0x11c: {  	v1 =	vld [tilespmem:s28+$0x30];
	_ =	sdelay $0x4  }
0x11d: {  	v1 =	vmax.f32 v1, v2  }
0x11e: {  	v2 =	vld [tilespmem:s5+$0x2C8];
	[tilespmem:s5+$0x2B8] =	vst v1  }
0x11f: {  	v1 =	vld [tilespmem:s28+$0x40];
	_ =	sdelay $0x4  }
0x120: {  	v1 =	vmax.f32 v1, v2  }
0x121: {  	v2 =	vld [tilespmem:s5+$0x2D8];
	[tilespmem:s5+$0x2C8] =	vst v1  }
0x122: {  	v1 =	vld [tilespmem:s28+$0x50];
	_ =	sdelay $0x4  }
0x123: {  	v1 =	vmax.f32 v1, v2  }
0x124: {  	v2 =	vld [tilespmem:s5+$0x2E8];
	[tilespmem:s5+$0x2D8] =	vst v1  }
0x125: {  	v1 =	vld [tilespmem:s28+$0x60];
	_ =	sdelay $0x4  }
0x126: {  	v1 =	vmax.f32 v1, v2  }
0x127: {  	v2 =	vld [tilespmem:s5+$0x2F8];
	[tilespmem:s5+$0x2E8] =	vst v1  }
0x128: {  	v1 =	vld [tilespmem:s28+$0x70];
	_ =	sdelay $0x4  }
0x129: {  	v1 =	vmax.f32 v1, v2  }
0x12a: {  	[tilespmem:s5+$0x2F8] =	vst v1  }
.LBB2_23:
0x12b: {  	s29 =	sadd.s32 $0x1, s29  }
0x12c: {  	p2 =	seq.s32 s29, $0x0  }
.Ltmp17:
0x12d: {  	_ = 	snop;
	(pc) =	sbr.rel @p2 .LBB2_24-.Ltmp17, $2  }
0x12e: {  	_ =	sdelay $0x2  }
0x12f: {  	s25 =	sadd.s32 $0x1, s25;
	s28 =	sadd.s32 $0x100, s28;
	s31 =	smov.u32 s4  }
.LBB2_18:
0x130: {  	v1 =	vld.msk [tilespmem:s25+$0x0], $0x1;
	_ =	sdelay $0x4  }
0x131: {  	(v2sf) =	vpush v1, $0x0;
	_ =	sdelay $0xe  }
0x132: {  	s4 =	spop (v2sf)  }
0x133: {  	p2 =	sne.s32 s31, s4  }
.Ltmp18:
0x134: {  	_ = 	snop;
	(pc) =	sbr.rel @!p2 .LBB2_19-.Ltmp18, $3  }
0x135: {  	_ =	sdelay $0x1  }
0x136: {  	s2 =	sshll.u32 s24, $0xA  }
0x137: {  	s5 =	sshra.s32 s2, $0x2  }
0x138: {  	p2 =	seq.s32 s31, s26  }
.Ltmp19:
0x139: {  	_ = 	snop;
	(pc) =	sbr.rel @!p2 .LBB2_21-.Ltmp19, $1  }
0x13a: {  	_ =	sdelay $0x3  }
.Ltmp20:
0x13b: {  	s2 =	sadd.s32 $0x208, s5;
	(pc) =	sbr.rel .LBB2_22-.Ltmp20, $4  }
0x13c: {  	[spmem:s16] =	stream.linear.scatter [tilespmem:s2], [sflag:$0x1], $0x100, $0x38;
	[tilespmem:$0x1E678] =	vst v63  }
0x13d: {  	_ =	swait.ge [sflag:s12], $0x100  }
0x13e: {  	[sflag:s12] =	ssyncset.done $0x0  }
0x13f: {  	[sflag:s12] =	ssyncadd.s32 $0xFFFFFF00  }
.LBB2_21:
0x140: {  	s2 =	sshll.u32 s30, $0xA  }
0x141: {  	v2 =	vld [tilespmem:s5+$0x208];
	s2 =	sshra.s32 s2, $0x2  }
0x142: {  	v1 =	vld [tilespmem:s2+$0x7308];
	_ =	sdelay $0x4  }
0x143: {  	v1 =	vmax.f32 v1, v2  }
0x144: {  	v2 =	vld [tilespmem:s5+$0x218];
	[tilespmem:s5+$0x208] =	vst v1  }
0x145: {  	v1 =	vld [tilespmem:s2+$0x7318];
	_ =	sdelay $0x4  }
0x146: {  	v1 =	vmax.f32 v1, v2  }
0x147: {  	v2 =	vld [tilespmem:s5+$0x228];
	[tilespmem:s5+$0x218] =	vst v1  }
0x148: {  	v1 =	vld [tilespmem:s2+$0x7328];
	_ =	sdelay $0x4  }
0x149: {  	v1 =	vmax.f32 v1, v2  }
0x14a: {  	v2 =	vld [tilespmem:s5+$0x238];
	[tilespmem:s5+$0x228] =	vst v1  }
0x14b: {  	v1 =	vld [tilespmem:s2+$0x7338];
	_ =	sdelay $0x4  }
0x14c: {  	v1 =	vmax.f32 v1, v2  }
0x14d: {  	v2 =	vld [tilespmem:s5+$0x248];
	[tilespmem:s5+$0x238] =	vst v1  }
0x14e: {  	v1 =	vld [tilespmem:s2+$0x7348];
	_ =	sdelay $0x4  }
0x14f: {  	v1 =	vmax.f32 v1, v2  }
0x150: {  	v2 =	vld [tilespmem:s5+$0x258];
	[tilespmem:s5+$0x248] =	vst v1  }
0x151: {  	v1 =	vld [tilespmem:s2+$0x7358];
	_ =	sdelay $0x4  }
0x152: {  	v1 =	vmax.f32 v1, v2  }
0x153: {  	v2 =	vld [tilespmem:s5+$0x268];
	[tilespmem:s5+$0x258] =	vst v1  }
0x154: {  	v1 =	vld [tilespmem:s2+$0x7368];
	_ =	sdelay $0x4  }
0x155: {  	v1 =	vmax.f32 v1, v2  }
0x156: {  	v2 =	vld [tilespmem:s5+$0x278];
	[tilespmem:s5+$0x268] =	vst v1  }
0x157: {  	v1 =	vld [tilespmem:s2+$0x7378];
	_ =	sdelay $0x4  }
0x158: {  	v1 =	vmax.f32 v1, v2  }
0x159: {  	v2 =	vld [tilespmem:s5+$0x288];
	[tilespmem:s5+$0x278] =	vst v1  }
0x15a: {  	v1 =	vld [tilespmem:s2+$0x7388];
	_ =	sdelay $0x4  }
0x15b: {  	v1 =	vmax.f32 v1, v2  }
0x15c: {  	v2 =	vld [tilespmem:s5+$0x298];
	[tilespmem:s5+$0x288] =	vst v1  }
0x15d: {  	v1 =	vld [tilespmem:s2+$0x7398];
	_ =	sdelay $0x4  }
0x15e: {  	v1 =	vmax.f32 v1, v2  }
0x15f: {  	v2 =	vld [tilespmem:s5+$0x2A8];
	[tilespmem:s5+$0x298] =	vst v1  }
0x160: {  	v1 =	vld [tilespmem:s2+$0x73A8];
	_ =	sdelay $0x4  }
0x161: {  	v1 =	vmax.f32 v1, v2  }
0x162: {  	v2 =	vld [tilespmem:s5+$0x2B8];
	[tilespmem:s5+$0x2A8] =	vst v1  }
0x163: {  	v1 =	vld [tilespmem:s2+$0x73B8];
	_ =	sdelay $0x4  }
0x164: {  	v1 =	vmax.f32 v1, v2  }
0x165: {  	v2 =	vld [tilespmem:s5+$0x2C8];
	[tilespmem:s5+$0x2B8] =	vst v1  }
0x166: {  	v1 =	vld [tilespmem:s2+$0x73C8];
	_ =	sdelay $0x4  }
0x167: {  	v1 =	vmax.f32 v1, v2  }
0x168: {  	v2 =	vld [tilespmem:s5+$0x2D8];
	[tilespmem:s5+$0x2C8] =	vst v1  }
0x169: {  	v1 =	vld [tilespmem:s2+$0x73D8];
	_ =	sdelay $0x4  }
0x16a: {  	v1 =	vmax.f32 v1, v2  }
0x16b: {  	v2 =	vld [tilespmem:s5+$0x2E8];
	[tilespmem:s5+$0x2D8] =	vst v1  }
0x16c: {  	v1 =	vld [tilespmem:s2+$0x73E8];
	_ =	sdelay $0x4  }
0x16d: {  	v1 =	vmax.f32 v1, v2  }
0x16e: {  	v2 =	vld [tilespmem:s5+$0x2F8];
	[tilespmem:s5+$0x2E8] =	vst v1  }
0x16f: {  	v1 =	vld [tilespmem:s2+$0x73F8];
	_ =	sdelay $0x3  }
0x170: {  	p2 =	sgt.u32 s31, $0x4E170  }
0x171: {  	s2 =	sand.u32 @!p2 $0x7FFF8, s31;
	v1 =	vmax.f32 v1, v2  }
0x172: {  	s3 =	sadd.s32 $0x208, s5;
	s9 =	sand.u32 @!p2 $0x7, s31;
	s2 =	sadd.s32 @!p2 s1, s2;
	[tilespmem:s5+$0x2F8] =	vst v1  }
0x173: {  	[hbm4b:s2+s9] =	stream.linear.scatter @!p2 [tilespmem:s3], [sflag:$0xC], $0x80, $0x38;
	[tilespmem:$0x1E678] =	vst v63  }
0x174: {  	s2 =	sadd.s32 @!p2 $0x80, s31  }
0x175: {  	s2 =	sand.u32 @!p2 $0xFFFF8, s2  }
0x176: {  	s3 =	sadd.s32 $0x288, s5;
	s2 =	sadd.s32 @!p2 s1, s2  }
0x177: {  	[hbm4b:s2+s9] =	stream.linear.scatter @!p2 [tilespmem:s3], [sflag:$0xC], $0x80, $0x38;
	[tilespmem:$0x1E678] =	vst v63  }
0x178: {  	s2 =	simm.s32 $0x0  }
0x179: {  	s2 =	simm.s32 @!p2 $0x400  }
0x17a: {  	s0 =	sadd.s32 s2, s0  }
.LBB2_22:
0x17b: {  	s2 =	sadd.s32 $0x1, s24  }
0x17c: {  	s3 =	sshrl.u32 s2, $0x4  }
0x17d: {  	s3 =	smulhi.u32 $0x24924925, s3  }
0x17e: {  	v1 =	vld [tilespmem:s28+$0xFFFFFF80]  }
0x17f: {  	s3 =	smul.u32 $0x70, s3;
	_ =	sdelay $0x1  }
0x180: {  	s24 =	ssub.s32 s2, s3  }
0x181: {  	s2 =	sshll.u32 s24, $0x8  }
0x182: {  	[tilespmem:s2+$0x208] =	vst v1  }
0x183: {  	v1 =	vld [tilespmem:s28+$0xFFFFFF90];
	_ =	sdelay $0x4  }
0x184: {  	[tilespmem:s2+$0x218] =	vst v1  }
0x185: {  	v1 =	vld [tilespmem:s28+$0xFFFFFFA0];
	_ =	sdelay $0x4  }
0x186: {  	[tilespmem:s2+$0x228] =	vst v1  }
0x187: {  	v1 =	vld [tilespmem:s28+$0xFFFFFFB0];
	_ =	sdelay $0x4  }
0x188: {  	[tilespmem:s2+$0x238] =	vst v1  }
0x189: {  	v1 =	vld [tilespmem:s28+$0xFFFFFFC0];
	_ =	sdelay $0x4  }
0x18a: {  	[tilespmem:s2+$0x248] =	vst v1  }
0x18b: {  	v1 =	vld [tilespmem:s28+$0xFFFFFFD0];
	_ =	sdelay $0x4  }
0x18c: {  	[tilespmem:s2+$0x258] =	vst v1  }
0x18d: {  	v1 =	vld [tilespmem:s28+$0xFFFFFFE0];
	_ =	sdelay $0x4  }
0x18e: {  	[tilespmem:s2+$0x268] =	vst v1  }
0x18f: {  	v1 =	vld [tilespmem:s28+$0xFFFFFFF0];
	_ =	sdelay $0x4  }
0x190: {  	[tilespmem:s2+$0x278] =	vst v1  }
0x191: {  	v1 =	vld [tilespmem:s28+$0x0];
	_ =	sdelay $0x4  }
0x192: {  	[tilespmem:s2+$0x288] =	vst v1  }
0x193: {  	v1 =	vld [tilespmem:s28+$0x10];
	_ =	sdelay $0x4  }
0x194: {  	[tilespmem:s2+$0x298] =	vst v1  }
0x195: {  	v1 =	vld [tilespmem:s28+$0x20];
	_ =	sdelay $0x4  }
0x196: {  	[tilespmem:s2+$0x2A8] =	vst v1  }
0x197: {  	v1 =	vld [tilespmem:s28+$0x30];
	_ =	sdelay $0x4  }
0x198: {  	[tilespmem:s2+$0x2B8] =	vst v1  }
0x199: {  	v1 =	vld [tilespmem:s28+$0x40];
	_ =	sdelay $0x4  }
0x19a: {  	[tilespmem:s2+$0x2C8] =	vst v1  }
0x19b: {  	v1 =	vld [tilespmem:s28+$0x50];
	_ =	sdelay $0x4  }
0x19c: {  	[tilespmem:s2+$0x2D8] =	vst v1  }
0x19d: {  	v1 =	vld [tilespmem:s28+$0x60];
	_ =	sdelay $0x4  }
0x19e: {  	[tilespmem:s2+$0x2E8] =	vst v1  }
0x19f: {  	v1 =	vld [tilespmem:s28+$0x70]  }
.Ltmp21:
0x1a0: {  	_ = 	snop;
	(pc) =	sbr.rel .LBB2_23-.Ltmp21, $2  }
0x1a1: {  	_ =	sdelay $0x2  }
0x1a2: {  	s30 =	sadd.s32 $0x1, s30;
	[tilespmem:s2+$0x2F8] =	vst v1  }
.LBB2_25:
.Ltmp22:
0x1a3: {  	(pc) =	sbr.rel .LBB2_26-.Ltmp22, $4  }
0x1a4: {  	_ = 	snop  }
0x1a5: {  	s0 =	simm.s32 $0x2  }
0x1a6: {  	_ =	swait.ge [sflag:s0], $0x0  }
0x1a7: {  	s4 =	smov.u32 s31;
	[sflag:s0] =	ssyncset.done $0x0;
	s0 =	simm.s32 $0x0  }
.LBB2_28:
0x1a8: {  	_ =	sfence.sel $0x180000  }
0x1a9: {  	s0 =	simm.s32 $0x9;
	[bflag:$0x0] =	sbarrier.arrive $0xFFFF  }
0x1aa: {  	s24 =	simm.s32 $0xA;
	[sflag:s0] =	ssyncpa.u1 $0x1  }
0x1ab: {  	s25 =	simm.s32 $0xB;
	[sflag:s24] =	ssyncpa.u1 $0x1  }
0x1ac: {  	s26 =	simm.s32 $0x2;
	[sflag:s25] =	ssyncpa.u1 $0x1  }
0x1ad: {  	[sflag:s26] =	ssyncpa.u1 $0x1  }
0x1ae: {  	v0 =	vld [tilespmem:$0xE408];
	_ =	sdelay $0x4  }
0x1af: {  	(v2sf) =	vpush v0, $0x0  }
0x1b0: {  	(v2sf) =	vpush v0, $0x1;
	_ =	sdelay $0x1  }
0x1b1: {  	(v2sf) =	vpush v0, $0x2;
	_ =	sdelay $0xb  }
0x1b2: {  	s0 =	spop (v2sf)  }
0x1b3: {  	s2 =	spop (v2sf)  }
0x1b4: {  	s3 =	smov.u32 s0;
	p0 =	sne.s32 s0, s2  }
0x1b5: {  	s4 =	spop (v2sf);
	s3 =	simm.s32 @!p0 $0xFFFFFFFF  }
0x1b6: {  	v2 =	vimm.s32 $0x1;
	v3 =	vlaneseq.u32;
	p0 =	seq.s32 s4, $0xFFFFFFFF;
	v1 =	vmov s3  }
0x1b7: {  	s15 =	stileid.u32;
	v0 =	vperm.xlane v0, v2;
	p1 =	sne.s32 @!p0 s0, s2;
	v1 =	vperm.xlane v1, v3  }
0x1b8: {  	vm0 =	vcmask $0x3F04;
	s6 =	simm.s32 $0xE408;
	s0 =	simm.s32 @!p0 $0x1;
	p1 =	por !p1, p0  }
0x1b9: {  	s3 =	sshll.u32 s15, $0x1;
	s2 =	sshll.u32 @!p0 s4, $0xA;
	s0 =	simm.s32 @p1 $0x0;
	v0 =	vsel vm0, v1, v0  }
0x1ba: {  	s5 =	sor.u32 $0x2000, s3;
	s2 =	sshra.s32 @!p0 s2, $0x2;
	s0 =	sor.u32 @!p0 s0, s3;
	[tilespmem:$0xE408] =	vst v0  }
0x1bb: {  	[spmem:s5] =	stream.linear.scatter [tilespmem:s6], [sflag:$0x1], $0x2, $0x38;
	[tilespmem:$0x1E678] =	vst v63  }
0x1bc: {  	s2 =	sadd.s32 @!p0 $0x208, s2;
	s0 =	sshll.u32 @!p0 s0, $0x8  }
0x1bd: {  	[spmem:s0] =	stream.linear.scatter @!p0 [tilespmem:s2], [sflag:$0x1], $0x100, $0x38;
	[tilespmem:$0x1E678] =	vst v63  }
0x1be: {  	s0 =	simm.s32 @!p0 $0x102  }
0x1bf: {  	s28 =	simm.s32 $0x1;
	s0 =	simm.s32 @p0 $0x2  }
0x1c0: {  	_ =	swait.ge [sflag:s28], s0  }
0x1c1: {  	s0 =	ssub.s32 $0x0, s0;
	[sflag:s28] =	ssyncset.done $0x0  }
0x1c2: {  	p0 =	sne.s32 s15, $0x0;
	[sflag:s28] =	ssyncadd.s32 s0  }
.Ltmp23:
0x1c3: {  	_ =	sfence.stream.spmem;
	(pc) =	sbr.rel @p0 .LBB2_48-.Ltmp23, $4  }
0x1c4: {  	s29 =	simm.s32 $0x3;
	[bflag:$0x0] =	sbarrier.arrive $0xFFFF  }
0x1c5: {  	s30 =	simm.s32 $0x4;
	[sflag:s29] =	ssyncpa.u1 $0x1  }
0x1c6: {  	s31 =	simm.s32 $0x3C;
	[sflag:s30] =	ssyncpa.u1 $0x1  }
0x1c7: {  	s14 =	rddreg [dreg:$0x4];
	[sflag:s31] =	ssyncpa.u1 $0x1  }
0x1c8: {  	_ =	sfence.stream.spmem;
	s0 =	simm.s32 $0x5  }
0x1c9: {  	s2 =	simm.s32 $0x2000;
	s3 =	simm.s32 $0xE418;
	[sflag:s0] =	ssyncpa.u1 $0x0  }
0x1ca: {  	[tilespmem:s3], [sflag:$0x5] =	stream.linear.gather [spmem:s2], $0x20, $0x38;
	[tilespmem:$0x1E678] =	vst v63  }
0x1cb: {  	s26 =	simm.s32 $0x0;
	s28 =	simm.s32 $0xE438  }
0x1cc: {  	[tilespmem:s28], [sflag:$0x5] =	stream.linear.gather [spmem:s26], $0x2000, $0x38;
	[tilespmem:$0x1E678] =	vst v63  }
0x1cd: {  	_ =	swait.ge [sflag:s0], $0x2020  }
0x1ce: {  	[sflag:s0] =	ssyncset.done $0x0  }
0x1cf: {  	s29 =	simm.s32 $0x0;
	[sflag:s0] =	ssyncadd.s32 $0xFFFFDFE0  }
0x1d0: {  	v0 =	vld.msk [tilespmem:s29+$0xE418], $0x1;
	_ =	sdelay $0x1  }
0x1d1: {  	s30 =	simm.s32 $0x1  }
0x1d2: {  	v1 =	vld.msk [tilespmem:s30+$0xE418], $0x1;
	_ =	sdelay $0x1  }
0x1d3: {  	(v2sf) =	vpush v0, $0x0;
	_ =	sdelay $0x2  }
0x1d4: {  	(v2sf) =	vpush v1, $0x0;
	_ =	sdelay $0x2  }
0x1d5: {  	s31 =	simm.s32 $0x2  }
0x1d6: {  	v0 =	vld.msk [tilespmem:s31+$0xE418], $0x1;
	_ =	sdelay $0x2  }
0x1d7: {  	s2 =	simm.s32 $0xFFFFFFFF;
	s3 =	simm.s32 $0xFFFFFFFF;
	s0 =	simm.s32 $0xC  }
.LBB2_30:
0x1d8: {  	s4 =	smov.u32 s3;
	s5 =	smov.u32 s2  }
0x1d9: {  	s2 =	sshra.s32 s0, $0x2;
	p1 =	sne.s32 s0, $0x7C;
	s0 =	sadd.s32 $0x4, s0;
	(v2sf) =	vpush v0, $0x0  }
0x1da: {  	v0 =	vld.msk [tilespmem:s2+$0xE418], $0x1  }
.Ltmp24:
0x1db: {  	(pc) =	sbr.rel @p1 .LBB2_30-.Ltmp24, $4  }
0x1dc: {  	s3 =	spop (v2sf)  }
0x1dd: {  	p2 =	sne.s32 s5, $0xFFFFFFFF;
	s2 =	smov.u32 s3  }
0x1de: {  	p3 =	seq.s32 s3, $0xFFFFFFFF;
	s2 =	smov.u32 @p2 s5  }
0x1df: {  	s3 =	smov.u32 @p3 s4;
	s2 =	smov.u32 @p3 s5  }
0x1e0: {  	(v2sf) =	vpush v0, $0x0;
	_ =	sdelay $0x8  }
0x1e1: {  	s0 =	spop (v2sf)  }
0x1e2: {  	p1 =	sne.s32 s2, $0xFFFFFFFF;
	s9 =	simm.s32 $0x6;
	s4 =	smov.u32 s0  }
0x1e3: {  	s6 =	simm.s32 $0x0;
	p2 =	seq.s32 s0, $0xFFFFFFFF;
	s4 =	smov.u32 @p1 s2  }
0x1e4: {  	s10 =	simm.s32 $0xE308;
	s4 =	smov.u32 @p2 s2;
	s2 =	spop (v2sf)  }
0x1e5: {  	s0 =	smov.u32 @p2 s3;
	p1 =	sne.s32 s4, $0xFFFFFFFF;
	s5 =	smov.u32 s2  }
.Ltmp25:
0x1e6: {  	p2 =	seq.s32 s2, $0xFFFFFFFF;
	s5 =	smov.u32 @p1 s4;
	(pc) =	sbr.rel .LBB2_32-.Ltmp25, $4  }
0x1e7: {  	s11 =	simm.s32 $0xE388;
	s5 =	smov.u32 @p2 s4;
	s7 =	spop (v2sf)  }
0x1e8: {  	s12 =	simm.s32 $0x0;
	p1 =	sne.s32 s5, $0xFFFFFFFF;
	s8 =	smov.u32 s7  }
0x1e9: {  	s2 =	smov.u32 @p2 s0;
	p2 =	seq.s32 s7, $0xFFFFFFFF;
	s8 =	smov.u32 @p1 s5  }
0x1ea: {  	[sflag:s9] =	ssyncpa.u1 $0x0;
	s7 =	smov.u32 @p2 s2;
	s8 =	smov.u32 @p2 s5  }
.LBB2_37:
0x1eb: {  	s0 =	sshll.u32 s12, $0x8  }
0x1ec: {  	s31 =	sshll.u32 s5, $0xA;
	s4 =	sand.u32 $0x3FFFFF00, s0  }
0x1ed: {  	s0 =	sshra.s32 s31, $0x2;
	v0 =	vld [tilespmem:s4+$0xE438]  }
0x1ee: {  	v1 =	vld [tilespmem:s0+$0xE438];
	_ =	sdelay $0x4  }
0x1ef: {  	v0 =	vmax.f32 v0, v1  }
0x1f0: {  	v49 =	vld [tilespmem:s0+$0xE448];
	[tilespmem:s0+$0xE438] =	vst v0  }
0x1f1: {  	v0 =	vld [tilespmem:s4+$0xE448];
	_ =	sdelay $0x4  }
0x1f2: {  	v0 =	vmax.f32 v0, v49  }
0x1f3: {  	v50 =	vld [tilespmem:s0+$0xE458];
	[tilespmem:s0+$0xE448] =	vst v0  }
0x1f4: {  	v0 =	vld [tilespmem:s4+$0xE458];
	_ =	sdelay $0x4  }
0x1f5: {  	v0 =	vmax.f32 v0, v50  }
0x1f6: {  	v51 =	vld [tilespmem:s0+$0xE468];
	[tilespmem:s0+$0xE458] =	vst v0  }
0x1f7: {  	v0 =	vld [tilespmem:s4+$0xE468];
	_ =	sdelay $0x4  }
0x1f8: {  	v0 =	vmax.f32 v0, v51  }
0x1f9: {  	v52 =	vld [tilespmem:s0+$0xE478];
	[tilespmem:s0+$0xE468] =	vst v0  }
0x1fa: {  	v0 =	vld [tilespmem:s4+$0xE478];
	_ =	sdelay $0x4  }
0x1fb: {  	v0 =	vmax.f32 v0, v52  }
0x1fc: {  	v53 =	vld [tilespmem:s0+$0xE488];
	[tilespmem:s0+$0xE478] =	vst v0  }
0x1fd: {  	v0 =	vld [tilespmem:s4+$0xE488];
	_ =	sdelay $0x4  }
0x1fe: {  	v0 =	vmax.f32 v0, v53  }
0x1ff: {  	v54 =	vld [tilespmem:s0+$0xE498];
	[tilespmem:s0+$0xE488] =	vst v0  }
0x200: {  	v0 =	vld [tilespmem:s4+$0xE498];
	_ =	sdelay $0x4  }
0x201: {  	v0 =	vmax.f32 v0, v54  }
0x202: {  	v55 =	vld [tilespmem:s0+$0xE4A8];
	[tilespmem:s0+$0xE498] =	vst v0  }
0x203: {  	v0 =	vld [tilespmem:s4+$0xE4A8];
	_ =	sdelay $0x4  }
0x204: {  	v0 =	vmax.f32 v0, v55  }
0x205: {  	v56 =	vld [tilespmem:s0+$0xE4B8];
	[tilespmem:s0+$0xE4A8] =	vst v0  }
0x206: {  	v0 =	vld [tilespmem:s4+$0xE4B8];
	_ =	sdelay $0x4  }
0x207: {  	v0 =	vmax.f32 v0, v56  }
0x208: {  	v57 =	vld [tilespmem:s0+$0xE4C8];
	[tilespmem:s0+$0xE4B8] =	vst v0  }
0x209: {  	v0 =	vld [tilespmem:s4+$0xE4C8];
	_ =	sdelay $0x4  }
0x20a: {  	v0 =	vmax.f32 v0, v57  }
0x20b: {  	v58 =	vld [tilespmem:s0+$0xE4D8];
	[tilespmem:s0+$0xE4C8] =	vst v0  }
0x20c: {  	v0 =	vld [tilespmem:s4+$0xE4D8];
	_ =	sdelay $0x4  }
0x20d: {  	v0 =	vmax.f32 v0, v58  }
0x20e: {  	v59 =	vld [tilespmem:s0+$0xE4E8];
	[tilespmem:s0+$0xE4D8] =	vst v0  }
0x20f: {  	v0 =	vld [tilespmem:s4+$0xE4E8];
	_ =	sdelay $0x4  }
0x210: {  	v0 =	vmax.f32 v0, v59  }
0x211: {  	v60 =	vld [tilespmem:s0+$0xE4F8];
	[tilespmem:s0+$0xE4E8] =	vst v0  }
0x212: {  	v0 =	vld [tilespmem:s4+$0xE4F8];
	_ =	sdelay $0x4  }
0x213: {  	v0 =	vmax.f32 v0, v60  }
0x214: {  	v61 =	vld [tilespmem:s0+$0xE508];
	[tilespmem:s0+$0xE4F8] =	vst v0  }
0x215: {  	v0 =	vld [tilespmem:s4+$0xE508];
	_ =	sdelay $0x4  }
0x216: {  	v0 =	vmax.f32 v0, v61  }
0x217: {  	v62 =	vld [tilespmem:s0+$0xE518];
	[tilespmem:s0+$0xE508] =	vst v0  }
0x218: {  	v0 =	vld [tilespmem:s4+$0xE518];
	_ =	sdelay $0x4  }
0x219: {  	v0 =	vmax.f32 v0, v62  }
0x21a: {  	v63 =	vld [tilespmem:s0+$0xE528];
	[tilespmem:s0+$0xE518] =	vst v0  }
0x21b: {  	v0 =	vld [tilespmem:s4+$0xE528];
	_ =	sdelay $0x4  }
0x21c: {  	v0 =	vmax.f32 v0, v63  }
0x21d: {  	[tilespmem:s0+$0xE528] =	vst v0  }
.LBB2_42:
0x21e: {  	s12 =	sadd.s32 $0x1, s12  }
0x21f: {  	p1 =	sne.s32 s12, $0x20  }
.Ltmp26:
0x220: {  	_ = 	snop;
	(pc) =	sbr.rel @!p1 .LBB2_43-.Ltmp26, $1  }
0x221: {  	_ =	sdelay $0x3  }
.LBB2_32:
0x222: {  	v0 =	vld.msk [tilespmem:s12+$0xE418], $0x1;
	_ =	sdelay $0x4  }
0x223: {  	(v2sf) =	vpush v0, $0x0;
	_ =	sdelay $0xe  }
0x224: {  	s0 =	spop (v2sf)  }
0x225: {  	p1 =	seq.s32 s0, $0xFFFFFFFF  }
.Ltmp27:
0x226: {  	_ = 	snop;
	(pc) =	sbr.rel @p1 .LBB2_42-.Ltmp27, $1  }
0x227: {  	_ =	sdelay $0x3  }
0x228: {  	p1 =	slt.s32 s6, $0x1  }
.Ltmp28:
0x229: {  	_ = 	snop;
	(pc) =	sbr.rel @p1 .LBB2_38-.Ltmp28, $1  }
0x22a: {  	_ =	sdelay $0x3  }
0x22b: {  	s4 =	simm.s32 $0xE418;
	p1 =	por $0x0, $0x0  }
0x22c: {  	v1 =	vld.msk @!p1 [tilespmem:s4+$0x0], $0x1;
	_ =	sdelay $0x4  }
0x22d: {  	(v2sf) =	vpush @!p1 v1, $0x0;
	_ =	sdelay $0xd  }
0x22e: {  	p3 =	sne.s32 s6, $0x1  }
.Ltmp29:
0x22f: {  	s2 =	spop @!p1 (v2sf);
	(pc) =	sbr.rel @!p3 .LBB2_36-.Ltmp29, $4  }
0x230: {  	p2 =	seq.s32 @!p1 s0, s2  }
0x231: {  	s5 =	simm.s32 $0x0;
	p2 =	por !p2, p1  }
0x232: {  	s2 =	simm.s32 $0xFFFFFFFF;
	s5 =	simm.s32 @p2 $0xFFFFFFFF  }
0x233: {  	s13 =	simm.s32 $0x1;
	s5 =	smov.u32 @p1 s2  }
.LBB2_35:
0x234: {  	s2 =	smov.u32 s5;
	p1 =	sne.s32 s5, $0xFFFFFFFF  }
0x235: {  	s4 =	sadd.s32 $0x1, s4;
	s5 =	smov.u32 s13;
	s13 =	sadd.s32 $0x1, s13  }
0x236: {  	p2 =	sne.s32 s6, s13;
	v1 =	vld.msk @!p1 [tilespmem:s4+$0x0], $0x1;
	_ =	sdelay $0x4  }
0x237: {  	(v2sf) =	vpush @!p1 v1, $0x0;
	_ =	sdelay $0xe  }
.Ltmp30:
0x238: {  	s3 =	spop @!p1 (v2sf);
	(pc) =	sbr.rel @p2 .LBB2_35-.Ltmp30, $4  }
0x239: {  	p3 =	seq.s32 @!p1 s0, s3  }
0x23a: {  	p3 =	por !p3, p1  }
0x23b: {  	s5 =	simm.s32 @p3 $0xFFFFFFFF  }
0x23c: {  	s5 =	smov.u32 @p1 s2  }
.LBB2_36:
0x23d: {  	p1 =	seq.s32 s5, $0xFFFFFFFF  }
.Ltmp31:
0x23e: {  	_ = 	snop;
	(pc) =	sbr.rel @!p1 .LBB2_37-.Ltmp31, $1  }
0x23f: {  	_ =	sdelay $0x3  }
.LBB2_38:
0x240: {  	p1 =	sgt.u32 s0, $0x4E170  }
0x241: {  	p2 =	seq.s32 @!p1 s0, s8  }
0x242: {  	p1 =	por p1, p2  }
0x243: {  	p2 =	sne.s32 @!p1 s0, s7  }
0x244: {  	p1 =	por p1, !p2  }
.Ltmp32:
0x245: {  	_ = 	snop;
	(pc) =	sbr.rel @p1 .LBB2_39-.Ltmp32, $1  }
0x246: {  	_ =	sdelay $0x3  }
0x247: {  	s2 =	sand.u32 $0x7FFF8, s0;
	s31 =	sadd.s32 $0x80, s0  }
0x248: {  	s3 =	sand.u32 $0x7, s0;
	s2 =	sadd.s32 s1, s2;
	s0 =	sand.u32 $0xFFFF8, s31  }
0x249: {  	[tilespmem:s10], [sflag:$0x6] =	stream.linear.gather [hbm4b:s2+s3], $0x80, $0x38;
	[tilespmem:$0x1E678] =	vst v63  }
0x24a: {  	s0 =	sadd.s32 s1, s0  }
0x24b: {  	[tilespmem:s11], [sflag:$0x6] =	stream.linear.gather [hbm4b:s0+s3], $0x80, $0x38;
	[tilespmem:$0x1E678] =	vst v63  }
0x24c: {  	_ =	swait.ge [sflag:s9], $0x100  }
0x24d: {  	[sflag:s9] =	ssyncset.done $0x0  }
0x24e: {  	s0 =	sshll.u32 s12, $0xA;
	[sflag:s9] =	ssyncadd.s32 $0xFFFFFF00  }
0x24f: {  	s4 =	sshrl.u32 s0, $0x2;
	v1 =	vld [tilespmem:$0xE308]  }
0x250: {  	v2 =	vld [tilespmem:s4+$0xE438];
	_ =	sdelay $0x4  }
0x251: {  	v1 =	vmax.f32 v1, v2  }
0x252: {  	v2 =	vld [tilespmem:s4+$0xE448];
	[tilespmem:s4+$0xE438] =	vst v1  }
0x253: {  	v1 =	vld [tilespmem:$0xE318];
	_ =	sdelay $0x4  }
0x254: {  	v1 =	vmax.f32 v1, v2  }
0x255: {  	v2 =	vld [tilespmem:s4+$0xE458];
	[tilespmem:s4+$0xE448] =	vst v1  }
0x256: {  	v1 =	vld [tilespmem:$0xE328];
	_ =	sdelay $0x4  }
0x257: {  	v1 =	vmax.f32 v1, v2  }
0x258: {  	v2 =	vld [tilespmem:s4+$0xE468];
	[tilespmem:s4+$0xE458] =	vst v1  }
0x259: {  	v1 =	vld [tilespmem:$0xE338];
	_ =	sdelay $0x4  }
0x25a: {  	v1 =	vmax.f32 v1, v2  }
0x25b: {  	v2 =	vld [tilespmem:s4+$0xE478];
	[tilespmem:s4+$0xE468] =	vst v1  }
0x25c: {  	v1 =	vld [tilespmem:$0xE348];
	_ =	sdelay $0x4  }
0x25d: {  	v1 =	vmax.f32 v1, v2  }
0x25e: {  	v2 =	vld [tilespmem:s4+$0xE488];
	[tilespmem:s4+$0xE478] =	vst v1  }
0x25f: {  	v1 =	vld [tilespmem:$0xE358];
	_ =	sdelay $0x4  }
0x260: {  	v1 =	vmax.f32 v1, v2  }
0x261: {  	v2 =	vld [tilespmem:s4+$0xE498];
	[tilespmem:s4+$0xE488] =	vst v1  }
0x262: {  	v1 =	vld [tilespmem:$0xE368];
	_ =	sdelay $0x4  }
0x263: {  	v1 =	vmax.f32 v1, v2  }
0x264: {  	v2 =	vld [tilespmem:s4+$0xE4A8];
	[tilespmem:s4+$0xE498] =	vst v1  }
0x265: {  	v1 =	vld [tilespmem:$0xE378];
	_ =	sdelay $0x4  }
0x266: {  	v1 =	vmax.f32 v1, v2  }
0x267: {  	v2 =	vld [tilespmem:s4+$0xE4B8];
	[tilespmem:s4+$0xE4A8] =	vst v1  }
0x268: {  	v1 =	vld [tilespmem:$0xE388];
	_ =	sdelay $0x4  }
0x269: {  	v1 =	vmax.f32 v1, v2  }
0x26a: {  	v2 =	vld [tilespmem:s4+$0xE4C8];
	[tilespmem:s4+$0xE4B8] =	vst v1  }
0x26b: {  	v1 =	vld [tilespmem:$0xE398];
	_ =	sdelay $0x4  }
0x26c: {  	v1 =	vmax.f32 v1, v2  }
0x26d: {  	v2 =	vld [tilespmem:s4+$0xE4D8];
	[tilespmem:s4+$0xE4C8] =	vst v1  }
0x26e: {  	v1 =	vld [tilespmem:$0xE3A8];
	_ =	sdelay $0x4  }
0x26f: {  	v1 =	vmax.f32 v1, v2  }
0x270: {  	v2 =	vld [tilespmem:s4+$0xE4E8];
	[tilespmem:s4+$0xE4D8] =	vst v1  }
0x271: {  	v1 =	vld [tilespmem:$0xE3B8];
	_ =	sdelay $0x4  }
0x272: {  	v1 =	vmax.f32 v1, v2  }
0x273: {  	v2 =	vld [tilespmem:s4+$0xE4F8];
	[tilespmem:s4+$0xE4E8] =	vst v1  }
0x274: {  	v1 =	vld [tilespmem:$0xE3C8];
	_ =	sdelay $0x4  }
0x275: {  	v1 =	vmax.f32 v1, v2  }
0x276: {  	v2 =	vld [tilespmem:s4+$0xE508];
	[tilespmem:s4+$0xE4F8] =	vst v1  }
0x277: {  	v1 =	vld [tilespmem:$0xE3D8];
	_ =	sdelay $0x4  }
0x278: {  	v1 =	vmax.f32 v1, v2  }
0x279: {  	v2 =	vld [tilespmem:s4+$0xE518];
	[tilespmem:s4+$0xE508] =	vst v1  }
0x27a: {  	v1 =	vld [tilespmem:$0xE3E8];
	_ =	sdelay $0x4  }
0x27b: {  	v1 =	vmax.f32 v1, v2  }
0x27c: {  	v2 =	vld [tilespmem:s4+$0xE528];
	[tilespmem:s4+$0xE518] =	vst v1  }
0x27d: {  	v1 =	vld [tilespmem:$0xE3F8];
	_ =	sdelay $0x4  }
0x27e: {  	v1 =	vmax.f32 v1, v2  }
0x27f: {  	[tilespmem:s4+$0xE528] =	vst v1  }
.LBB2_41:
0x280: {  	[tilespmem:s6+$0xE418] =	vst.msk $0x1, v0;
	s0 =	sshrl.u32 s0, $0x2  }
0x281: {  	v0 =	vld [tilespmem:s0+$0xE438];
	_ =	sdelay $0x2  }
0x282: {  	s2 =	sshll.u32 s6, $0xA  }
0x283: {  	s2 =	sshra.s32 s2, $0x2  }
0x284: {  	[tilespmem:s2+$0xE438] =	vst v0  }
0x285: {  	v0 =	vld [tilespmem:s0+$0xE448];
	_ =	sdelay $0x4  }
0x286: {  	[tilespmem:s2+$0xE448] =	vst v0  }
0x287: {  	v0 =	vld [tilespmem:s0+$0xE458];
	_ =	sdelay $0x4  }
0x288: {  	[tilespmem:s2+$0xE458] =	vst v0  }
0x289: {  	v0 =	vld [tilespmem:s0+$0xE468];
	_ =	sdelay $0x4  }
0x28a: {  	[tilespmem:s2+$0xE468] =	vst v0  }
0x28b: {  	v0 =	vld [tilespmem:s0+$0xE478];
	_ =	sdelay $0x4  }
0x28c: {  	[tilespmem:s2+$0xE478] =	vst v0  }
0x28d: {  	v0 =	vld [tilespmem:s0+$0xE488];
	_ =	sdelay $0x4  }
0x28e: {  	[tilespmem:s2+$0xE488] =	vst v0  }
0x28f: {  	v0 =	vld [tilespmem:s0+$0xE498];
	_ =	sdelay $0x4  }
0x290: {  	[tilespmem:s2+$0xE498] =	vst v0  }
0x291: {  	v0 =	vld [tilespmem:s0+$0xE4A8];
	_ =	sdelay $0x4  }
0x292: {  	[tilespmem:s2+$0xE4A8] =	vst v0  }
0x293: {  	v0 =	vld [tilespmem:s0+$0xE4B8];
	_ =	sdelay $0x4  }
0x294: {  	[tilespmem:s2+$0xE4B8] =	vst v0  }
0x295: {  	v0 =	vld [tilespmem:s0+$0xE4C8];
	_ =	sdelay $0x4  }
0x296: {  	[tilespmem:s2+$0xE4C8] =	vst v0  }
0x297: {  	v0 =	vld [tilespmem:s0+$0xE4D8];
	_ =	sdelay $0x4  }
0x298: {  	[tilespmem:s2+$0xE4D8] =	vst v0  }
0x299: {  	v0 =	vld [tilespmem:s0+$0xE4E8];
	_ =	sdelay $0x4  }
0x29a: {  	[tilespmem:s2+$0xE4E8] =	vst v0  }
0x29b: {  	v0 =	vld [tilespmem:s0+$0xE4F8];
	_ =	sdelay $0x4  }
0x29c: {  	[tilespmem:s2+$0xE4F8] =	vst v0  }
0x29d: {  	v0 =	vld [tilespmem:s0+$0xE508];
	_ =	sdelay $0x4  }
0x29e: {  	[tilespmem:s2+$0xE508] =	vst v0  }
0x29f: {  	v0 =	vld [tilespmem:s0+$0xE518];
	_ =	sdelay $0x4  }
0x2a0: {  	[tilespmem:s2+$0xE518] =	vst v0  }
0x2a1: {  	v0 =	vld [tilespmem:s0+$0xE528]  }
.Ltmp33:
0x2a2: {  	_ = 	snop;
	(pc) =	sbr.rel .LBB2_42-.Ltmp33, $2  }
0x2a3: {  	_ =	sdelay $0x2  }
0x2a4: {  	s6 =	sadd.s32 $0x1, s6;
	[tilespmem:s2+$0xE528] =	vst v0  }
.LBB2_39:
.Ltmp34:
0x2a5: {  	(pc) =	sbr.rel .LBB2_41-.Ltmp34, $2  }
0x2a6: {  	_ =	sdelay $0x2  }
0x2a7: {  	s0 =	sshll.u32 s12, $0xA  }
.LBB2_43:
0x2a8: {  	s0 =	simm.s32 $0x6;
	p1 =	seq.s32 s6, $0x0  }
0x2a9: {  	[sflag:s0] =	ssyncpa.u1 $0x1;
	v0 =	vimm.s32 @p1 $0xFFFFFFFF  }
0x2aa: {  	s0 =	sadd.s32 $0xFFFFFFFF, s6;
	[tilespmem:$0x10438] =	vst @p1 v0  }
0x2ab: {  	v0 =	vld.msk @!p1 [tilespmem:s0+$0xE418], $0x1;
	_ =	sdelay $0x1  }
0x2ac: {  	v1 =	vld.msk @!p1 [tilespmem:$0xE418], $0x1;
	_ =	sdelay $0x2  }
0x2ad: {  	p2 =	seq.s32 @!p1 s0, $0x0;
	v0 =	vbroadcast @!p1 v0, $0x0  }
0x2ae: {  	vm0 =	vmmov @!p1 $0x1;
	p2 =	por !p2, p1  }
0x2af: {  	v1 =	vnsel @!p1 vm0, $0xFFFFFFFF, v1;
	vm0 =	vcmask @!p1 $0x308;
	v0 =	vpsel !p2, $0xFFFFFFFF, v0  }
0x2b0: {  	p2 =	sne.s32 @!p1 s8, s7;
	v0 =	vsel @!p1 vm0, v1, v0  }
0x2b1: {  	s2 =	simm.s32 @!p1 $0xE438;
	s3 =	simm.s32 @!p1 $0x0;
	p3 =	por !p2, p1;
	[tilespmem:$0x10438] =	vst @!p1 v0  }
0x2b2: {  	[spmem:s3] =	stream.linear.scatter @!p1 [tilespmem:s2], [sflag:$0x1], $0x100, $0x38;
	[tilespmem:$0x1E678] =	vst v63  }
0x2b3: {  	s2 =	sshll.u32 @!p3 s0, $0xA  }
0x2b4: {  	s2 =	sshra.s32 @!p3 s2, $0x2  }
0x2b5: {  	s3 =	simm.s32 @!p3 $0x100;
	s2 =	sadd.s32 @!p3 $0xE438, s2  }
0x2b6: {  	[spmem:s3] =	stream.linear.scatter @!p3 [tilespmem:s2], [sflag:$0x1], $0x100, $0x38;
	[tilespmem:$0x1E678] =	vst v63  }
0x2b7: {  	s2 =	simm.s32 @!p3 $0x1  }
0x2b8: {  	_ =	swait.ge @!p3 [sflag:s2], $0x200  }
0x2b9: {  	p1 =	por p2, p1;
	[sflag:s2] =	ssyncset.done @!p3 $0x0  }
0x2ba: {  	[sflag:s2] =	ssyncadd.s32 @!p3 $0xFFFFFE00;
	s2 =	simm.s32 @!p1 $0x1  }
0x2bb: {  	_ =	swait.ge @!p1 [sflag:s2], $0x100  }
0x2bc: {  	s29 =	simm.s32 $0x10438;
	[sflag:s2] =	ssyncset.done @!p1 $0x0  }
0x2bd: {  	s30 =	simm.s32 $0x2000;
	s31 =	simm.s32 $0x1;
	[sflag:s2] =	ssyncadd.s32 @!p1 $0xFFFFFF00  }
0x2be: {  	[spmem:s30] =	stream.linear.scatter [tilespmem:s29], [sflag:$0x1], $0x10, $0x38;
	[tilespmem:$0x1E678] =	vst v63  }
0x2bf: {  	_ =	swait.ge [sflag:s31], $0x10  }
0x2c0: {  	[sflag:s31] =	ssyncset.done $0x0  }
0x2c1: {  	p1 =	seq.s32 s14, $0x0;
	s9 =	rddreg [dreg:$0x1];
	[sflag:s31] =	ssyncadd.s32 $0xFFFFFFF0  }
0x2c2: {  	s3 =	sshll.u32 @p1 s9, $0xE;
	s8 =	rddreg [dreg:$0x2]  }
0x2c3: {  	s2 =	sadd.s32 @p1 $0x15C3C, s3;
	s3 =	sshll.u32 @p1 s8, $0x11  }
0x2c4: {  	_ =	sfence.stream.spmem;
	s2 =	sor.u32 @p1 s3, s2  }
0x2c5: {  	[sflag:s2] =	ssyncadd.remote.s32 @p1 $0x1;
	s2 =	simm.s32 @p1 $0x4  }
0x2c6: {  	s4 =	simm.s32 @!p1 $0x3C;
	s3 =	sand.u32 $0xFFFFFFFE, s9;
	_ =	swait.ge @p1 [sflag:s2], $0x42  }
0x2c7: {  	s5 =	simm.s32 @!p1 $0x0;
	s3 =	sadd.s32 @!p1 $0x4, s3;
	[sflag:s2] =	ssyncset.done @p1 $0x0  }
0x2c8: {  	s7 =	simm.s32 @!p1 $0x200;
	[sflag:s2] =	ssyncadd.s32 @p1 $0xFFFFFFBE;
	s2 =	sshll.u32 @!p1 s3, $0x1A  }
0x2c9: {  	s3 =	sshll.u32 @!p1 s3, $0xD;
	s2 =	sor.u32 @!p1 s2, s8;
	_ =	swait.eq @!p1 [sflag:s4], $0x1  }
0x2ca: {  	s3 =	sor.u32 @!p1 $0x1C04, s3;
	s4 =	simm.s32 @!p1 $0x1C03;
	s2 =	sor.u32 @!p1 $0x80004000, s2  }
0x2cb: {  	[spmem:s7], [sflag:s3] =	dma.general @!p1 [spmem:s5], [sflag:s4], length:$0x40, [dreg:$0x0], stride_count:$0x0, ici_dest:s2, dma_misc:DstOpCode:WRITE  }
0x2cc: {  	p2 =	slt.s32 s0, $0x2;
	s5 =	simm.s32 @!p1 $0x400;
	s7 =	simm.s32 @!p1 $0x402  }
0x2cd: {  	[spmem:s7], [sflag:s3] =	dma.general @!p1 [spmem:s5], [sflag:s4], length:$0x2, [dreg:$0x0], stride_count:$0x0, ici_dest:s2, dma_misc:DstOpCode:WRITE  }
.Ltmp35:
0x2ce: {  	s2 =	simm.s32 @!p1 $0x3;
	(pc) =	sbr.rel @p2 .LBB2_47-.Ltmp35, $4  }
0x2cf: {  	s3 =	sshll.u32 @!p1 s9, $0xE;
	_ =	swait.ge @!p1 [sflag:s2], $0x42  }
0x2d0: {  	s4 =	sshll.u32 @!p1 s8, $0x11;
	s3 =	sadd.s32 @!p1 $0x11C3C, s3;
	[sflag:s2] =	ssyncset.done @!p1 $0x0  }
0x2d1: {  	[sflag:s2] =	ssyncadd.s32 @!p1 $0xFFFFFFBE;
	s2 =	sor.u32 @!p1 s4, s3  }
0x2d2: {  	s0 =	simm.s32 $0x0;
	[sflag:s2] =	ssyncadd.remote.s32 @!p1 $0xFFFFFFFF  }
0x2d3: {  	s0 =	simm.s32 $0xE419  }
0x2d4: {  	v0 =	vld.msk [tilespmem:s0+$0x0], $0x1;
	_ =	sdelay $0x4  }
0x2d5: {  	(v2sf) =	vpush v0, $0x0;
	_ =	sdelay $0xd  }
0x2d6: {  	s31 =	sadd.s32 $0xFFFFFFFE, s6  }
0x2d7: {  	s6 =	simm.s32 $0x0;
	s0 =	sadd.s32 $0xFFFFFFFF, s31;
	s2 =	spop (v2sf)  }
0x2d8: {  	s3 =	simm.s32 $0xE538;
	p1 =	sne.s32 s0, $0x0;
	p2 =	sgt.u32 s2, $0x4E170  }
.Ltmp36:
0x2d9: {  	s4 =	simm.s32 $0xE638;
	s5 =	sand.u32 @!p2 $0x7FFF8, s2;
	(pc) =	sbr.rel @!p1 .LBB2_46-.Ltmp36, $4  }
0x2da: {  	s7 =	sadd.s32 @!p2 $0x80, s2;
	s2 =	sand.u32 @!p2 $0x7, s2;
	s6 =	simm.s32 @!p2 $0x400  }
0x2db: {  	s5 =	sadd.s32 @!p2 s1, s5;
	s7 =	sand.u32 @!p2 $0xFFFF8, s7;
	s6 =	sadd.s32 $0x0, s6  }
0x2dc: {  	[hbm4b:s5+s2] =	stream.linear.scatter @!p2 [tilespmem:s3], [sflag:$0x5], $0x80, $0x38;
	[tilespmem:$0x1E678] =	vst v63  }
0x2dd: {  	s5 =	simm.s32 $0xE41A;
	s3 =	simm.s32 @!p2 $0xE5B8;
	s7 =	sadd.s32 @!p2 s1, s7  }
.LBB2_45:
0x2de: {  	[hbm4b:s7+s2] =	stream.linear.scatter @!p2 [tilespmem:s3], [sflag:$0x5], $0x80, $0x38;
	[tilespmem:$0x1E678] =	vst v63  }
0x2df: {  	s0 =	sadd.s32 $0xFFFFFFFF, s0;
	s3 =	smov.u32 s4;
	v0 =	vld.msk [tilespmem:s5+$0x0], $0x1  }
0x2e0: {  	p1 =	sne.s32 s0, $0x0;
	_ =	sdelay $0x3  }
0x2e1: {  	(v2sf) =	vpush v0, $0x0;
	_ =	sdelay $0xe  }
0x2e2: {  	s4 =	sadd.s32 $0x100, s4;
	s8 =	simm.s32 $0x0;
	s2 =	spop (v2sf)  }
.Ltmp37:
0x2e3: {  	s5 =	sadd.s32 $0x1, s5;
	p2 =	sgt.u32 s2, $0x4E170;
	(pc) =	sbr.rel @p1 .LBB2_45-.Ltmp37, $4  }
0x2e4: {  	s8 =	simm.s32 @!p2 $0x400;
	s7 =	sand.u32 @!p2 $0x7FFF8, s2;
	s9 =	sadd.s32 @!p2 $0x80, s2  }
0x2e5: {  	s2 =	sand.u32 @!p2 $0x7, s2;
	s7 =	sadd.s32 @!p2 s1, s7;
	s9 =	sand.u32 @!p2 $0xFFFF8, s9  }
0x2e6: {  	[hbm4b:s7+s2] =	stream.linear.scatter @!p2 [tilespmem:s3], [sflag:$0x5], $0x80, $0x38;
	[tilespmem:$0x1E678] =	vst v63  }
0x2e7: {  	s6 =	sadd.s32 s6, s8;
	s3 =	sadd.s32 @!p2 $0x80, s3;
	s7 =	sadd.s32 @!p2 s1, s9  }
.LBB2_46:
0x2e8: {  	[hbm4b:s7+s2] =	stream.linear.scatter @!p2 [tilespmem:s3], [sflag:$0x5], $0x80, $0x38;
	[tilespmem:$0x1E678] =	vst v63  }
0x2e9: {  	s0 =	sshrl.u32 s6, $0x2  }
.LBB2_47:
0x2ea: {  	s2 =	simm.s32 $0x5  }
0x2eb: {  	_ =	swait.ge [sflag:s2], s0  }
0x2ec: {  	s31 =	ssub.s32 $0x0, s0;
	[sflag:s2] =	ssyncset.done $0x0  }
0x2ed: {  	[sflag:s2] =	ssyncadd.s32 s31  }
0x2ee: {  	[sflag:s2] =	ssyncpa.u1 $0x1  }
.LBB2_48:
0x2ef: {  	s0 =	sor.u32 s14, s15  }
0x2f0: {  	p1 =	sne.s32 s0, $0x0  }
.Ltmp38:
0x2f1: {  	_ = 	snop;
	(pc) =	sbr.rel @p1 .LBB2_66-.Ltmp38, $3  }
0x2f2: {  	_ =	sdelay $0x1  }
0x2f3: {  	[bflag:$0x0] =	sbarrier.arrive $0xFFFF  }
0x2f4: {  	_ =	sfence  }
0x2f5: {  	s0 =	simm.s32 $0x7  }
0x2f6: {  	s2 =	simm.s32 $0x2000;
	s3 =	simm.s32 $0xE418;
	[sflag:s0] =	ssyncpa.u1 $0x0  }
0x2f7: {  	[tilespmem:s3], [sflag:$0x7] =	stream.linear.gather [spmem:s2], $0x20, $0x38;
	[tilespmem:$0x1E678] =	vst v63  }
0x2f8: {  	s31 =	simm.s32 $0xE438;
	s2 =	simm.s32 $0x0  }
0x2f9: {  	[tilespmem:s31], [sflag:$0x7] =	stream.linear.gather [spmem:s2], $0x2000, $0x38;
	[tilespmem:$0x1E678] =	vst v63  }
.Ltmp39:
0x2fa: {  	_ = 	snop;
	(pc) =	sbr.rel .LBB2_50-.Ltmp39, $4  }
0x2fb: {  	_ =	swait.ge [sflag:s0], $0x2020  }
0x2fc: {  	[sflag:s0] =	ssyncset.done $0x0  }
0x2fd: {  	s4 =	simm.s32 $0xE308;
	s3 =	simm.s32 $0x8;
	[sflag:s0] =	ssyncadd.s32 $0xFFFFDFE0  }
0x2fe: {  	s5 =	simm.s32 $0xE388;
	s6 =	simm.s32 $0x0;
	[sflag:s3] =	ssyncpa.u1 $0x0  }
.LBB2_58:
0x2ff: {  	s7 =	sand.u32 $0x7FFF8, s0;
	s30 =	sadd.s32 $0x80, s0  }
0x300: {  	s8 =	sand.u32 $0x7, s0;
	s7 =	sadd.s32 s1, s7;
	s0 =	sand.u32 $0xFFFF8, s30  }
0x301: {  	[tilespmem:s4], [sflag:$0x8] =	stream.linear.gather [hbm4b:s7+s8], $0x80, $0x38;
	[tilespmem:$0x1E678] =	vst v63  }
0x302: {  	s0 =	sadd.s32 s1, s0  }
0x303: {  	[tilespmem:s5], [sflag:$0x8] =	stream.linear.gather [hbm4b:s0+s8], $0x80, $0x38;
	[tilespmem:$0x1E678] =	vst v63  }
0x304: {  	_ =	swait.ge [sflag:s3], $0x100  }
0x305: {  	[sflag:s3] =	ssyncset.done $0x0  }
0x306: {  	s0 =	sshll.u32 s6, $0xA;
	[sflag:s3] =	ssyncadd.s32 $0xFFFFFF00  }
0x307: {  	s31 =	sshrl.u32 s0, $0x2;
	v1 =	vld [tilespmem:$0xE308]  }
0x308: {  	v2 =	vld [tilespmem:s31+$0xE438];
	_ =	sdelay $0x4  }
0x309: {  	v1 =	vmax.f32 v1, v2  }
0x30a: {  	v2 =	vld [tilespmem:s31+$0xE448];
	[tilespmem:s31+$0xE438] =	vst v1  }
0x30b: {  	v1 =	vld [tilespmem:$0xE318];
	_ =	sdelay $0x4  }
0x30c: {  	v1 =	vmax.f32 v1, v2  }
0x30d: {  	v2 =	vld [tilespmem:s31+$0xE458];
	[tilespmem:s31+$0xE448] =	vst v1  }
0x30e: {  	v1 =	vld [tilespmem:$0xE328];
	_ =	sdelay $0x4  }
0x30f: {  	v1 =	vmax.f32 v1, v2  }
0x310: {  	v2 =	vld [tilespmem:s31+$0xE468];
	[tilespmem:s31+$0xE458] =	vst v1  }
0x311: {  	v1 =	vld [tilespmem:$0xE338];
	_ =	sdelay $0x4  }
0x312: {  	v1 =	vmax.f32 v1, v2  }
0x313: {  	v2 =	vld [tilespmem:s31+$0xE478];
	[tilespmem:s31+$0xE468] =	vst v1  }
0x314: {  	v1 =	vld [tilespmem:$0xE348];
	_ =	sdelay $0x4  }
0x315: {  	v1 =	vmax.f32 v1, v2  }
0x316: {  	v2 =	vld [tilespmem:s31+$0xE488];
	[tilespmem:s31+$0xE478] =	vst v1  }
0x317: {  	v1 =	vld [tilespmem:$0xE358];
	_ =	sdelay $0x4  }
0x318: {  	v1 =	vmax.f32 v1, v2  }
0x319: {  	v2 =	vld [tilespmem:s31+$0xE498];
	[tilespmem:s31+$0xE488] =	vst v1  }
0x31a: {  	v1 =	vld [tilespmem:$0xE368];
	_ =	sdelay $0x4  }
0x31b: {  	v1 =	vmax.f32 v1, v2  }
0x31c: {  	v2 =	vld [tilespmem:s31+$0xE4A8];
	[tilespmem:s31+$0xE498] =	vst v1  }
0x31d: {  	v1 =	vld [tilespmem:$0xE378];
	_ =	sdelay $0x4  }
0x31e: {  	v1 =	vmax.f32 v1, v2  }
0x31f: {  	v2 =	vld [tilespmem:s31+$0xE4B8];
	[tilespmem:s31+$0xE4A8] =	vst v1  }
0x320: {  	v1 =	vld [tilespmem:$0xE388];
	_ =	sdelay $0x4  }
0x321: {  	v1 =	vmax.f32 v1, v2  }
0x322: {  	v2 =	vld [tilespmem:s31+$0xE4C8];
	[tilespmem:s31+$0xE4B8] =	vst v1  }
0x323: {  	v1 =	vld [tilespmem:$0xE398];
	_ =	sdelay $0x4  }
0x324: {  	v1 =	vmax.f32 v1, v2  }
0x325: {  	v2 =	vld [tilespmem:s31+$0xE4D8];
	[tilespmem:s31+$0xE4C8] =	vst v1  }
0x326: {  	v1 =	vld [tilespmem:$0xE3A8];
	_ =	sdelay $0x4  }
0x327: {  	v1 =	vmax.f32 v1, v2  }
0x328: {  	v2 =	vld [tilespmem:s31+$0xE4E8];
	[tilespmem:s31+$0xE4D8] =	vst v1  }
0x329: {  	v1 =	vld [tilespmem:$0xE3B8];
	_ =	sdelay $0x4  }
0x32a: {  	v1 =	vmax.f32 v1, v2  }
0x32b: {  	v2 =	vld [tilespmem:s31+$0xE4F8];
	[tilespmem:s31+$0xE4E8] =	vst v1  }
0x32c: {  	v1 =	vld [tilespmem:$0xE3C8];
	_ =	sdelay $0x4  }
0x32d: {  	v1 =	vmax.f32 v1, v2  }
0x32e: {  	v2 =	vld [tilespmem:s31+$0xE508];
	[tilespmem:s31+$0xE4F8] =	vst v1  }
0x32f: {  	v1 =	vld [tilespmem:$0xE3D8];
	_ =	sdelay $0x4  }
0x330: {  	v1 =	vmax.f32 v1, v2  }
0x331: {  	v2 =	vld [tilespmem:s31+$0xE518];
	[tilespmem:s31+$0xE508] =	vst v1  }
0x332: {  	v1 =	vld [tilespmem:$0xE3E8];
	_ =	sdelay $0x4  }
0x333: {  	v1 =	vmax.f32 v1, v2  }
0x334: {  	v2 =	vld [tilespmem:s31+$0xE528];
	[tilespmem:s31+$0xE518] =	vst v1  }
0x335: {  	v1 =	vld [tilespmem:$0xE3F8];
	_ =	sdelay $0x4  }
0x336: {  	v1 =	vmax.f32 v1, v2  }
0x337: {  	[tilespmem:s31+$0xE528] =	vst v1  }
.LBB2_59:
0x338: {  	[tilespmem:s2+$0xE418] =	vst.msk $0x1, v0;
	s0 =	sshrl.u32 s0, $0x2  }
0x339: {  	v0 =	vld [tilespmem:s0+$0xE438];
	_ =	sdelay $0x2  }
0x33a: {  	s7 =	sshll.u32 s2, $0xA  }
0x33b: {  	s7 =	sshra.s32 s7, $0x2  }
0x33c: {  	[tilespmem:s7+$0xE438] =	vst v0  }
0x33d: {  	v0 =	vld [tilespmem:s0+$0xE448];
	_ =	sdelay $0x4  }
0x33e: {  	[tilespmem:s7+$0xE448] =	vst v0  }
0x33f: {  	v0 =	vld [tilespmem:s0+$0xE458];
	_ =	sdelay $0x4  }
0x340: {  	[tilespmem:s7+$0xE458] =	vst v0  }
0x341: {  	v0 =	vld [tilespmem:s0+$0xE468];
	_ =	sdelay $0x4  }
0x342: {  	[tilespmem:s7+$0xE468] =	vst v0  }
0x343: {  	v0 =	vld [tilespmem:s0+$0xE478];
	_ =	sdelay $0x4  }
0x344: {  	[tilespmem:s7+$0xE478] =	vst v0  }
0x345: {  	v0 =	vld [tilespmem:s0+$0xE488];
	_ =	sdelay $0x4  }
0x346: {  	[tilespmem:s7+$0xE488] =	vst v0  }
0x347: {  	v0 =	vld [tilespmem:s0+$0xE498];
	_ =	sdelay $0x4  }
0x348: {  	[tilespmem:s7+$0xE498] =	vst v0  }
0x349: {  	v0 =	vld [tilespmem:s0+$0xE4A8];
	_ =	sdelay $0x4  }
0x34a: {  	[tilespmem:s7+$0xE4A8] =	vst v0  }
0x34b: {  	v0 =	vld [tilespmem:s0+$0xE4B8];
	_ =	sdelay $0x4  }
0x34c: {  	[tilespmem:s7+$0xE4B8] =	vst v0  }
0x34d: {  	v0 =	vld [tilespmem:s0+$0xE4C8];
	_ =	sdelay $0x4  }
0x34e: {  	[tilespmem:s7+$0xE4C8] =	vst v0  }
0x34f: {  	v0 =	vld [tilespmem:s0+$0xE4D8];
	_ =	sdelay $0x4  }
0x350: {  	[tilespmem:s7+$0xE4D8] =	vst v0  }
0x351: {  	v0 =	vld [tilespmem:s0+$0xE4E8];
	_ =	sdelay $0x4  }
0x352: {  	[tilespmem:s7+$0xE4E8] =	vst v0  }
0x353: {  	v0 =	vld [tilespmem:s0+$0xE4F8];
	_ =	sdelay $0x4  }
0x354: {  	[tilespmem:s7+$0xE4F8] =	vst v0  }
0x355: {  	v0 =	vld [tilespmem:s0+$0xE508];
	_ =	sdelay $0x4  }
0x356: {  	[tilespmem:s7+$0xE508] =	vst v0  }
0x357: {  	v0 =	vld [tilespmem:s0+$0xE518];
	_ =	sdelay $0x4  }
0x358: {  	[tilespmem:s7+$0xE518] =	vst v0  }
0x359: {  	v0 =	vld [tilespmem:s0+$0xE528];
	_ =	sdelay $0x4  }
0x35a: {  	s2 =	sadd.s32 $0x1, s2;
	[tilespmem:s7+$0xE528] =	vst v0  }
.LBB2_60:
0x35b: {  	s6 =	sadd.s32 $0x1, s6  }
0x35c: {  	p1 =	sne.s32 s6, $0x20  }
.Ltmp40:
0x35d: {  	_ = 	snop;
	(pc) =	sbr.rel @!p1 .LBB2_61-.Ltmp40, $1  }
0x35e: {  	_ =	sdelay $0x3  }
.LBB2_50:
0x35f: {  	v0 =	vld.msk [tilespmem:s6+$0xE418], $0x1;
	_ =	sdelay $0x4  }
0x360: {  	(v2sf) =	vpush v0, $0x0;
	_ =	sdelay $0xe  }
0x361: {  	s0 =	spop (v2sf)  }
0x362: {  	p1 =	seq.s32 s0, $0xFFFFFFFF  }
.Ltmp41:
0x363: {  	_ = 	snop;
	(pc) =	sbr.rel @p1 .LBB2_60-.Ltmp41, $1  }
0x364: {  	_ =	sdelay $0x3  }
0x365: {  	p1 =	slt.s32 s2, $0x1  }
.Ltmp42:
0x366: {  	_ = 	snop;
	(pc) =	sbr.rel @p1 .LBB2_56-.Ltmp42, $1  }
0x367: {  	_ =	sdelay $0x3  }
0x368: {  	s7 =	simm.s32 $0xE418;
	p1 =	por $0x0, $0x0  }
0x369: {  	v1 =	vld.msk @!p1 [tilespmem:s7+$0x0], $0x1;
	_ =	sdelay $0x4  }
0x36a: {  	(v2sf) =	vpush @!p1 v1, $0x0;
	_ =	sdelay $0xd  }
0x36b: {  	p3 =	sne.s32 s2, $0x1  }
.Ltmp43:
0x36c: {  	s8 =	spop @!p1 (v2sf);
	(pc) =	sbr.rel @!p3 .LBB2_54-.Ltmp43, $4  }
0x36d: {  	p2 =	seq.s32 @!p1 s0, s8  }
0x36e: {  	s8 =	simm.s32 $0x0;
	p2 =	por !p2, p1  }
0x36f: {  	s10 =	simm.s32 $0xFFFFFFFF;
	s8 =	simm.s32 @p2 $0xFFFFFFFF  }
0x370: {  	s9 =	simm.s32 $0x1;
	s8 =	smov.u32 @p1 s10  }
.LBB2_53:
0x371: {  	s10 =	smov.u32 s8;
	p1 =	sne.s32 s8, $0xFFFFFFFF  }
0x372: {  	s7 =	sadd.s32 $0x1, s7;
	s8 =	smov.u32 s9;
	s9 =	sadd.s32 $0x1, s9  }
0x373: {  	p2 =	sne.s32 s2, s9;
	v1 =	vld.msk @!p1 [tilespmem:s7+$0x0], $0x1;
	_ =	sdelay $0x4  }
0x374: {  	(v2sf) =	vpush @!p1 v1, $0x0;
	_ =	sdelay $0xe  }
.Ltmp44:
0x375: {  	s11 =	spop @!p1 (v2sf);
	(pc) =	sbr.rel @p2 .LBB2_53-.Ltmp44, $4  }
0x376: {  	p3 =	seq.s32 @!p1 s0, s11  }
0x377: {  	p3 =	por !p3, p1  }
0x378: {  	s8 =	simm.s32 @p3 $0xFFFFFFFF  }
0x379: {  	s8 =	smov.u32 @p1 s10  }
.LBB2_54:
0x37a: {  	p1 =	seq.s32 s8, $0xFFFFFFFF  }
.Ltmp45:
0x37b: {  	_ = 	snop;
	(pc) =	sbr.rel @p1 .LBB2_56-.Ltmp45, $1  }
0x37c: {  	_ =	sdelay $0x3  }
0x37d: {  	s0 =	sshll.u32 s6, $0x8  }
0x37e: {  	s31 =	sshll.u32 s8, $0xA;
	s7 =	sand.u32 $0x3FFFFF00, s0  }
0x37f: {  	s0 =	sshra.s32 s31, $0x2;
	v0 =	vld [tilespmem:s7+$0xE438]  }
0x380: {  	v1 =	vld [tilespmem:s0+$0xE438];
	_ =	sdelay $0x4  }
0x381: {  	v0 =	vmax.f32 v0, v1  }
0x382: {  	v49 =	vld [tilespmem:s0+$0xE448];
	[tilespmem:s0+$0xE438] =	vst v0  }
0x383: {  	v0 =	vld [tilespmem:s7+$0xE448];
	_ =	sdelay $0x4  }
0x384: {  	v0 =	vmax.f32 v0, v49  }
0x385: {  	v50 =	vld [tilespmem:s0+$0xE458];
	[tilespmem:s0+$0xE448] =	vst v0  }
0x386: {  	v0 =	vld [tilespmem:s7+$0xE458];
	_ =	sdelay $0x4  }
0x387: {  	v0 =	vmax.f32 v0, v50  }
0x388: {  	v51 =	vld [tilespmem:s0+$0xE468];
	[tilespmem:s0+$0xE458] =	vst v0  }
0x389: {  	v0 =	vld [tilespmem:s7+$0xE468];
	_ =	sdelay $0x4  }
0x38a: {  	v0 =	vmax.f32 v0, v51  }
0x38b: {  	v52 =	vld [tilespmem:s0+$0xE478];
	[tilespmem:s0+$0xE468] =	vst v0  }
0x38c: {  	v0 =	vld [tilespmem:s7+$0xE478];
	_ =	sdelay $0x4  }
0x38d: {  	v0 =	vmax.f32 v0, v52  }
0x38e: {  	v53 =	vld [tilespmem:s0+$0xE488];
	[tilespmem:s0+$0xE478] =	vst v0  }
0x38f: {  	v0 =	vld [tilespmem:s7+$0xE488];
	_ =	sdelay $0x4  }
0x390: {  	v0 =	vmax.f32 v0, v53  }
0x391: {  	v54 =	vld [tilespmem:s0+$0xE498];
	[tilespmem:s0+$0xE488] =	vst v0  }
0x392: {  	v0 =	vld [tilespmem:s7+$0xE498];
	_ =	sdelay $0x4  }
0x393: {  	v0 =	vmax.f32 v0, v54  }
0x394: {  	v55 =	vld [tilespmem:s0+$0xE4A8];
	[tilespmem:s0+$0xE498] =	vst v0  }
0x395: {  	v0 =	vld [tilespmem:s7+$0xE4A8];
	_ =	sdelay $0x4  }
0x396: {  	v0 =	vmax.f32 v0, v55  }
0x397: {  	v56 =	vld [tilespmem:s0+$0xE4B8];
	[tilespmem:s0+$0xE4A8] =	vst v0  }
0x398: {  	v0 =	vld [tilespmem:s7+$0xE4B8];
	_ =	sdelay $0x4  }
0x399: {  	v0 =	vmax.f32 v0, v56  }
0x39a: {  	v57 =	vld [tilespmem:s0+$0xE4C8];
	[tilespmem:s0+$0xE4B8] =	vst v0  }
0x39b: {  	v0 =	vld [tilespmem:s7+$0xE4C8];
	_ =	sdelay $0x4  }
0x39c: {  	v0 =	vmax.f32 v0, v57  }
0x39d: {  	v58 =	vld [tilespmem:s0+$0xE4D8];
	[tilespmem:s0+$0xE4C8] =	vst v0  }
0x39e: {  	v0 =	vld [tilespmem:s7+$0xE4D8];
	_ =	sdelay $0x4  }
0x39f: {  	v0 =	vmax.f32 v0, v58  }
0x3a0: {  	v59 =	vld [tilespmem:s0+$0xE4E8];
	[tilespmem:s0+$0xE4D8] =	vst v0  }
0x3a1: {  	v0 =	vld [tilespmem:s7+$0xE4E8];
	_ =	sdelay $0x4  }
0x3a2: {  	v0 =	vmax.f32 v0, v59  }
0x3a3: {  	v60 =	vld [tilespmem:s0+$0xE4F8];
	[tilespmem:s0+$0xE4E8] =	vst v0  }
0x3a4: {  	v0 =	vld [tilespmem:s7+$0xE4F8];
	_ =	sdelay $0x4  }
0x3a5: {  	v0 =	vmax.f32 v0, v60  }
0x3a6: {  	v61 =	vld [tilespmem:s0+$0xE508];
	[tilespmem:s0+$0xE4F8] =	vst v0  }
0x3a7: {  	v0 =	vld [tilespmem:s7+$0xE508];
	_ =	sdelay $0x4  }
0x3a8: {  	v0 =	vmax.f32 v0, v61  }
0x3a9: {  	v62 =	vld [tilespmem:s0+$0xE518];
	[tilespmem:s0+$0xE508] =	vst v0  }
0x3aa: {  	v0 =	vld [tilespmem:s7+$0xE518];
	_ =	sdelay $0x4  }
0x3ab: {  	v0 =	vmax.f32 v0, v62  }
0x3ac: {  	v63 =	vld [tilespmem:s0+$0xE528];
	[tilespmem:s0+$0xE518] =	vst v0  }
0x3ad: {  	v0 =	vld [tilespmem:s7+$0xE528];
	_ =	sdelay $0x1  }
.Ltmp46:
0x3ae: {  	_ = 	snop;
	(pc) =	sbr.rel .LBB2_60-.Ltmp46, $3  }
0x3af: {  	_ =	sdelay $0x1  }
0x3b0: {  	v0 =	vmax.f32 v0, v63  }
0x3b1: {  	[tilespmem:s0+$0xE528] =	vst v0  }
.LBB2_56:
0x3b2: {  	p1 =	slt.u32 s0, $0x4E171  }
.Ltmp47:
0x3b3: {  	_ = 	snop;
	(pc) =	sbr.rel @p1 .LBB2_58-.Ltmp47, $1  }
0x3b4: {  	_ =	sdelay $0x3  }
.Ltmp48:
0x3b5: {  	(pc) =	sbr.rel .LBB2_59-.Ltmp48, $2  }
0x3b6: {  	_ =	sdelay $0x2  }
0x3b7: {  	s0 =	sshll.u32 s6, $0xA  }
.LBB2_61:
0x3b8: {  	p1 =	slt.s32 s2, $0x1  }
.Ltmp49:
0x3b9: {  	_ = 	snop;
	(pc) =	sbr.rel @p1 .LBB2_65-.Ltmp49, $3  }
0x3ba: {  	_ =	sdelay $0x1  }
0x3bb: {  	s0 =	simm.s32 $0x8  }
0x3bc: {  	s4 =	simm.s32 $0x0;
	[sflag:s0] =	ssyncpa.u1 $0x1  }
0x3bd: {  	s0 =	simm.s32 $0xE418  }
0x3be: {  	v0 =	vld.msk [tilespmem:s0+$0x0], $0x1;
	_ =	sdelay $0x4  }
0x3bf: {  	(v2sf) =	vpush v0, $0x0;
	_ =	sdelay $0xe  }
0x3c0: {  	s0 =	sadd.s32 $0xFFFFFFFF, s2;
	s3 =	spop (v2sf)  }
0x3c1: {  	s6 =	simm.s32 $0xE438;
	p1 =	sne.s32 s0, $0x0;
	p2 =	sgt.u32 s3, $0x4E170  }
.Ltmp50:
0x3c2: {  	s2 =	simm.s32 $0xE538;
	s5 =	sand.u32 @!p2 $0x7FFF8, s3;
	(pc) =	sbr.rel @!p1 .LBB2_64-.Ltmp50, $4  }
0x3c3: {  	s7 =	sadd.s32 @!p2 $0x80, s3;
	s4 =	simm.s32 @!p2 $0x400;
	s8 =	sadd.s32 @!p2 s1, s5  }
0x3c4: {  	s5 =	sand.u32 @!p2 $0x7, s3;
	s3 =	simm.s32 $0xE419;
	s7 =	sand.u32 @!p2 $0xFFFF8, s7  }
0x3c5: {  	[hbm4b:s8+s5] =	stream.linear.scatter @!p2 [tilespmem:s6], [sflag:$0x7], $0x80, $0x38;
	[tilespmem:$0x1E678] =	vst v63  }
0x3c6: {  	s4 =	sadd.s32 $0x0, s4;
	s6 =	simm.s32 @!p2 $0xE4B8;
	s7 =	sadd.s32 @!p2 s1, s7  }
.LBB2_63:
0x3c7: {  	[hbm4b:s7+s5] =	stream.linear.scatter @!p2 [tilespmem:s6], [sflag:$0x7], $0x80, $0x38;
	[tilespmem:$0x1E678] =	vst v63  }
0x3c8: {  	s0 =	sadd.s32 $0xFFFFFFFF, s0;
	s6 =	smov.u32 s2;
	v0 =	vld.msk [tilespmem:s3+$0x0], $0x1  }
0x3c9: {  	p1 =	sne.s32 s0, $0x0;
	_ =	sdelay $0x3  }
0x3ca: {  	(v2sf) =	vpush v0, $0x0;
	_ =	sdelay $0xe  }
0x3cb: {  	s2 =	sadd.s32 $0x100, s2;
	s8 =	simm.s32 $0x0;
	s5 =	spop (v2sf)  }
.Ltmp51:
0x3cc: {  	s3 =	sadd.s32 $0x1, s3;
	p2 =	sgt.u32 s5, $0x4E170;
	(pc) =	sbr.rel @p1 .LBB2_63-.Ltmp51, $4  }
0x3cd: {  	s8 =	simm.s32 @!p2 $0x400;
	s7 =	sand.u32 @!p2 $0x7FFF8, s5;
	s9 =	sadd.s32 @!p2 $0x80, s5  }
0x3ce: {  	s5 =	sand.u32 @!p2 $0x7, s5;
	s7 =	sadd.s32 @!p2 s1, s7;
	s9 =	sand.u32 @!p2 $0xFFFF8, s9  }
0x3cf: {  	[hbm4b:s7+s5] =	stream.linear.scatter @!p2 [tilespmem:s6], [sflag:$0x7], $0x80, $0x38;
	[tilespmem:$0x1E678] =	vst v63  }
0x3d0: {  	s4 =	sadd.s32 s4, s8;
	s6 =	sadd.s32 @!p2 $0x80, s6;
	s7 =	sadd.s32 @!p2 s1, s9  }
.LBB2_64:
0x3d1: {  	[hbm4b:s7+s5] =	stream.linear.scatter @!p2 [tilespmem:s6], [sflag:$0x7], $0x80, $0x38;
	[tilespmem:$0x1E678] =	vst v63  }
0x3d2: {  	s4 =	sshrl.u32 s4, $0x2  }
.LBB2_65:
0x3d3: {  	s0 =	simm.s32 $0x7  }
0x3d4: {  	_ =	swait.ge [sflag:s0], s4  }
0x3d5: {  	s1 =	ssub.s32 $0x0, s4;
	[sflag:s0] =	ssyncset.done $0x0  }
0x3d6: {  	[sflag:s0] =	ssyncadd.s32 s1  }
0x3d7: {  	[sflag:s0] =	ssyncpa.u1 $0x1  }
.LBB2_66:
0x3d8: {  	_ =	sfence;
	s0 =	simm.s32 $0x1  }
0x3d9: {  	[sflag:s0] =	ssyncpa.u1 $0x1  }
0x3da: {  	_ =	strace $0x9000004D  }
0x3db: {  	[bflag:$0x2] =	sbarrier.arrive $0xFFFF  }
0x3dc: {  	s0 =	rddreg [dreg:$0x3]  }
0x3dd: {  	s0 =	sadd.s32 @!p0 $0x100000, s0  }
0x3de: {  	[sflag:s0] =	ssyncadd.tile.s32 @!p0 $0x1;
	_ =	shalt  }
.Lfunc_end2:
_tile_overlayer_lowered:
.L_overlay_start_2:
0x3df: {  	(tag) =	ssettag $0x2  }
0x3e0: {  	s0 =	rddreg [dreg:$0x0];
	s2 =	stileid.u32  }
0x3e1: {  	s1 =	rddreg [dreg:$0x1];
	p0 =	sne.s32 s2, $0x0  }
0x3e2: {  	s3 =	rddreg [dreg:$0x2];
	[bflag:$0x3] =	sbarrier.arrive $0xFFFF;
	s2 =	simm.s32 @!p0 $0x1C01  }
0x3e3: {  	[timem:s3], [sflag:s2] =	dma.local @!p0 [hbm:s0], s1  }
0x3e4: {  	s0 =	simm.s32 @!p0 $0x1  }
0x3e5: {  	_ =	swait.ge @!p0 [sflag:s0], s1  }
0x3e6: {  	s1 =	ssub.s32 @!p0 $0x0, s1;
	[sflag:s0] =	ssyncset.done @!p0 $0x0  }
0x3e7: {  	[sflag:s0] =	ssyncadd.s32 @!p0 s1  }
0x3e8: {  	[bflag:$0x3] =	sbarrier.arrive $0xFFFF  }
0x3e9: {  	_ =	shalt  }

</sc_bundles>
